<compile_context>
chip_gen: v7x
topology: tpu7x:2x2x1
jax: 0.10.2.dev20260603
libtpu: 0.0.44.dev20260713+nightly
codegen_flags: <defaults>
</compile_context>

<pallas_src>
import functools

import jax
import jax.numpy as jnp
from jax.experimental import pallas as pl
from jax.experimental.pallas import tpu as pltpu

IOU_THR = 0.4
OUT_THRESH = 0.1
KPAD = 1024
ONE_BITS = 0x3F800000


def _heat_kernel(hm_ref, out_ref, thr_ref, K):
    x = hm_ref[...]
    s = 1.0 / (1.0 + jnp.exp(-x))
    s = jnp.clip(s, 1e-4, 1.0 - 1e-4)
    z = jnp.zeros_like(s[:, :, :1])
    xl = jnp.concatenate([s[:, :, 1:], z], axis=2)
    xr = jnp.concatenate([z, s[:, :, :-1]], axis=2)
    m = jnp.maximum(jnp.maximum(xl, xr), s)
    zr = jnp.zeros_like(m[:, :1, :])
    mu = jnp.concatenate([m[:, 1:, :], zr], axis=1)
    md = jnp.concatenate([zr, m[:, :-1, :]], axis=1)
    hmax = jnp.maximum(jnp.maximum(mu, md), m)
    sup = s * (hmax == s).astype(jnp.float32)
    out_ref[...] = sup

    B = sup.shape[0]
    bits = jax.lax.bitcast_convert_type(sup, jnp.int32)

    def bs_body(_, lohi):
        lo, hi = lohi
        mid = (lo + hi) // 2
        cnt = jnp.sum((bits >= mid).astype(jnp.int32), axis=(1, 2),
                      keepdims=True)
        ok = cnt >= K
        return jnp.where(ok, mid, lo), jnp.where(ok, hi, mid)

    lo0 = jnp.zeros((B, 1, 1), jnp.int32)
    hi0 = jnp.full((B, 1, 1), ONE_BITS, jnp.int32)
    lo, _ = jax.lax.fori_loop(0, 30, bs_body, (lo0, hi0))
    vk = jax.lax.bitcast_convert_type(lo, jnp.float32)
    thr_ref[...] = jnp.maximum(vk, OUT_THRESH).reshape(B, 1)


def _compact_kernel(sv_ref, rx_ref, ry_ref, bw_ref, bh_ref, thr_ref,
                    ds_o, drx_o, dry_o, dbw_o, dbh_o, dix_o, acc_ref):
    B, R, L = sv_ref.shape
    sv = sv_ref[...]
    thr = thr_ref[...].reshape(B, 1, 1)
    mask = sv >= thr
    mi = mask.astype(jnp.int32)
    M = mi
    sh = 1
    while sh < R:
        zpad = jnp.zeros((B, sh, L), jnp.int32)
        M = M + jnp.concatenate([zpad, M[:, :-sh, :]], axis=1)
        sh *= 2
    cnt = M[:, R - 1, :]
    jmax = jnp.max(cnt)
    wl = mi
    sh = 1
    while sh < L:
        zpad2 = jnp.zeros((B, R, sh), jnp.int32)
        wl = wl + jnp.concatenate([zpad2, wl[:, :, :-sh]], axis=2)
        sh *= 2
    wl = wl - mi
    rowcnt = jnp.sum(mi, axis=2, keepdims=True)
    rb = rowcnt
    sh = 1
    while sh < R:
        zpad3 = jnp.zeros((B, sh, 1), jnp.int32)
        rb = rb + jnp.concatenate([zpad3, rb[:, :-sh, :]], axis=1)
        sh *= 2
    rb = rb - rowcnt
    dmap = (rb + wl).astype(jnp.float32)

    r3 = jax.lax.broadcasted_iota(jnp.int32, (B, R, L), 1)
    l3 = jax.lax.broadcasted_iota(jnp.int32, (B, R, L), 2)
    lin = (r3 * L + l3).astype(jnp.float32)
    eye = (jax.lax.broadcasted_iota(jnp.int32, (B, B), 0) ==
           jax.lax.broadcasted_iota(jnp.int32, (B, B), 1)).astype(jnp.float32)
    kio = jax.lax.broadcasted_iota(jnp.int32, (1, KPAD), 1).astype(jnp.float32)
    dn = (((0,), (0,)), ((), ()))

    acc_ref[...] = jnp.zeros_like(acc_ref)

    def body(j, carry):
        sel = mask & (M == j + 1)

        def rv(p):
            return jnp.sum(jnp.where(sel, p, 0.0), axis=1)

        rs, rrx, rry, rbw, rbh, rlin = (rv(sv), rv(rx_ref[...]),
                                        rv(ry_ref[...]), rv(bw_ref[...]),
                                        rv(bh_ref[...]), rv(lin))
        d = rv(dmap)
        dT = jax.lax.dot_general(d, eye, dn,
                                 preferred_element_type=jnp.float32,
                                 precision=jax.lax.Precision.HIGHEST)
        for b in range(B):
            onehot = (jnp.abs(dT[:, b:b + 1] - kio) < 0.5).astype(jnp.float32)
            P = jnp.concatenate([rs[b:b + 1], rrx[b:b + 1], rry[b:b + 1],
                                 rbw[b:b + 1], rbh[b:b + 1], rlin[b:b + 1]],
                                axis=0)
            res = jnp.dot(P, onehot, preferred_element_type=jnp.float32,
                          precision=jax.lax.Precision.HIGHEST)
            acc_ref[b, 0:6, :] = acc_ref[b, 0:6, :] + res
        return carry

    jax.lax.fori_loop(0, jmax, body, 0)
    ds_o[...] = acc_ref[:, 0, :]
    drx_o[...] = acc_ref[:, 1, :]
    dry_o[...] = acc_ref[:, 2, :]
    dbw_o[...] = acc_ref[:, 3, :]
    dbh_o[...] = acc_ref[:, 4, :]
    dix_o[...] = acc_ref[:, 5, :]


def _nms_kernel(sc_ref, inds_ref, rx_ref, ry_ref, bw_ref, bh_ref, cx_ref,
                cy_ref, scale_ref, x1o, y1o, x2o, y2o, sco,
                x1s, y1s, x2s, y2s, ars, kps, W, H, K):
    scores = sc_ref[...]
    inds = inds_ref[...]
    ys = (inds // W).astype(jnp.float32)
    xs = (inds % W).astype(jnp.float32)
    xs = xs + rx_ref[...]
    ys = ys + ry_ref[...]
    bw = bw_ref[...]
    bh = bh_ref[...]
    x1 = xs - bw * 0.5
    y1 = ys - bh * 0.5
    x2 = xs + bw * 0.5
    y2 = ys + bh * 0.5
    cx = cx_ref[...]
    cy = cy_ref[...]
    scale = scale_ref[...]
    x1 = (x1 - W / 2.0) * scale + cx
    x2 = (x2 - W / 2.0) * scale + cx
    y1 = (y1 - H / 2.0) * scale + cy
    y2 = (y2 - H / 2.0) * scale + cy
    x1s[...] = x1
    y1s[...] = y1
    x2s[...] = x2
    y2s[...] = y2
    ars[...] = jnp.clip(x2 - x1, 0.0) * jnp.clip(y2 - y1, 0.0)
    kps[...] = (scores >= OUT_THRESH).astype(jnp.float32)
    B = scores.shape[0]
    lane128 = jax.lax.broadcasted_iota(jnp.int32, (B, 128), 1)

    for c in range(KPAD // 128):
        CS = c * 128
        TS = KPAD - CS
        lane_tail = jax.lax.broadcasted_iota(jnp.int32, (B, TS), 1) + CS

        def body(il, carry, CS=CS, TS=TS, lane_tail=lane_tail):
            sel = lane128 == il

            def ext(ref):
                cc = ref[:, CS:CS + 128]
                return jnp.max(jnp.where(sel, cc, -3.4e38), axis=1,
                               keepdims=True)

            kx1 = ext(x1s)
            ky1 = ext(y1s)
            kx2 = ext(x2s)
            ky2 = ext(y2s)
            kar = ext(ars)
            kpi = ext(kps)
            ix1 = jnp.maximum(x1s[:, CS:], kx1)
            iy1 = jnp.maximum(y1s[:, CS:], ky1)
            ix2 = jnp.minimum(x2s[:, CS:], kx2)
            iy2 = jnp.minimum(y2s[:, CS:], ky2)
            inter = jnp.clip(ix2 - ix1, 0.0) * jnp.clip(iy2 - iy1, 0.0)
            union = jnp.maximum(ars[:, CS:] + kar - inter, 1e-6)
            sup = (kpi > 0.0) & (inter > IOU_THR * union) & (lane_tail >
                                                             CS + il)
            kps[:, CS:] = kps[:, CS:] * (1.0 - sup.astype(jnp.float32))
            return carry

        jax.lax.fori_loop(0, 128, body, 0)
    kp = kps[...]
    x1o[...] = x1 * kp
    y1o[...] = y1 * kp
    x2o[...] = x2 * kp
    y2o[...] = y2 * kp
    sco[...] = scores * kp


def kernel(hm, wh, reg, target_sizes):
    B, C, H, W = hm.shape
    K = 1000
    HW = H * W
    RPAD = 328

    heat, thr = pl.pallas_call(
        functools.partial(_heat_kernel, K=K),
        out_shape=[jax.ShapeDtypeStruct((B, H, W), jnp.float32),
                   jax.ShapeDtypeStruct((B, 1), jnp.float32)],
    )(hm.reshape(B, H, W))

    def to_grid(a):
        flat = a.reshape(B, HW)
        flat = jnp.pad(flat, ((0, 0), (0, RPAD * 128 - HW)))
        return flat.reshape(B, RPAD, 128)

    regf = reg.reshape(B, 2, HW)
    whf = wh.reshape(B, 2, HW)
    ds, drx, dry, dbw, dbh, dix = pl.pallas_call(
        _compact_kernel,
        out_shape=[jax.ShapeDtypeStruct((B, KPAD), jnp.float32)] * 6,
        scratch_shapes=[pltpu.VMEM((B, 8, KPAD), jnp.float32)],
    )(to_grid(heat), to_grid(regf[:, 0]), to_grid(regf[:, 1]),
      to_grid(whf[:, 0]), to_grid(whf[:, 1]), thr)

    scores, pos = jax.lax.top_k(ds, K)
    pad = KPAD - K

    def takep(a):
        return jnp.pad(jnp.take_along_axis(a, pos, axis=1),
                       ((0, 0), (0, pad)))

    scores = jnp.pad(scores, ((0, 0), (0, pad)))
    inds = takep(dix).astype(jnp.int32)
    rx, ry, bw, bh = takep(drx), takep(dry), takep(dbw), takep(dbh)

    ts = target_sizes.astype(jnp.float32)
    cx = ts[:, 1:2] / 2.0
    cy = ts[:, 0:1] / 2.0
    scale = jnp.maximum(ts[:, 0:1], ts[:, 1:2]) / float(W)

    out_sh = jax.ShapeDtypeStruct((B, KPAD), jnp.float32)
    scr = pltpu.VMEM((B, KPAD), jnp.float32)
    x1, y1, x2, y2, sc = pl.pallas_call(
        functools.partial(_nms_kernel, W=W, H=H, K=K),
        out_shape=[out_sh] * 5,
        scratch_shapes=[scr] * 6,
    )(scores, inds, rx, ry, bw, bh, cx, cy, scale)

    out = jnp.stack([x1[:, :K], y1[:, :K], x2[:, :K], y2[:, :K], sc[:, :K]],
                    axis=-1)
    return out

# --- scband reference (transcript-rebuilt; emitter-appended) ---
"""Pipeline reference for scband-post-process-59012850647448 (READ-ONLY COPY).

The authoritative reference and input builder live on the scoring server;
editing this copy changes nothing except your own understanding.
"""

import jax, jax.numpy as jnp
import numpy as np

B, C, H, W = 8, 1, 152, 272
K = 1000
OUT_THRESH = 0.1
IOU_THR = 0.4


def setup_inputs(seed: int = 0) -> dict:
    key = jax.random.key(seed)
    k1, k2, k3, k4 = jax.random.split(key, 4)
    hm = jax.random.normal(k1, (B, C, H, W), dtype=jnp.float32)
    # widths/heights in output-grid units; scaled so boxes overlap and NMS has work to do
    wh = jax.random.uniform(k2, (B, 2, H, W), dtype=jnp.float32) * 20.0
    reg = jax.random.uniform(k3, (B, 2, H, W), dtype=jnp.float32)
    target_sizes = jax.random.randint(k4, (B, 2), 0, 1088).astype(jnp.int32)
    return {"hm": hm, "wh": wh, "reg": reg, "target_sizes": target_sizes}


def _pairwise_iou(boxes):
    x1, y1, x2, y2 = boxes[:, 0], boxes[:, 1], boxes[:, 2], boxes[:, 3]
    area = jnp.clip(x2 - x1, 0.0) * jnp.clip(y2 - y1, 0.0)
    ix1 = jnp.maximum(x1[:, None], x1[None, :])
    iy1 = jnp.maximum(y1[:, None], y1[None, :])
    ix2 = jnp.minimum(x2[:, None], x2[None, :])
    iy2 = jnp.minimum(y2[:, None], y2[None, :])
    inter = jnp.clip(ix2 - ix1, 0.0) * jnp.clip(iy2 - iy1, 0.0)
    union = area[:, None] + area[None, :] - inter
    return inter / jnp.maximum(union, 1e-6)


def _greedy_nms(boxes, scores):
    # scores are sorted descending (output of top_k); single class so batched_nms == plain nms
    ious = _pairwise_iou(boxes)
    n = scores.shape[0]
    idx = jnp.arange(n)
    keep0 = scores >= OUT_THRESH

    def body(i, keep):
        suppress = keep[i] & (ious[i] > IOU_THR) & (idx > i)
        return keep & (~suppress)

    return jax.lax.fori_loop(0, n, body, keep0)


def reference(hm, wh, reg, target_sizes):
    # _sigmoid: clamped sigmoid on heatmap
    heat = jnp.clip(jax.nn.sigmoid(hm), 1e-4, 1.0 - 1e-4)
    # generic_decode: 3x3 local-max suppression on heatmap
    hmax = jax.lax.reduce_window(heat, -jnp.inf, jax.lax.max, (1, 1, 3, 3), (1, 1, 1, 1), "SAME")
    heat = heat * (hmax == heat).astype(heat.dtype)
    # top-K over flattened class*spatial map (C==1)
    scores, inds = jax.lax.top_k(heat.reshape(B, -1), K)
    inds = inds % (H * W)
    ys = (inds // W).astype(jnp.float32)
    xs = (inds % W).astype(jnp.float32)
    regf = reg.reshape(B, 2, H * W)
    whf = wh.reshape(B, 2, H * W)
    xs = xs + jnp.take_along_axis(regf[:, 0], inds, axis=1)
    ys = ys + jnp.take_along_axis(regf[:, 1], inds, axis=1)
    bw = jnp.take_along_axis(whf[:, 0], inds, axis=1)
    bh = jnp.take_along_axis(whf[:, 1], inds, axis=1)
    x1 = xs - bw / 2.0
    y1 = ys - bh / 2.0
    x2 = xs + bw / 2.0
    y2 = ys + bh / 2.0
    # generic_post_process / transform_preds: map output-grid coords back to image coords
    ts = target_sizes.astype(jnp.float32)
    himg = ts[:, 0:1]
    wimg = ts[:, 1:2]
    cx = wimg / 2.0
    cy = himg / 2.0
    s = jnp.maximum(himg, wimg)  # max_crop=True -> scalar scale
    scale = s / float(W)
    x1 = (x1 - W / 2.0) * scale + cx
    x2 = (x2 - W / 2.0) * scale + cx
    y1 = (y1 - H / 2.0) * scale + cy
    y2 = (y2 - H / 2.0) * scale + cy
    boxes = jnp.stack([x1, y1, x2, y2], axis=-1)  # [B, K, 4]
    # score-threshold filter + greedy NMS (iou 0.4) per image
    keep = jax.vmap(_greedy_nms)(boxes, scores)
    keepf = keep.astype(jnp.float32)
    out = jnp.concatenate([boxes * keepf[..., None], (scores * keepf)[..., None]], axis=-1)
    return out  # [B, K, 5] = kept boxes (x1,y1,x2,y2) + kept scores, zeros where suppressed

if __name__ == "__main__":
    import jax
    _d = setup_inputs()
    print(jax.jit(kernel)(*tuple(_d.values())))

</pallas_src>

<mosaic_0001>
module attributes {stable_mosaic.version = 14 : i64} {
  func.func @_heat_kernel(%arg0: memref<8x152x272xf32, #tpu.memory_space<vmem>>, %arg1: memref<8x152x272xf32, #tpu.memory_space<vmem>>, %arg2: memref<8x1xf32, #tpu.memory_space<vmem>>) attributes {dimension_semantics = [], scalar_prefetch = 0 : i64, scratch_operands = 0 : i64, tpu.core_type = #tpu.core_type<tc>} {
    %get3A = arith.constant 0 : index
    %get3A_0 = arith.constant 0 : index
    %get3A_1 = arith.constant 0 : index
    %get3A_2 = vector.load %arg0[%get3A, %get3A_0, %get3A_1] : memref<8x152x272xf32, #tpu.memory_space<vmem>>, vector<8x152x272xf32>
    %neg3A = arith.constant 0.000000e+00 : f32
    %neg3A_3 = vector.broadcast %neg3A : f32 to vector<8x152x272xf32>
    %neg3A_4 = arith.subf %neg3A_3, %get3A_2 : vector<8x152x272xf32>
    %exp3A = math.exp %neg3A_4 : vector<8x152x272xf32>
    %add3A = arith.constant 1.000000e+00 : f32
    %add3A_5 = vector.broadcast %add3A : f32 to vector<8x152x272xf32>
    %add3A_6 = arith.addf %add3A_5, %exp3A : vector<8x152x272xf32>
    %div3A = arith.constant 1.000000e+00 : f32
    %div3A_7 = vector.broadcast %div3A : f32 to vector<8x152x272xf32>
    %div3A_8 = arith.divf %div3A_7, %add3A_6 : vector<8x152x272xf32>
    %jit3A = arith.constant 9.99999974E-5 : f32
    %jit3A_9 = arith.constant 0.999899983 : f32
    %max3A = vector.broadcast %jit3A : f32 to vector<8x152x272xf32>
    %max3A_10 = arith.maximumf %max3A, %div3A_8 : vector<8x152x272xf32>
    %min3A = vector.broadcast %jit3A_9 : f32 to vector<8x152x272xf32>
    %min3A_11 = arith.minimumf %min3A, %max3A_10 : vector<8x152x272xf32>
    %broadcast_in_dim3A = arith.constant 0.000000e+00 : f32
    %broadcast_in_dim3A_12 = vector.broadcast %broadcast_in_dim3A : f32 to vector<8x152x1xf32>
    %slice3A = vector.extract_strided_slice %min3A_11 {offsets = [0, 0, 1], sizes = [8, 152, 271], strides = [1, 1, 1]} : vector<8x152x272xf32> to vector<8x152x271xf32>
    %concatenate3A = tpu.concatenate %slice3A, %broadcast_in_dim3A_12 in 2 : vector<8x152x271xf32>, vector<8x152x1xf32> -> vector<8x152x272xf32>
    %slice3A_13 = vector.extract_strided_slice %min3A_11 {offsets = [0, 0, 0], sizes = [8, 152, 271], strides = [1, 1, 1]} : vector<8x152x272xf32> to vector<8x152x271xf32>
    %concatenate3A_14 = tpu.concatenate %broadcast_in_dim3A_12, %slice3A_13 in 2 : vector<8x152x1xf32>, vector<8x152x271xf32> -> vector<8x152x272xf32>
    %max3A_15 = arith.maximumf %concatenate3A, %concatenate3A_14 : vector<8x152x272xf32>
    %max3A_16 = arith.maximumf %max3A_15, %min3A_11 : vector<8x152x272xf32>
    %broadcast_in_dim3A_17 = arith.constant 0.000000e+00 : f32
    %broadcast_in_dim3A_18 = vector.broadcast %broadcast_in_dim3A_17 : f32 to vector<8x1x272xf32>
    %slice3A_19 = vector.extract_strided_slice %max3A_16 {offsets = [0, 1, 0], sizes = [8, 151, 272], strides = [1, 1, 1]} : vector<8x152x272xf32> to vector<8x151x272xf32>
    %concatenate3A_20 = tpu.concatenate %slice3A_19, %broadcast_in_dim3A_18 in 1 : vector<8x151x272xf32>, vector<8x1x272xf32> -> vector<8x152x272xf32>
    %slice3A_21 = vector.extract_strided_slice %max3A_16 {offsets = [0, 0, 0], sizes = [8, 151, 272], strides = [1, 1, 1]} : vector<8x152x272xf32> to vector<8x151x272xf32>
    %concatenate3A_22 = tpu.concatenate %broadcast_in_dim3A_18, %slice3A_21 in 1 : vector<8x1x272xf32>, vector<8x151x272xf32> -> vector<8x152x272xf32>
    %max3A_23 = arith.maximumf %concatenate3A_20, %concatenate3A_22 : vector<8x152x272xf32>
    %max3A_24 = arith.maximumf %max3A_23, %max3A_16 : vector<8x152x272xf32>
    %eq3A = arith.cmpf oeq, %max3A_24, %min3A_11 : vector<8x152x272xf32>
    %convert_element_type3A = arith.extui %eq3A : vector<8x152x272xi1> to vector<8x152x272xi32>
    %convert_element_type3A_25 = arith.sitofp %convert_element_type3A : vector<8x152x272xi32> to vector<8x152x272xf32>
    %mul3A = arith.mulf %min3A_11, %convert_element_type3A_25 : vector<8x152x272xf32>
    %swap3A = arith.constant 0 : index
    %swap3A_26 = arith.constant 0 : index
    %swap3A_27 = arith.constant 0 : index
    %swap3A_28 = vector.load %arg1[%swap3A, %swap3A_26, %swap3A_27] : memref<8x152x272xf32, #tpu.memory_space<vmem>>, vector<8x152x272xf32>
    tpu.vector_store %arg1[%swap3A, %swap3A_26, %swap3A_27], %mul3A {strides = array<i32>} : memref<8x152x272xf32, #tpu.memory_space<vmem>>, vector<8x152x272xf32>,
    %bitcast_convert_type3A = tpu.bitcast %mul3A : vector<8x152x272xf32> -> vector<8x152x272xi32>
    %broadcast_in_dim3A_29 = arith.constant 0 : i32
    %broadcast_in_dim3A_30 = vector.broadcast %broadcast_in_dim3A_29 : i32 to vector<8x1x1xi32>
    %broadcast_in_dim3A_31 = arith.constant 1065353216 : i32
    %broadcast_in_dim3A_32 = vector.broadcast %broadcast_in_dim3A_31 : i32 to vector<8x1x1xi32>
    %scan3A = arith.constant 0 : i32
    %scan3A_33 = arith.constant 30 : i32
    %scan3A_34 = arith.addi %scan3A, %scan3A_33 : i32
    %scan3A_35 = arith.constant 1 : i32
    %scan3A_36:2 = scf.for %scan3A_44 = %scan3A to %scan3A_34 step %scan3A_35 iter_args(%scan3A_45 = %broadcast_in_dim3A_30, %scan3A_46 = %broadcast_in_dim3A_32) -> (vector<8x1x1xi32>, vector<8x1x1xi32>)  : i32 {
      %add3A_47 = arith.addi %scan3A_45, %scan3A_46 : vector<8x1x1xi32>
      %jit3A_48 = arith.constant 2 : i32
      %div3A_49 = vector.broadcast %jit3A_48 : i32 to vector<8x1x1xi32>
      %div3A_50 = arith.divsi %add3A_47, %div3A_49 : vector<8x1x1xi32>
      %sign3A = arith.constant 0 : i32
      %sign3A_51 = vector.broadcast %sign3A : i32 to vector<8x1x1xi32>
      %sign3A_52 = arith.cmpi sgt, %add3A_47, %sign3A_51 : vector<8x1x1xi32>
      %sign3A_53 = arith.extui %sign3A_52 : vector<8x1x1xi1> to vector<8x1x1xi32>
      %sign3A_54 = arith.constant 0 : i32
      %sign3A_55 = vector.broadcast %sign3A_54 : i32 to vector<8x1x1xi32>
      %sign3A_56 = arith.cmpi slt, %add3A_47, %sign3A_55 : vector<8x1x1xi32>
      %sign3A_57 = arith.extui %sign3A_56 : vector<8x1x1xi1> to vector<8x1x1xi32>
      %sign3A_58 = arith.subi %sign3A_53, %sign3A_57 : vector<8x1x1xi32>
      %sign3A_59 = arith.constant 0 : i32
      %sign3A_60 = arith.cmpi sgt, %jit3A_48, %sign3A_59 : i32
      %sign3A_61 = arith.extui %sign3A_60 : i1 to i32
      %sign3A_62 = arith.constant 0 : i32
      %sign3A_63 = arith.cmpi slt, %jit3A_48, %sign3A_62 : i32
      %sign3A_64 = arith.extui %sign3A_63 : i1 to i32
      %sign3A_65 = arith.subi %sign3A_61, %sign3A_64 : i32
      %ne3A = vector.broadcast %sign3A_65 : i32 to vector<8x1x1xi32>
      %ne3A_66 = arith.cmpi ne, %sign3A_58, %ne3A : vector<8x1x1xi32>
      %rem3A = vector.broadcast %jit3A_48 : i32 to vector<8x1x1xi32>
      %rem3A_67 = arith.remsi %add3A_47, %rem3A : vector<8x1x1xi32>
      %ne3A_68 = arith.constant 0 : i32
      %ne3A_69 = vector.broadcast %ne3A_68 : i32 to vector<8x1x1xi32>
      %ne3A_70 = arith.cmpi ne, %rem3A_67, %ne3A_69 : vector<8x1x1xi32>
      %and3A = arith.andi %ne3A_66, %ne3A_70 : vector<8x1x1xi1>
      %sub3A = arith.constant 1 : i32
      %sub3A_71 = vector.broadcast %sub3A : i32 to vector<8x1x1xi32>
      %sub3A_72 = arith.subi %div3A_50, %sub3A_71 : vector<8x1x1xi32>
      %select_n3A = arith.select %and3A, %sub3A_72, %div3A_50 : vector<8x1x1xi1>, vector<8x1x1xi32>
      %ge3A = vector.broadcast %select_n3A : vector<8x1x1xi32> to vector<8x152x272xi32>
      %ge3A_73 = arith.cmpi sge, %bitcast_convert_type3A, %ge3A : vector<8x152x272xi32>
      %convert_element_type3A_74 = arith.extui %ge3A_73 : vector<8x152x272xi1> to vector<8x152x272xi32>
      %reduce_sum3A = arith.constant dense<0> : vector<8xi32>
      %reduce_sum3A_75 = vector.multi_reduction <add>, %convert_element_type3A_74, %reduce_sum3A [1, 2] : vector<8x152x272xi32> to vector<8xi32>
      %broadcast_in_dim3A_76 = vector.shape_cast %reduce_sum3A_75 : vector<8xi32> to vector<8x1x1xi32>
      %ge3A_77 = arith.constant 1000 : i32
      %ge3A_78 = vector.broadcast %ge3A_77 : i32 to vector<8x1x1xi32>
      %ge3A_79 = arith.cmpi sge, %broadcast_in_dim3A_76, %ge3A_78 : vector<8x1x1xi32>
      %select_n3A_80 = arith.select %ge3A_79, %select_n3A, %scan3A_45 : vector<8x1x1xi1>, vector<8x1x1xi32>
      %select_n3A_81 = arith.select %ge3A_79, %scan3A_46, %select_n3A : vector<8x1x1xi1>, vector<8x1x1xi32>
      scf.yield %select_n3A_80, %select_n3A_81 : vector<8x1x1xi32>, vector<8x1x1xi32>
    }
    %bitcast_convert_type3A_37 = tpu.bitcast %scan3A_36#0 : vector<8x1x1xi32> -> vector<8x1x1xf32>
    %max3A_38 = arith.constant 1.000000e-01 : f32
    %max3A_39 = vector.broadcast %max3A_38 : f32 to vector<8x1x1xf32>
    %max3A_40 = arith.maximumf %bitcast_convert_type3A_37, %max3A_39 : vector<8x1x1xf32>
    %reshape3A = vector.shape_cast %max3A_40 : vector<8x1x1xf32> to vector<8x1xf32>
    %swap3A_41 = arith.constant 0 : index
    %swap3A_42 = arith.constant 0 : index
    %swap3A_43 = vector.load %arg2[%swap3A_41, %swap3A_42] : memref<8x1xf32, #tpu.memory_space<vmem>>, vector<8x1xf32>
    tpu.vector_store %arg2[%swap3A_41, %swap3A_42], %reshape3A {strides = array<i32>} : memref<8x1xf32, #tpu.memory_space<vmem>>, vector<8x1xf32>,
    return
  }
}

module attributes {stable_mosaic.version = 14 : i64} {
  func.func @_compact_kernel(%arg0: memref<8x328x128xf32, #tpu.memory_space<vmem>>, %arg1: memref<8x328x128xf32, #tpu.memory_space<vmem>>, %arg2: memref<8x328x128xf32, #tpu.memory_space<vmem>>, %arg3: memref<8x328x128xf32, #tpu.memory_space<vmem>>, %arg4: memref<8x328x128xf32, #tpu.memory_space<vmem>>, %arg5: memref<8x1xf32, #tpu.memory_space<vmem>>, %arg6: memref<8x1024xf32, #tpu.memory_space<vmem>>, %arg7: memref<8x1024xf32, #tpu.memory_space<vmem>>, %arg8: memref<8x1024xf32, #tpu.memory_space<vmem>>, %arg9: memref<8x1024xf32, #tpu.memory_space<vmem>>, %arg10: memref<8x1024xf32, #tpu.memory_space<vmem>>, %arg11: memref<8x1024xf32, #tpu.memory_space<vmem>>, %arg12: memref<8x8x1024xf32, #tpu.memory_space<vmem>>) attributes {dimension_semantics = [], scalar_prefetch = 0 : i64, scratch_operands = 1 : i64, tpu.core_type = #tpu.core_type<tc>} {
    %get3A = arith.constant 0 : index
    %get3A_0 = arith.constant 0 : index
    %get3A_1 = arith.constant 0 : index
    %get3A_2 = vector.load %arg0[%get3A, %get3A_0, %get3A_1] : memref<8x328x128xf32, #tpu.memory_space<vmem>>, vector<8x328x128xf32>
    %get3A_3 = arith.constant 0 : index
    %get3A_4 = arith.constant 0 : index
    %get3A_5 = vector.load %arg5[%get3A_3, %get3A_4] : memref<8x1xf32, #tpu.memory_space<vmem>>, vector<8x1xf32>
    %reshape3A = vector.shape_cast %get3A_5 : vector<8x1xf32> to vector<8x1x1xf32>
    %ge3A = vector.broadcast %reshape3A : vector<8x1x1xf32> to vector<8x328x128xf32>
    %ge3A_6 = arith.cmpf oge, %get3A_2, %ge3A : vector<8x328x128xf32>
    %convert_element_type3A = arith.extui %ge3A_6 : vector<8x328x128xi1> to vector<8x328x128xi32>
    %broadcast_in_dim3A = arith.constant 0 : i32
    %broadcast_in_dim3A_7 = vector.broadcast %broadcast_in_dim3A : i32 to vector<8x1x128xi32>
    %slice3A = vector.extract_strided_slice %convert_element_type3A {offsets = [0, 0, 0], sizes = [8, 327, 128], strides = [1, 1, 1]} : vector<8x328x128xi32> to vector<8x327x128xi32>
    %concatenate3A = tpu.concatenate %broadcast_in_dim3A_7, %slice3A in 1 : vector<8x1x128xi32>, vector<8x327x128xi32> -> vector<8x328x128xi32>
    %add3A = arith.addi %convert_element_type3A, %concatenate3A : vector<8x328x128xi32>
    %broadcast_in_dim3A_8 = arith.constant 0 : i32
    %broadcast_in_dim3A_9 = vector.broadcast %broadcast_in_dim3A_8 : i32 to vector<8x2x128xi32>
    %slice3A_10 = vector.extract_strided_slice %add3A {offsets = [0, 0, 0], sizes = [8, 326, 128], strides = [1, 1, 1]} : vector<8x328x128xi32> to vector<8x326x128xi32>
    %concatenate3A_11 = tpu.concatenate %broadcast_in_dim3A_9, %slice3A_10 in 1 : vector<8x2x128xi32>, vector<8x326x128xi32> -> vector<8x328x128xi32>
    %add3A_12 = arith.addi %add3A, %concatenate3A_11 : vector<8x328x128xi32>
    %broadcast_in_dim3A_13 = arith.constant 0 : i32
    %broadcast_in_dim3A_14 = vector.broadcast %broadcast_in_dim3A_13 : i32 to vector<8x4x128xi32>
    %slice3A_15 = vector.extract_strided_slice %add3A_12 {offsets = [0, 0, 0], sizes = [8, 324, 128], strides = [1, 1, 1]} : vector<8x328x128xi32> to vector<8x324x128xi32>
    %concatenate3A_16 = tpu.concatenate %broadcast_in_dim3A_14, %slice3A_15 in 1 : vector<8x4x128xi32>, vector<8x324x128xi32> -> vector<8x328x128xi32>
    %add3A_17 = arith.addi %add3A_12, %concatenate3A_16 : vector<8x328x128xi32>
    %broadcast_in_dim3A_18 = arith.constant 0 : i32
    %broadcast_in_dim3A_19 = vector.broadcast %broadcast_in_dim3A_18 : i32 to vector<8x8x128xi32>
    %slice3A_20 = vector.extract_strided_slice %add3A_17 {offsets = [0, 0, 0], sizes = [8, 320, 128], strides = [1, 1, 1]} : vector<8x328x128xi32> to vector<8x320x128xi32>
    %concatenate3A_21 = tpu.concatenate %broadcast_in_dim3A_19, %slice3A_20 in 1 : vector<8x8x128xi32>, vector<8x320x128xi32> -> vector<8x328x128xi32>
    %add3A_22 = arith.addi %add3A_17, %concatenate3A_21 : vector<8x328x128xi32>
    %broadcast_in_dim3A_23 = arith.constant 0 : i32
    %broadcast_in_dim3A_24 = vector.broadcast %broadcast_in_dim3A_23 : i32 to vector<8x16x128xi32>
    %slice3A_25 = vector.extract_strided_slice %add3A_22 {offsets = [0, 0, 0], sizes = [8, 312, 128], strides = [1, 1, 1]} : vector<8x328x128xi32> to vector<8x312x128xi32>
    %concatenate3A_26 = tpu.concatenate %broadcast_in_dim3A_24, %slice3A_25 in 1 : vector<8x16x128xi32>, vector<8x312x128xi32> -> vector<8x328x128xi32>
    %add3A_27 = arith.addi %add3A_22, %concatenate3A_26 : vector<8x328x128xi32>
    %broadcast_in_dim3A_28 = arith.constant 0 : i32
    %broadcast_in_dim3A_29 = vector.broadcast %broadcast_in_dim3A_28 : i32 to vector<8x32x128xi32>
    %slice3A_30 = vector.extract_strided_slice %add3A_27 {offsets = [0, 0, 0], sizes = [8, 296, 128], strides = [1, 1, 1]} : vector<8x328x128xi32> to vector<8x296x128xi32>
    %concatenate3A_31 = tpu.concatenate %broadcast_in_dim3A_29, %slice3A_30 in 1 : vector<8x32x128xi32>, vector<8x296x128xi32> -> vector<8x328x128xi32>
    %add3A_32 = arith.addi %add3A_27, %concatenate3A_31 : vector<8x328x128xi32>
    %broadcast_in_dim3A_33 = arith.constant 0 : i32
    %broadcast_in_dim3A_34 = vector.broadcast %broadcast_in_dim3A_33 : i32 to vector<8x64x128xi32>
    %slice3A_35 = vector.extract_strided_slice %add3A_32 {offsets = [0, 0, 0], sizes = [8, 264, 128], strides = [1, 1, 1]} : vector<8x328x128xi32> to vector<8x264x128xi32>
    %concatenate3A_36 = tpu.concatenate %broadcast_in_dim3A_34, %slice3A_35 in 1 : vector<8x64x128xi32>, vector<8x264x128xi32> -> vector<8x328x128xi32>
    %add3A_37 = arith.addi %add3A_32, %concatenate3A_36 : vector<8x328x128xi32>
    %broadcast_in_dim3A_38 = arith.constant 0 : i32
    %broadcast_in_dim3A_39 = vector.broadcast %broadcast_in_dim3A_38 : i32 to vector<8x128x128xi32>
    %slice3A_40 = vector.extract_strided_slice %add3A_37 {offsets = [0, 0, 0], sizes = [8, 200, 128], strides = [1, 1, 1]} : vector<8x328x128xi32> to vector<8x200x128xi32>
    %concatenate3A_41 = tpu.concatenate %broadcast_in_dim3A_39, %slice3A_40 in 1 : vector<8x128x128xi32>, vector<8x200x128xi32> -> vector<8x328x128xi32>
    %add3A_42 = arith.addi %add3A_37, %concatenate3A_41 : vector<8x328x128xi32>
    %broadcast_in_dim3A_43 = arith.constant 0 : i32
    %broadcast_in_dim3A_44 = vector.broadcast %broadcast_in_dim3A_43 : i32 to vector<8x256x128xi32>
    %slice3A_45 = vector.extract_strided_slice %add3A_42 {offsets = [0, 0, 0], sizes = [8, 72, 128], strides = [1, 1, 1]} : vector<8x328x128xi32> to vector<8x72x128xi32>
    %concatenate3A_46 = tpu.concatenate %broadcast_in_dim3A_44, %slice3A_45 in 1 : vector<8x256x128xi32>, vector<8x72x128xi32> -> vector<8x328x128xi32>
    %add3A_47 = arith.addi %add3A_42, %concatenate3A_46 : vector<8x328x128xi32>
    %slice3A_48 = vector.extract_strided_slice %add3A_47 {offsets = [0, 327, 0], sizes = [8, 1, 128], strides = [1, 1, 1]} : vector<8x328x128xi32> to vector<8x1x128xi32>
    %squeeze3A = vector.shape_cast %slice3A_48 : vector<8x1x128xi32> to vector<8x128xi32>
    %reduce_max3A = vector.shape_cast %squeeze3A : vector<8x128xi32> to vector<1x8x128xi32>
    %reduce_max3A_49 = arith.constant dense<-2147483648> : vector<1xi32>
    %reduce_max3A_50 = vector.multi_reduction <maxsi>, %reduce_max3A, %reduce_max3A_49 [1, 2] : vector<1x8x128xi32> to vector<1xi32>
    %reduce_max3A_51 = vector.shape_cast %reduce_max3A_50 : vector<1xi32> to vector<1x1x1xi32>
    %reduce_max3A_52 = vector.extract %reduce_max3A_51[0, 0, 0] : i32 from vector<1x1x1xi32>
    %broadcast_in_dim3A_53 = arith.constant 0 : i32
    %broadcast_in_dim3A_54 = vector.broadcast %broadcast_in_dim3A_53 : i32 to vector<8x328x1xi32>
    %slice3A_55 = vector.extract_strided_slice %convert_element_type3A {offsets = [0, 0, 0], sizes = [8, 328, 127], strides = [1, 1, 1]} : vector<8x328x128xi32> to vector<8x328x127xi32>
    %concatenate3A_56 = tpu.concatenate %broadcast_in_dim3A_54, %slice3A_55 in 2 : vector<8x328x1xi32>, vector<8x328x127xi32> -> vector<8x328x128xi32>
    %add3A_57 = arith.addi %convert_element_type3A, %concatenate3A_56 : vector<8x328x128xi32>
    %broadcast_in_dim3A_58 = arith.constant 0 : i32
    %broadcast_in_dim3A_59 = vector.broadcast %broadcast_in_dim3A_58 : i32 to vector<8x328x2xi32>
    %slice3A_60 = vector.extract_strided_slice %add3A_57 {offsets = [0, 0, 0], sizes = [8, 328, 126], strides = [1, 1, 1]} : vector<8x328x128xi32> to vector<8x328x126xi32>
    %concatenate3A_61 = tpu.concatenate %broadcast_in_dim3A_59, %slice3A_60 in 2 : vector<8x328x2xi32>, vector<8x328x126xi32> -> vector<8x328x128xi32>
    %add3A_62 = arith.addi %add3A_57, %concatenate3A_61 : vector<8x328x128xi32>
    %broadcast_in_dim3A_63 = arith.constant 0 : i32
    %broadcast_in_dim3A_64 = vector.broadcast %broadcast_in_dim3A_63 : i32 to vector<8x328x4xi32>
    %slice3A_65 = vector.extract_strided_slice %add3A_62 {offsets = [0, 0, 0], sizes = [8, 328, 124], strides = [1, 1, 1]} : vector<8x328x128xi32> to vector<8x328x124xi32>
    %concatenate3A_66 = tpu.concatenate %broadcast_in_dim3A_64, %slice3A_65 in 2 : vector<8x328x4xi32>, vector<8x328x124xi32> -> vector<8x328x128xi32>
    %add3A_67 = arith.addi %add3A_62, %concatenate3A_66 : vector<8x328x128xi32>
    %broadcast_in_dim3A_68 = arith.constant 0 : i32
    %broadcast_in_dim3A_69 = vector.broadcast %broadcast_in_dim3A_68 : i32 to vector<8x328x8xi32>
    %slice3A_70 = vector.extract_strided_slice %add3A_67 {offsets = [0, 0, 0], sizes = [8, 328, 120], strides = [1, 1, 1]} : vector<8x328x128xi32> to vector<8x328x120xi32>
    %concatenate3A_71 = tpu.concatenate %broadcast_in_dim3A_69, %slice3A_70 in 2 : vector<8x328x8xi32>, vector<8x328x120xi32> -> vector<8x328x128xi32>
    %add3A_72 = arith.addi %add3A_67, %concatenate3A_71 : vector<8x328x128xi32>
    %broadcast_in_dim3A_73 = arith.constant 0 : i32
    %broadcast_in_dim3A_74 = vector.broadcast %broadcast_in_dim3A_73 : i32 to vector<8x328x16xi32>
    %slice3A_75 = vector.extract_strided_slice %add3A_72 {offsets = [0, 0, 0], sizes = [8, 328, 112], strides = [1, 1, 1]} : vector<8x328x128xi32> to vector<8x328x112xi32>
    %concatenate3A_76 = tpu.concatenate %broadcast_in_dim3A_74, %slice3A_75 in 2 : vector<8x328x16xi32>, vector<8x328x112xi32> -> vector<8x328x128xi32>
    %add3A_77 = arith.addi %add3A_72, %concatenate3A_76 : vector<8x328x128xi32>
    %broadcast_in_dim3A_78 = arith.constant 0 : i32
    %broadcast_in_dim3A_79 = vector.broadcast %broadcast_in_dim3A_78 : i32 to vector<8x328x32xi32>
    %slice3A_80 = vector.extract_strided_slice %add3A_77 {offsets = [0, 0, 0], sizes = [8, 328, 96], strides = [1, 1, 1]} : vector<8x328x128xi32> to vector<8x328x96xi32>
    %concatenate3A_81 = tpu.concatenate %broadcast_in_dim3A_79, %slice3A_80 in 2 : vector<8x328x32xi32>, vector<8x328x96xi32> -> vector<8x328x128xi32>
    %add3A_82 = arith.addi %add3A_77, %concatenate3A_81 : vector<8x328x128xi32>
    %broadcast_in_dim3A_83 = arith.constant 0 : i32
    %broadcast_in_dim3A_84 = vector.broadcast %broadcast_in_dim3A_83 : i32 to vector<8x328x64xi32>
    %slice3A_85 = vector.extract_strided_slice %add3A_82 {offsets = [0, 0, 0], sizes = [8, 328, 64], strides = [1, 1, 1]} : vector<8x328x128xi32> to vector<8x328x64xi32>
    %concatenate3A_86 = tpu.concatenate %broadcast_in_dim3A_84, %slice3A_85 in 2 : vector<8x328x64xi32>, vector<8x328x64xi32> -> vector<8x328x128xi32>
    %add3A_87 = arith.addi %add3A_82, %concatenate3A_86 : vector<8x328x128xi32>
    %sub3A = arith.subi %add3A_87, %convert_element_type3A : vector<8x328x128xi32>
    %reduce_sum3A = arith.constant dense<0> : vector<8x328xi32>
    %reduce_sum3A_88 = vector.multi_reduction <add>, %convert_element_type3A, %reduce_sum3A [2] : vector<8x328x128xi32> to vector<8x328xi32>
    %broadcast_in_dim3A_89 = vector.shape_cast %reduce_sum3A_88 : vector<8x328xi32> to vector<8x328x1xi32>
    %broadcast_in_dim3A_90 = arith.constant 0 : i32
    %broadcast_in_dim3A_91 = vector.broadcast %broadcast_in_dim3A_90 : i32 to vector<8x1x1xi32>
    %slice3A_92 = vector.extract_strided_slice %broadcast_in_dim3A_89 {offsets = [0, 0, 0], sizes = [8, 327, 1], strides = [1, 1, 1]} : vector<8x328x1xi32> to vector<8x327x1xi32>
    %concatenate3A_93 = tpu.concatenate %broadcast_in_dim3A_91, %slice3A_92 in 1 : vector<8x1x1xi32>, vector<8x327x1xi32> -> vector<8x328x1xi32>
    %add3A_94 = arith.addi %broadcast_in_dim3A_89, %concatenate3A_93 : vector<8x328x1xi32>
    %broadcast_in_dim3A_95 = arith.constant 0 : i32
    %broadcast_in_dim3A_96 = vector.broadcast %broadcast_in_dim3A_95 : i32 to vector<8x2x1xi32>
    %slice3A_97 = vector.extract_strided_slice %add3A_94 {offsets = [0, 0, 0], sizes = [8, 326, 1], strides = [1, 1, 1]} : vector<8x328x1xi32> to vector<8x326x1xi32>
    %concatenate3A_98 = tpu.concatenate %broadcast_in_dim3A_96, %slice3A_97 in 1 : vector<8x2x1xi32>, vector<8x326x1xi32> -> vector<8x328x1xi32>
    %add3A_99 = arith.addi %add3A_94, %concatenate3A_98 : vector<8x328x1xi32>
    %broadcast_in_dim3A_100 = arith.constant 0 : i32
    %broadcast_in_dim3A_101 = vector.broadcast %broadcast_in_dim3A_100 : i32 to vector<8x4x1xi32>
    %slice3A_102 = vector.extract_strided_slice %add3A_99 {offsets = [0, 0, 0], sizes = [8, 324, 1], strides = [1, 1, 1]} : vector<8x328x1xi32> to vector<8x324x1xi32>
    %concatenate3A_103 = tpu.concatenate %broadcast_in_dim3A_101, %slice3A_102 in 1 : vector<8x4x1xi32>, vector<8x324x1xi32> -> vector<8x328x1xi32>
    %add3A_104 = arith.addi %add3A_99, %concatenate3A_103 : vector<8x328x1xi32>
    %broadcast_in_dim3A_105 = arith.constant 0 : i32
    %broadcast_in_dim3A_106 = vector.broadcast %broadcast_in_dim3A_105 : i32 to vector<8x8x1xi32>
    %slice3A_107 = vector.extract_strided_slice %add3A_104 {offsets = [0, 0, 0], sizes = [8, 320, 1], strides = [1, 1, 1]} : vector<8x328x1xi32> to vector<8x320x1xi32>
    %concatenate3A_108 = tpu.concatenate %broadcast_in_dim3A_106, %slice3A_107 in 1 : vector<8x8x1xi32>, vector<8x320x1xi32> -> vector<8x328x1xi32>
    %add3A_109 = arith.addi %add3A_104, %concatenate3A_108 : vector<8x328x1xi32>
    %broadcast_in_dim3A_110 = arith.constant 0 : i32
    %broadcast_in_dim3A_111 = vector.broadcast %broadcast_in_dim3A_110 : i32 to vector<8x16x1xi32>
    %slice3A_112 = vector.extract_strided_slice %add3A_109 {offsets = [0, 0, 0], sizes = [8, 312, 1], strides = [1, 1, 1]} : vector<8x328x1xi32> to vector<8x312x1xi32>
    %concatenate3A_113 = tpu.concatenate %broadcast_in_dim3A_111, %slice3A_112 in 1 : vector<8x16x1xi32>, vector<8x312x1xi32> -> vector<8x328x1xi32>
    %add3A_114 = arith.addi %add3A_109, %concatenate3A_113 : vector<8x328x1xi32>
    %broadcast_in_dim3A_115 = arith.constant 0 : i32
    %broadcast_in_dim3A_116 = vector.broadcast %broadcast_in_dim3A_115 : i32 to vector<8x32x1xi32>
    %slice3A_117 = vector.extract_strided_slice %add3A_114 {offsets = [0, 0, 0], sizes = [8, 296, 1], strides = [1, 1, 1]} : vector<8x328x1xi32> to vector<8x296x1xi32>
    %concatenate3A_118 = tpu.concatenate %broadcast_in_dim3A_116, %slice3A_117 in 1 : vector<8x32x1xi32>, vector<8x296x1xi32> -> vector<8x328x1xi32>
    %add3A_119 = arith.addi %add3A_114, %concatenate3A_118 : vector<8x328x1xi32>
    %broadcast_in_dim3A_120 = arith.constant 0 : i32
    %broadcast_in_dim3A_121 = vector.broadcast %broadcast_in_dim3A_120 : i32 to vector<8x64x1xi32>
    %slice3A_122 = vector.extract_strided_slice %add3A_119 {offsets = [0, 0, 0], sizes = [8, 264, 1], strides = [1, 1, 1]} : vector<8x328x1xi32> to vector<8x264x1xi32>
    %concatenate3A_123 = tpu.concatenate %broadcast_in_dim3A_121, %slice3A_122 in 1 : vector<8x64x1xi32>, vector<8x264x1xi32> -> vector<8x328x1xi32>
    %add3A_124 = arith.addi %add3A_119, %concatenate3A_123 : vector<8x328x1xi32>
    %broadcast_in_dim3A_125 = arith.constant 0 : i32
    %broadcast_in_dim3A_126 = vector.broadcast %broadcast_in_dim3A_125 : i32 to vector<8x128x1xi32>
    %slice3A_127 = vector.extract_strided_slice %add3A_124 {offsets = [0, 0, 0], sizes = [8, 200, 1], strides = [1, 1, 1]} : vector<8x328x1xi32> to vector<8x200x1xi32>
    %concatenate3A_128 = tpu.concatenate %broadcast_in_dim3A_126, %slice3A_127 in 1 : vector<8x128x1xi32>, vector<8x200x1xi32> -> vector<8x328x1xi32>
    %add3A_129 = arith.addi %add3A_124, %concatenate3A_128 : vector<8x328x1xi32>
    %broadcast_in_dim3A_130 = arith.constant 0 : i32
    %broadcast_in_dim3A_131 = vector.broadcast %broadcast_in_dim3A_130 : i32 to vector<8x256x1xi32>
    %slice3A_132 = vector.extract_strided_slice %add3A_129 {offsets = [0, 0, 0], sizes = [8, 72, 1], strides = [1, 1, 1]} : vector<8x328x1xi32> to vector<8x72x1xi32>
    %concatenate3A_133 = tpu.concatenate %broadcast_in_dim3A_131, %slice3A_132 in 1 : vector<8x256x1xi32>, vector<8x72x1xi32> -> vector<8x328x1xi32>
    %add3A_134 = arith.addi %add3A_129, %concatenate3A_133 : vector<8x328x1xi32>
    %sub3A_135 = arith.subi %add3A_134, %broadcast_in_dim3A_89 : vector<8x328x1xi32>
    %add3A_136 = vector.broadcast %sub3A_135 : vector<8x328x1xi32> to vector<8x328x128xi32>
    %add3A_137 = arith.addi %add3A_136, %sub3A : vector<8x328x128xi32>
    %convert_element_type3A_138 = arith.sitofp %add3A_137 : vector<8x328x128xi32> to vector<8x328x128xf32>
    %iota3A = tpu.iota {dimensions = array<i32: 1>} : vector<8x328x128xi32>
    %iota3A_139 = tpu.iota {dimensions = array<i32: 2>} : vector<8x328x128xi32>
    %mul3A = arith.constant 128 : i32
    %mul3A_140 = vector.broadcast %mul3A : i32 to vector<8x328x128xi32>
    %mul3A_141 = arith.muli %iota3A, %mul3A_140 : vector<8x328x128xi32>
    %add3A_142 = arith.addi %mul3A_141, %iota3A_139 : vector<8x328x128xi32>
    %convert_element_type3A_143 = arith.sitofp %add3A_142 : vector<8x328x128xi32> to vector<8x328x128xf32>
    %iota3A_144 = tpu.iota {dimensions = array<i32: 0>} : vector<8x8xi32>
    %iota3A_145 = tpu.iota {dimensions = array<i32: 1>} : vector<8x8xi32>
    %eq3A = arith.cmpi eq, %iota3A_144, %iota3A_145 : vector<8x8xi32>
    %convert_element_type3A_146 = arith.extui %eq3A : vector<8x8xi1> to vector<8x8xi32>
    %convert_element_type3A_147 = arith.sitofp %convert_element_type3A_146 : vector<8x8xi32> to vector<8x8xf32>
    %iota3A_148 = tpu.iota {dimensions = array<i32: 1>} : vector<1x1024xi32>
    %convert_element_type3A_149 = arith.sitofp %iota3A_148 : vector<1x1024xi32> to vector<1x1024xf32>
    %broadcast_in_dim3A_150 = arith.constant 0.000000e+00 : f32
    %broadcast_in_dim3A_151 = vector.broadcast %broadcast_in_dim3A_150 : f32 to vector<8x8x1024xf32>
    %swap3A = arith.constant 0 : index
    %swap3A_152 = arith.constant 0 : index
    %swap3A_153 = arith.constant 0 : index
    %swap3A_154 = vector.load %arg12[%swap3A, %swap3A_152, %swap3A_153] : memref<8x8x1024xf32, #tpu.memory_space<vmem>>, vector<8x8x1024xf32>
    tpu.vector_store %arg12[%swap3A, %swap3A_152, %swap3A_153], %broadcast_in_dim3A_151 {strides = array<i32>} : memref<8x8x1024xf32, #tpu.memory_space<vmem>>, vector<8x8x1024xf32>,
    %while3A = arith.constant 0 : i32
    %while3A_155 = arith.constant 0 : i32
    %while3A_156 = arith.subi %reduce_max3A_52, %while3A_155 : i32
    %while3A_157 = arith.addi %while3A_155, %while3A_156 : i32
    %while3A_158 = arith.constant 1 : i32
    %while3A_159 = arith.divsi %while3A_156, %while3A_158 : i32
    %while3A_160 = arith.muli %while3A_159, %while3A_158 : i32
    %while3A_161 = arith.addi %while3A_155, %while3A_160 : i32
    %while3A_162 = arith.constant 1 : i32
    scf.for %while3A_212 = %while3A_155 to %while3A_161 step %while3A_162  : i32 {
      %add3A_213 = arith.constant 1 : i32
      %add3A_214 = arith.addi %while3A_212, %add3A_213 : i32
      %eq3A_215 = vector.broadcast %add3A_214 : i32 to vector<8x328x128xi32>
      %eq3A_216 = arith.cmpi eq, %add3A_47, %eq3A_215 : vector<8x328x128xi32>
      %and3A = arith.andi %ge3A_6, %eq3A_216 : vector<8x328x128xi1>
      %jit3A = arith.constant 0.000000e+00 : f32
      %broadcast_in_dim3A_217 = vector.broadcast %jit3A : f32 to vector<8x328x128xf32>
      %select_n3A = arith.select %and3A, %get3A_2, %broadcast_in_dim3A_217 : vector<8x328x128xi1>, vector<8x328x128xf32>
      %reduce_sum3A_218 = arith.constant dense<0.000000e+00> : vector<8x128xf32>
      %reduce_sum3A_219 = vector.multi_reduction <add>, %select_n3A, %reduce_sum3A_218 [1] : vector<8x328x128xf32> to vector<8x128xf32>
      %get3A_220 = arith.constant 0 : index
      %get3A_221 = arith.constant 0 : index
      %get3A_222 = arith.constant 0 : index
      %get3A_223 = vector.load %arg1[%get3A_220, %get3A_221, %get3A_222] : memref<8x328x128xf32, #tpu.memory_space<vmem>>, vector<8x328x128xf32>
      %jit3A_224 = arith.constant 0.000000e+00 : f32
      %broadcast_in_dim3A_225 = vector.broadcast %jit3A_224 : f32 to vector<8x328x128xf32>
      %select_n3A_226 = arith.select %and3A, %get3A_223, %broadcast_in_dim3A_225 : vector<8x328x128xi1>, vector<8x328x128xf32>
      %reduce_sum3A_227 = arith.constant dense<0.000000e+00> : vector<8x128xf32>
      %reduce_sum3A_228 = vector.multi_reduction <add>, %select_n3A_226, %reduce_sum3A_227 [1] : vector<8x328x128xf32> to vector<8x128xf32>
      %get3A_229 = arith.constant 0 : index
      %get3A_230 = arith.constant 0 : index
      %get3A_231 = arith.constant 0 : index
      %get3A_232 = vector.load %arg2[%get3A_229, %get3A_230, %get3A_231] : memref<8x328x128xf32, #tpu.memory_space<vmem>>, vector<8x328x128xf32>
      %jit3A_233 = arith.constant 0.000000e+00 : f32
      %broadcast_in_dim3A_234 = vector.broadcast %jit3A_233 : f32 to vector<8x328x128xf32>
      %select_n3A_235 = arith.select %and3A, %get3A_232, %broadcast_in_dim3A_234 : vector<8x328x128xi1>, vector<8x328x128xf32>
      %reduce_sum3A_236 = arith.constant dense<0.000000e+00> : vector<8x128xf32>
      %reduce_sum3A_237 = vector.multi_reduction <add>, %select_n3A_235, %reduce_sum3A_236 [1] : vector<8x328x128xf32> to vector<8x128xf32>
      %get3A_238 = arith.constant 0 : index
      %get3A_239 = arith.constant 0 : index
      %get3A_240 = arith.constant 0 : index
      %get3A_241 = vector.load %arg3[%get3A_238, %get3A_239, %get3A_240] : memref<8x328x128xf32, #tpu.memory_space<vmem>>, vector<8x328x128xf32>
      %jit3A_242 = arith.constant 0.000000e+00 : f32
      %broadcast_in_dim3A_243 = vector.broadcast %jit3A_242 : f32 to vector<8x328x128xf32>
      %select_n3A_244 = arith.select %and3A, %get3A_241, %broadcast_in_dim3A_243 : vector<8x328x128xi1>, vector<8x328x128xf32>
      %reduce_sum3A_245 = arith.constant dense<0.000000e+00> : vector<8x128xf32>
      %reduce_sum3A_246 = vector.multi_reduction <add>, %select_n3A_244, %reduce_sum3A_245 [1] : vector<8x328x128xf32> to vector<8x128xf32>
      %get3A_247 = arith.constant 0 : index
      %get3A_248 = arith.constant 0 : index
      %get3A_249 = arith.constant 0 : index
      %get3A_250 = vector.load %arg4[%get3A_247, %get3A_248, %get3A_249] : memref<8x328x128xf32, #tpu.memory_space<vmem>>, vector<8x328x128xf32>
      %jit3A_251 = arith.constant 0.000000e+00 : f32
      %broadcast_in_dim3A_252 = vector.broadcast %jit3A_251 : f32 to vector<8x328x128xf32>
      %select_n3A_253 = arith.select %and3A, %get3A_250, %broadcast_in_dim3A_252 : vector<8x328x128xi1>, vector<8x328x128xf32>
      %reduce_sum3A_254 = arith.constant dense<0.000000e+00> : vector<8x128xf32>
      %reduce_sum3A_255 = vector.multi_reduction <add>, %select_n3A_253, %reduce_sum3A_254 [1] : vector<8x328x128xf32> to vector<8x128xf32>
      %jit3A_256 = arith.constant 0.000000e+00 : f32
      %broadcast_in_dim3A_257 = vector.broadcast %jit3A_256 : f32 to vector<8x328x128xf32>
      %select_n3A_258 = arith.select %and3A, %convert_element_type3A_143, %broadcast_in_dim3A_257 : vector<8x328x128xi1>, vector<8x328x128xf32>
      %reduce_sum3A_259 = arith.constant dense<0.000000e+00> : vector<8x128xf32>
      %reduce_sum3A_260 = vector.multi_reduction <add>, %select_n3A_258, %reduce_sum3A_259 [1] : vector<8x328x128xf32> to vector<8x128xf32>
      %jit3A_261 = arith.constant 0.000000e+00 : f32
      %broadcast_in_dim3A_262 = vector.broadcast %jit3A_261 : f32 to vector<8x328x128xf32>
      %select_n3A_263 = arith.select %and3A, %convert_element_type3A_138, %broadcast_in_dim3A_262 : vector<8x328x128xi1>, vector<8x328x128xf32>
      %reduce_sum3A_264 = arith.constant dense<0.000000e+00> : vector<8x128xf32>
      %reduce_sum3A_265 = vector.multi_reduction <add>, %select_n3A_263, %reduce_sum3A_264 [1] : vector<8x328x128xf32> to vector<8x128xf32>
      %dot_general3A = arith.constant dense<0.000000e+00> : vector<128x8xf32>
      %dot_general3A_266 = tpu.matmul %reduce_sum3A_265, %convert_element_type3A_147, %dot_general3A {dimension_numbers = #tpu.dot_dimension_numbers<[0], [0], [1], [1], [0, 1, 1, 1], [], []>, precision = #tpu.contract_precision<fp32>, transpose_lhs_hint = false} : vector<8x128xf32>, vector<8x8xf32>, vector<128x8xf32> -> vector<128x8xf32>
      %slice3A_267 = vector.extract_strided_slice %dot_general3A_266 {offsets = [0, 0], sizes = [128, 1], strides = [1, 1]} : vector<128x8xf32> to vector<128x1xf32>
      %sub3A_268 = vector.broadcast %slice3A_267 : vector<128x1xf32> to vector<128x1024xf32>
      %sub3A_269 = vector.broadcast %convert_element_type3A_149 : vector<1x1024xf32> to vector<128x1024xf32>
      %sub3A_270 = arith.subf %sub3A_268, %sub3A_269 : vector<128x1024xf32>
      %abs3A = math.absf %sub3A_270 : vector<128x1024xf32>
      %lt3A = arith.constant 5.000000e-01 : f32
      %lt3A_271 = vector.broadcast %lt3A : f32 to vector<128x1024xf32>
      %lt3A_272 = arith.cmpf olt, %abs3A, %lt3A_271 : vector<128x1024xf32>
      %convert_element_type3A_273 = arith.extui %lt3A_272 : vector<128x1024xi1> to vector<128x1024xi32>
      %convert_element_type3A_274 = arith.sitofp %convert_element_type3A_273 : vector<128x1024xi32> to vector<128x1024xf32>
      %slice3A_275 = vector.extract_strided_slice %reduce_sum3A_219 {offsets = [0, 0], sizes = [1, 128], strides = [1, 1]} : vector<8x128xf32> to vector<1x128xf32>
      %slice3A_276 = vector.extract_strided_slice %reduce_sum3A_228 {offsets = [0, 0], sizes = [1, 128], strides = [1, 1]} : vector<8x128xf32> to vector<1x128xf32>
      %slice3A_277 = vector.extract_strided_slice %reduce_sum3A_237 {offsets = [0, 0], sizes = [1, 128], strides = [1, 1]} : vector<8x128xf32> to vector<1x128xf32>
      %slice3A_278 = vector.extract_strided_slice %reduce_sum3A_246 {offsets = [0, 0], sizes = [1, 128], strides = [1, 1]} : vector<8x128xf32> to vector<1x128xf32>
      %slice3A_279 = vector.extract_strided_slice %reduce_sum3A_255 {offsets = [0, 0], sizes = [1, 128], strides = [1, 1]} : vector<8x128xf32> to vector<1x128xf32>
      %slice3A_280 = vector.extract_strided_slice %reduce_sum3A_260 {offsets = [0, 0], sizes = [1, 128], strides = [1, 1]} : vector<8x128xf32> to vector<1x128xf32>
      %concatenate3A_281 = tpu.concatenate %slice3A_275, %slice3A_276, %slice3A_277, %slice3A_278, %slice3A_279, %slice3A_280 in 0 : vector<1x128xf32>, vector<1x128xf32>, vector<1x128xf32>, vector<1x128xf32>, vector<1x128xf32>, vector<1x128xf32> -> vector<6x128xf32>
      %dot_general3A_282 = arith.constant dense<0.000000e+00> : vector<6x1024xf32>
      %dot_general3A_283 = tpu.matmul %concatenate3A_281, %convert_element_type3A_274, %dot_general3A_282 {dimension_numbers = #tpu.dot_dimension_numbers<[1], [0], [0], [1], [0, 0, 1, 1], [], []>, precision = #tpu.contract_precision<fp32>, transpose_lhs_hint = false} : vector<6x128xf32>, vector<128x1024xf32>, vector<6x1024xf32> -> vector<6x1024xf32>
      %get3A_284 = arith.constant 0 : index
      %get3A_285 = arith.constant 0 : index
      %get3A_286 = arith.constant 0 : index
      %get3A_287 = vector.load %arg12[%get3A_284, %get3A_285, %get3A_286] : memref<8x8x1024xf32, #tpu.memory_space<vmem>>, vector<1x6x1024xf32>
      %get3A_288 = vector.shape_cast %get3A_287 : vector<1x6x1024xf32> to vector<6x1024xf32>
      %add3A_289 = arith.addf %get3A_288, %dot_general3A_283 : vector<6x1024xf32>
      %swap3A_290 = arith.constant 0 : index
      %swap3A_291 = arith.constant 0 : index
      %swap3A_292 = arith.constant 0 : index
      %swap3A_293 = vector.load %arg12[%swap3A_290, %swap3A_291, %swap3A_292] : memref<8x8x1024xf32, #tpu.memory_space<vmem>>, vector<1x6x1024xf32>
      %swap3A_294 = vector.shape_cast %swap3A_293 : vector<1x6x1024xf32> to vector<6x1024xf32>
      %swap3A_295 = vector.shape_cast %add3A_289 : vector<6x1024xf32> to vector<1x6x1024xf32>
      tpu.vector_store %arg12[%swap3A_290, %swap3A_291, %swap3A_292], %swap3A_295 {strides = array<i32>} : memref<8x8x1024xf32, #tpu.memory_space<vmem>>, vector<1x6x1024xf32>,
      %slice3A_296 = vector.extract_strided_slice %dot_general3A_266 {offsets = [0, 1], sizes = [128, 1], strides = [1, 1]} : vector<128x8xf32> to vector<128x1xf32>
      %sub3A_297 = vector.broadcast %slice3A_296 : vector<128x1xf32> to vector<128x1024xf32>
      %sub3A_298 = vector.broadcast %convert_element_type3A_149 : vector<1x1024xf32> to vector<128x1024xf32>
      %sub3A_299 = arith.subf %sub3A_297, %sub3A_298 : vector<128x1024xf32>
      %abs3A_300 = math.absf %sub3A_299 : vector<128x1024xf32>
      %lt3A_301 = arith.constant 5.000000e-01 : f32
      %lt3A_302 = vector.broadcast %lt3A_301 : f32 to vector<128x1024xf32>
      %lt3A_303 = arith.cmpf olt, %abs3A_300, %lt3A_302 : vector<128x1024xf32>
      %convert_element_type3A_304 = arith.extui %lt3A_303 : vector<128x1024xi1> to vector<128x1024xi32>
      %convert_element_type3A_305 = arith.sitofp %convert_element_type3A_304 : vector<128x1024xi32> to vector<128x1024xf32>
      %slice3A_306 = vector.extract_strided_slice %reduce_sum3A_219 {offsets = [1, 0], sizes = [1, 128], strides = [1, 1]} : vector<8x128xf32> to vector<1x128xf32>
      %slice3A_307 = vector.extract_strided_slice %reduce_sum3A_228 {offsets = [1, 0], sizes = [1, 128], strides = [1, 1]} : vector<8x128xf32> to vector<1x128xf32>
      %slice3A_308 = vector.extract_strided_slice %reduce_sum3A_237 {offsets = [1, 0], sizes = [1, 128], strides = [1, 1]} : vector<8x128xf32> to vector<1x128xf32>
      %slice3A_309 = vector.extract_strided_slice %reduce_sum3A_246 {offsets = [1, 0], sizes = [1, 128], strides = [1, 1]} : vector<8x128xf32> to vector<1x128xf32>
      %slice3A_310 = vector.extract_strided_slice %reduce_sum3A_255 {offsets = [1, 0], sizes = [1, 128], strides = [1, 1]} : vector<8x128xf32> to vector<1x128xf32>
      %slice3A_311 = vector.extract_strided_slice %reduce_sum3A_260 {offsets = [1, 0], sizes = [1, 128], strides = [1, 1]} : vector<8x128xf32> to vector<1x128xf32>
      %concatenate3A_312 = tpu.concatenate %slice3A_306, %slice3A_307, %slice3A_308, %slice3A_309, %slice3A_310, %slice3A_311 in 0 : vector<1x128xf32>, vector<1x128xf32>, vector<1x128xf32>, vector<1x128xf32>, vector<1x128xf32>, vector<1x128xf32> -> vector<6x128xf32>
      %dot_general3A_313 = arith.constant dense<0.000000e+00> : vector<6x1024xf32>
      %dot_general3A_314 = tpu.matmul %concatenate3A_312, %convert_element_type3A_305, %dot_general3A_313 {dimension_numbers = #tpu.dot_dimension_numbers<[1], [0], [0], [1], [0, 0, 1, 1], [], []>, precision = #tpu.contract_precision<fp32>, transpose_lhs_hint = false} : vector<6x128xf32>, vector<128x1024xf32>, vector<6x1024xf32> -> vector<6x1024xf32>
      %get3A_315 = arith.constant 1 : index
      %get3A_316 = arith.constant 0 : index
      %get3A_317 = arith.constant 0 : index
      %get3A_318 = vector.load %arg12[%get3A_315, %get3A_316, %get3A_317] : memref<8x8x1024xf32, #tpu.memory_space<vmem>>, vector<1x6x1024xf32>
      %get3A_319 = vector.shape_cast %get3A_318 : vector<1x6x1024xf32> to vector<6x1024xf32>
      %add3A_320 = arith.addf %get3A_319, %dot_general3A_314 : vector<6x1024xf32>
      %swap3A_321 = arith.constant 1 : index
      %swap3A_322 = arith.constant 0 : index
      %swap3A_323 = arith.constant 0 : index
      %swap3A_324 = vector.load %arg12[%swap3A_321, %swap3A_322, %swap3A_323] : memref<8x8x1024xf32, #tpu.memory_space<vmem>>, vector<1x6x1024xf32>
      %swap3A_325 = vector.shape_cast %swap3A_324 : vector<1x6x1024xf32> to vector<6x1024xf32>
      %swap3A_326 = vector.shape_cast %add3A_320 : vector<6x1024xf32> to vector<1x6x1024xf32>
      tpu.vector_store %arg12[%swap3A_321, %swap3A_322, %swap3A_323], %swap3A_326 {strides = array<i32>} : memref<8x8x1024xf32, #tpu.memory_space<vmem>>, vector<1x6x1024xf32>,
      %slice3A_327 = vector.extract_strided_slice %dot_general3A_266 {offsets = [0, 2], sizes = [128, 1], strides = [1, 1]} : vector<128x8xf32> to vector<128x1xf32>
      %sub3A_328 = vector.broadcast %slice3A_327 : vector<128x1xf32> to vector<128x1024xf32>
      %sub3A_329 = vector.broadcast %convert_element_type3A_149 : vector<1x1024xf32> to vector<128x1024xf32>
      %sub3A_330 = arith.subf %sub3A_328, %sub3A_329 : vector<128x1024xf32>
      %abs3A_331 = math.absf %sub3A_330 : vector<128x1024xf32>
      %lt3A_332 = arith.constant 5.000000e-01 : f32
      %lt3A_333 = vector.broadcast %lt3A_332 : f32 to vector<128x1024xf32>
      %lt3A_334 = arith.cmpf olt, %abs3A_331, %lt3A_333 : vector<128x1024xf32>
      %convert_element_type3A_335 = arith.extui %lt3A_334 : vector<128x1024xi1> to vector<128x1024xi32>
      %convert_element_type3A_336 = arith.sitofp %convert_element_type3A_335 : vector<128x1024xi32> to vector<128x1024xf32>
      %slice3A_337 = vector.extract_strided_slice %reduce_sum3A_219 {offsets = [2, 0], sizes = [1, 128], strides = [1, 1]} : vector<8x128xf32> to vector<1x128xf32>
      %slice3A_338 = vector.extract_strided_slice %reduce_sum3A_228 {offsets = [2, 0], sizes = [1, 128], strides = [1, 1]} : vector<8x128xf32> to vector<1x128xf32>
      %slice3A_339 = vector.extract_strided_slice %reduce_sum3A_237 {offsets = [2, 0], sizes = [1, 128], strides = [1, 1]} : vector<8x128xf32> to vector<1x128xf32>
      %slice3A_340 = vector.extract_strided_slice %reduce_sum3A_246 {offsets = [2, 0], sizes = [1, 128], strides = [1, 1]} : vector<8x128xf32> to vector<1x128xf32>
      %slice3A_341 = vector.extract_strided_slice %reduce_sum3A_255 {offsets = [2, 0], sizes = [1, 128], strides = [1, 1]} : vector<8x128xf32> to vector<1x128xf32>
      %slice3A_342 = vector.extract_strided_slice %reduce_sum3A_260 {offsets = [2, 0], sizes = [1, 128], strides = [1, 1]} : vector<8x128xf32> to vector<1x128xf32>
      %concatenate3A_343 = tpu.concatenate %slice3A_337, %slice3A_338, %slice3A_339, %slice3A_340, %slice3A_341, %slice3A_342 in 0 : vector<1x128xf32>, vector<1x128xf32>, vector<1x128xf32>, vector<1x128xf32>, vector<1x128xf32>, vector<1x128xf32> -> vector<6x128xf32>
      %dot_general3A_344 = arith.constant dense<0.000000e+00> : vector<6x1024xf32>
      %dot_general3A_345 = tpu.matmul %concatenate3A_343, %convert_element_type3A_336, %dot_general3A_344 {dimension_numbers = #tpu.dot_dimension_numbers<[1], [0], [0], [1], [0, 0, 1, 1], [], []>, precision = #tpu.contract_precision<fp32>, transpose_lhs_hint = false} : vector<6x128xf32>, vector<128x1024xf32>, vector<6x1024xf32> -> vector<6x1024xf32>
      %get3A_346 = arith.constant 2 : index
      %get3A_347 = arith.constant 0 : index
      %get3A_348 = arith.constant 0 : index
      %get3A_349 = vector.load %arg12[%get3A_346, %get3A_347, %get3A_348] : memref<8x8x1024xf32, #tpu.memory_space<vmem>>, vector<1x6x1024xf32>
      %get3A_350 = vector.shape_cast %get3A_349 : vector<1x6x1024xf32> to vector<6x1024xf32>
      %add3A_351 = arith.addf %get3A_350, %dot_general3A_345 : vector<6x1024xf32>
      %swap3A_352 = arith.constant 2 : index
      %swap3A_353 = arith.constant 0 : index
      %swap3A_354 = arith.constant 0 : index
      %swap3A_355 = vector.load %arg12[%swap3A_352, %swap3A_353, %swap3A_354] : memref<8x8x1024xf32, #tpu.memory_space<vmem>>, vector<1x6x1024xf32>
      %swap3A_356 = vector.shape_cast %swap3A_355 : vector<1x6x1024xf32> to vector<6x1024xf32>
      %swap3A_357 = vector.shape_cast %add3A_351 : vector<6x1024xf32> to vector<1x6x1024xf32>
      tpu.vector_store %arg12[%swap3A_352, %swap3A_353, %swap3A_354], %swap3A_357 {strides = array<i32>} : memref<8x8x1024xf32, #tpu.memory_space<vmem>>, vector<1x6x1024xf32>,
      %slice3A_358 = vector.extract_strided_slice %dot_general3A_266 {offsets = [0, 3], sizes = [128, 1], strides = [1, 1]} : vector<128x8xf32> to vector<128x1xf32>
      %sub3A_359 = vector.broadcast %slice3A_358 : vector<128x1xf32> to vector<128x1024xf32>
      %sub3A_360 = vector.broadcast %convert_element_type3A_149 : vector<1x1024xf32> to vector<128x1024xf32>
      %sub3A_361 = arith.subf %sub3A_359, %sub3A_360 : vector<128x1024xf32>
      %abs3A_362 = math.absf %sub3A_361 : vector<128x1024xf32>
      %lt3A_363 = arith.constant 5.000000e-01 : f32
      %lt3A_364 = vector.broadcast %lt3A_363 : f32 to vector<128x1024xf32>
      %lt3A_365 = arith.cmpf olt, %abs3A_362, %lt3A_364 : vector<128x1024xf32>
      %convert_element_type3A_366 = arith.extui %lt3A_365 : vector<128x1024xi1> to vector<128x1024xi32>
      %convert_element_type3A_367 = arith.sitofp %convert_element_type3A_366 : vector<128x1024xi32> to vector<128x1024xf32>
      %slice3A_368 = vector.extract_strided_slice %reduce_sum3A_219 {offsets = [3, 0], sizes = [1, 128], strides = [1, 1]} : vector<8x128xf32> to vector<1x128xf32>
      %slice3A_369 = vector.extract_strided_slice %reduce_sum3A_228 {offsets = [3, 0], sizes = [1, 128], strides = [1, 1]} : vector<8x128xf32> to vector<1x128xf32>
      %slice3A_370 = vector.extract_strided_slice %reduce_sum3A_237 {offsets = [3, 0], sizes = [1, 128], strides = [1, 1]} : vector<8x128xf32> to vector<1x128xf32>
      %slice3A_371 = vector.extract_strided_slice %reduce_sum3A_246 {offsets = [3, 0], sizes = [1, 128], strides = [1, 1]} : vector<8x128xf32> to vector<1x128xf32>
      %slice3A_372 = vector.extract_strided_slice %reduce_sum3A_255 {offsets = [3, 0], sizes = [1, 128], strides = [1, 1]} : vector<8x128xf32> to vector<1x128xf32>
      %slice3A_373 = vector.extract_strided_slice %reduce_sum3A_260 {offsets = [3, 0], sizes = [1, 128], strides = [1, 1]} : vector<8x128xf32> to vector<1x128xf32>
      %concatenate3A_374 = tpu.concatenate %slice3A_368, %slice3A_369, %slice3A_370, %slice3A_371, %slice3A_372, %slice3A_373 in 0 : vector<1x128xf32>, vector<1x128xf32>, vector<1x128xf32>, vector<1x128xf32>, vector<1x128xf32>, vector<1x128xf32> -> vector<6x128xf32>
      %dot_general3A_375 = arith.constant dense<0.000000e+00> : vector<6x1024xf32>
      %dot_general3A_376 = tpu.matmul %concatenate3A_374, %convert_element_type3A_367, %dot_general3A_375 {dimension_numbers = #tpu.dot_dimension_numbers<[1], [0], [0], [1], [0, 0, 1, 1], [], []>, precision = #tpu.contract_precision<fp32>, transpose_lhs_hint = false} : vector<6x128xf32>, vector<128x1024xf32>, vector<6x1024xf32> -> vector<6x1024xf32>
      %get3A_377 = arith.constant 3 : index
      %get3A_378 = arith.constant 0 : index
      %get3A_379 = arith.constant 0 : index
      %get3A_380 = vector.load %arg12[%get3A_377, %get3A_378, %get3A_379] : memref<8x8x1024xf32, #tpu.memory_space<vmem>>, vector<1x6x1024xf32>
      %get3A_381 = vector.shape_cast %get3A_380 : vector<1x6x1024xf32> to vector<6x1024xf32>
      %add3A_382 = arith.addf %get3A_381, %dot_general3A_376 : vector<6x1024xf32>
      %swap3A_383 = arith.constant 3 : index
      %swap3A_384 = arith.constant 0 : index
      %swap3A_385 = arith.constant 0 : index
      %swap3A_386 = vector.load %arg12[%swap3A_383, %swap3A_384, %swap3A_385] : memref<8x8x1024xf32, #tpu.memory_space<vmem>>, vector<1x6x1024xf32>
      %swap3A_387 = vector.shape_cast %swap3A_386 : vector<1x6x1024xf32> to vector<6x1024xf32>
      %swap3A_388 = vector.shape_cast %add3A_382 : vector<6x1024xf32> to vector<1x6x1024xf32>
      tpu.vector_store %arg12[%swap3A_383, %swap3A_384, %swap3A_385], %swap3A_388 {strides = array<i32>} : memref<8x8x1024xf32, #tpu.memory_space<vmem>>, vector<1x6x1024xf32>,
      %slice3A_389 = vector.extract_strided_slice %dot_general3A_266 {offsets = [0, 4], sizes = [128, 1], strides = [1, 1]} : vector<128x8xf32> to vector<128x1xf32>
      %sub3A_390 = vector.broadcast %slice3A_389 : vector<128x1xf32> to vector<128x1024xf32>
      %sub3A_391 = vector.broadcast %convert_element_type3A_149 : vector<1x1024xf32> to vector<128x1024xf32>
      %sub3A_392 = arith.subf %sub3A_390, %sub3A_391 : vector<128x1024xf32>
      %abs3A_393 = math.absf %sub3A_392 : vector<128x1024xf32>
      %lt3A_394 = arith.constant 5.000000e-01 : f32
      %lt3A_395 = vector.broadcast %lt3A_394 : f32 to vector<128x1024xf32>
      %lt3A_396 = arith.cmpf olt, %abs3A_393, %lt3A_395 : vector<128x1024xf32>
      %convert_element_type3A_397 = arith.extui %lt3A_396 : vector<128x1024xi1> to vector<128x1024xi32>
      %convert_element_type3A_398 = arith.sitofp %convert_element_type3A_397 : vector<128x1024xi32> to vector<128x1024xf32>
      %slice3A_399 = vector.extract_strided_slice %reduce_sum3A_219 {offsets = [4, 0], sizes = [1, 128], strides = [1, 1]} : vector<8x128xf32> to vector<1x128xf32>
      %slice3A_400 = vector.extract_strided_slice %reduce_sum3A_228 {offsets = [4, 0], sizes = [1, 128], strides = [1, 1]} : vector<8x128xf32> to vector<1x128xf32>
      %slice3A_401 = vector.extract_strided_slice %reduce_sum3A_237 {offsets = [4, 0], sizes = [1, 128], strides = [1, 1]} : vector<8x128xf32> to vector<1x128xf32>
      %slice3A_402 = vector.extract_strided_slice %reduce_sum3A_246 {offsets = [4, 0], sizes = [1, 128], strides = [1, 1]} : vector<8x128xf32> to vector<1x128xf32>
      %slice3A_403 = vector.extract_strided_slice %reduce_sum3A_255 {offsets = [4, 0], sizes = [1, 128], strides = [1, 1]} : vector<8x128xf32> to vector<1x128xf32>
      %slice3A_404 = vector.extract_strided_slice %reduce_sum3A_260 {offsets = [4, 0], sizes = [1, 128], strides = [1, 1]} : vector<8x128xf32> to vector<1x128xf32>
      %concatenate3A_405 = tpu.concatenate %slice3A_399, %slice3A_400, %slice3A_401, %slice3A_402, %slice3A_403, %slice3A_404 in 0 : vector<1x128xf32>, vector<1x128xf32>, vector<1x128xf32>, vector<1x128xf32>, vector<1x128xf32>, vector<1x128xf32> -> vector<6x128xf32>
      %dot_general3A_406 = arith.constant dense<0.000000e+00> : vector<6x1024xf32>
      %dot_general3A_407 = tpu.matmul %concatenate3A_405, %convert_element_type3A_398, %dot_general3A_406 {dimension_numbers = #tpu.dot_dimension_numbers<[1], [0], [0], [1], [0, 0, 1, 1], [], []>, precision = #tpu.contract_precision<fp32>, transpose_lhs_hint = false} : vector<6x128xf32>, vector<128x1024xf32>, vector<6x1024xf32> -> vector<6x1024xf32>
      %get3A_408 = arith.constant 4 : index
      %get3A_409 = arith.constant 0 : index
      %get3A_410 = arith.constant 0 : index
      %get3A_411 = vector.load %arg12[%get3A_408, %get3A_409, %get3A_410] : memref<8x8x1024xf32, #tpu.memory_space<vmem>>, vector<1x6x1024xf32>
      %get3A_412 = vector.shape_cast %get3A_411 : vector<1x6x1024xf32> to vector<6x1024xf32>
      %add3A_413 = arith.addf %get3A_412, %dot_general3A_407 : vector<6x1024xf32>
      %swap3A_414 = arith.constant 4 : index
      %swap3A_415 = arith.constant 0 : index
      %swap3A_416 = arith.constant 0 : index
      %swap3A_417 = vector.load %arg12[%swap3A_414, %swap3A_415, %swap3A_416] : memref<8x8x1024xf32, #tpu.memory_space<vmem>>, vector<1x6x1024xf32>
      %swap3A_418 = vector.shape_cast %swap3A_417 : vector<1x6x1024xf32> to vector<6x1024xf32>
      %swap3A_419 = vector.shape_cast %add3A_413 : vector<6x1024xf32> to vector<1x6x1024xf32>
      tpu.vector_store %arg12[%swap3A_414, %swap3A_415, %swap3A_416], %swap3A_419 {strides = array<i32>} : memref<8x8x1024xf32, #tpu.memory_space<vmem>>, vector<1x6x1024xf32>,
      %slice3A_420 = vector.extract_strided_slice %dot_general3A_266 {offsets = [0, 5], sizes = [128, 1], strides = [1, 1]} : vector<128x8xf32> to vector<128x1xf32>
      %sub3A_421 = vector.broadcast %slice3A_420 : vector<128x1xf32> to vector<128x1024xf32>
      %sub3A_422 = vector.broadcast %convert_element_type3A_149 : vector<1x1024xf32> to vector<128x1024xf32>
      %sub3A_423 = arith.subf %sub3A_421, %sub3A_422 : vector<128x1024xf32>
      %abs3A_424 = math.absf %sub3A_423 : vector<128x1024xf32>
      %lt3A_425 = arith.constant 5.000000e-01 : f32
      %lt3A_426 = vector.broadcast %lt3A_425 : f32 to vector<128x1024xf32>
      %lt3A_427 = arith.cmpf olt, %abs3A_424, %lt3A_426 : vector<128x1024xf32>
      %convert_element_type3A_428 = arith.extui %lt3A_427 : vector<128x1024xi1> to vector<128x1024xi32>
      %convert_element_type3A_429 = arith.sitofp %convert_element_type3A_428 : vector<128x1024xi32> to vector<128x1024xf32>
      %slice3A_430 = vector.extract_strided_slice %reduce_sum3A_219 {offsets = [5, 0], sizes = [1, 128], strides = [1, 1]} : vector<8x128xf32> to vector<1x128xf32>
      %slice3A_431 = vector.extract_strided_slice %reduce_sum3A_228 {offsets = [5, 0], sizes = [1, 128], strides = [1, 1]} : vector<8x128xf32> to vector<1x128xf32>
      %slice3A_432 = vector.extract_strided_slice %reduce_sum3A_237 {offsets = [5, 0], sizes = [1, 128], strides = [1, 1]} : vector<8x128xf32> to vector<1x128xf32>
      %slice3A_433 = vector.extract_strided_slice %reduce_sum3A_246 {offsets = [5, 0], sizes = [1, 128], strides = [1, 1]} : vector<8x128xf32> to vector<1x128xf32>
      %slice3A_434 = vector.extract_strided_slice %reduce_sum3A_255 {offsets = [5, 0], sizes = [1, 128], strides = [1, 1]} : vector<8x128xf32> to vector<1x128xf32>
      %slice3A_435 = vector.extract_strided_slice %reduce_sum3A_260 {offsets = [5, 0], sizes = [1, 128], strides = [1, 1]} : vector<8x128xf32> to vector<1x128xf32>
      %concatenate3A_436 = tpu.concatenate %slice3A_430, %slice3A_431, %slice3A_432, %slice3A_433, %slice3A_434, %slice3A_435 in 0 : vector<1x128xf32>, vector<1x128xf32>, vector<1x128xf32>, vector<1x128xf32>, vector<1x128xf32>, vector<1x128xf32> -> vector<6x128xf32>
      %dot_general3A_437 = arith.constant dense<0.000000e+00> : vector<6x1024xf32>
      %dot_general3A_438 = tpu.matmul %concatenate3A_436, %convert_element_type3A_429, %dot_general3A_437 {dimension_numbers = #tpu.dot_dimension_numbers<[1], [0], [0], [1], [0, 0, 1, 1], [], []>, precision = #tpu.contract_precision<fp32>, transpose_lhs_hint = false} : vector<6x128xf32>, vector<128x1024xf32>, vector<6x1024xf32> -> vector<6x1024xf32>
      %get3A_439 = arith.constant 5 : index
      %get3A_440 = arith.constant 0 : index
      %get3A_441 = arith.constant 0 : index
      %get3A_442 = vector.load %arg12[%get3A_439, %get3A_440, %get3A_441] : memref<8x8x1024xf32, #tpu.memory_space<vmem>>, vector<1x6x1024xf32>
      %get3A_443 = vector.shape_cast %get3A_442 : vector<1x6x1024xf32> to vector<6x1024xf32>
      %add3A_444 = arith.addf %get3A_443, %dot_general3A_438 : vector<6x1024xf32>
      %swap3A_445 = arith.constant 5 : index
      %swap3A_446 = arith.constant 0 : index
      %swap3A_447 = arith.constant 0 : index
      %swap3A_448 = vector.load %arg12[%swap3A_445, %swap3A_446, %swap3A_447] : memref<8x8x1024xf32, #tpu.memory_space<vmem>>, vector<1x6x1024xf32>
      %swap3A_449 = vector.shape_cast %swap3A_448 : vector<1x6x1024xf32> to vector<6x1024xf32>
      %swap3A_450 = vector.shape_cast %add3A_444 : vector<6x1024xf32> to vector<1x6x1024xf32>
      tpu.vector_store %arg12[%swap3A_445, %swap3A_446, %swap3A_447], %swap3A_450 {strides = array<i32>} : memref<8x8x1024xf32, #tpu.memory_space<vmem>>, vector<1x6x1024xf32>,
      %slice3A_451 = vector.extract_strided_slice %dot_general3A_266 {offsets = [0, 6], sizes = [128, 1], strides = [1, 1]} : vector<128x8xf32> to vector<128x1xf32>
      %sub3A_452 = vector.broadcast %slice3A_451 : vector<128x1xf32> to vector<128x1024xf32>
      %sub3A_453 = vector.broadcast %convert_element_type3A_149 : vector<1x1024xf32> to vector<128x1024xf32>
      %sub3A_454 = arith.subf %sub3A_452, %sub3A_453 : vector<128x1024xf32>
      %abs3A_455 = math.absf %sub3A_454 : vector<128x1024xf32>
      %lt3A_456 = arith.constant 5.000000e-01 : f32
      %lt3A_457 = vector.broadcast %lt3A_456 : f32 to vector<128x1024xf32>
      %lt3A_458 = arith.cmpf olt, %abs3A_455, %lt3A_457 : vector<128x1024xf32>
      %convert_element_type3A_459 = arith.extui %lt3A_458 : vector<128x1024xi1> to vector<128x1024xi32>
      %convert_element_type3A_460 = arith.sitofp %convert_element_type3A_459 : vector<128x1024xi32> to vector<128x1024xf32>
      %slice3A_461 = vector.extract_strided_slice %reduce_sum3A_219 {offsets = [6, 0], sizes = [1, 128], strides = [1, 1]} : vector<8x128xf32> to vector<1x128xf32>
      %slice3A_462 = vector.extract_strided_slice %reduce_sum3A_228 {offsets = [6, 0], sizes = [1, 128], strides = [1, 1]} : vector<8x128xf32> to vector<1x128xf32>
      %slice3A_463 = vector.extract_strided_slice %reduce_sum3A_237 {offsets = [6, 0], sizes = [1, 128], strides = [1, 1]} : vector<8x128xf32> to vector<1x128xf32>
      %slice3A_464 = vector.extract_strided_slice %reduce_sum3A_246 {offsets = [6, 0], sizes = [1, 128], strides = [1, 1]} : vector<8x128xf32> to vector<1x128xf32>
      %slice3A_465 = vector.extract_strided_slice %reduce_sum3A_255 {offsets = [6, 0], sizes = [1, 128], strides = [1, 1]} : vector<8x128xf32> to vector<1x128xf32>
      %slice3A_466 = vector.extract_strided_slice %reduce_sum3A_260 {offsets = [6, 0], sizes = [1, 128], strides = [1, 1]} : vector<8x128xf32> to vector<1x128xf32>
      %concatenate3A_467 = tpu.concatenate %slice3A_461, %slice3A_462, %slice3A_463, %slice3A_464, %slice3A_465, %slice3A_466 in 0 : vector<1x128xf32>, vector<1x128xf32>, vector<1x128xf32>, vector<1x128xf32>, vector<1x128xf32>, vector<1x128xf32> -> vector<6x128xf32>
      %dot_general3A_468 = arith.constant dense<0.000000e+00> : vector<6x1024xf32>
      %dot_general3A_469 = tpu.matmul %concatenate3A_467, %convert_element_type3A_460, %dot_general3A_468 {dimension_numbers = #tpu.dot_dimension_numbers<[1], [0], [0], [1], [0, 0, 1, 1], [], []>, precision = #tpu.contract_precision<fp32>, transpose_lhs_hint = false} : vector<6x128xf32>, vector<128x1024xf32>, vector<6x1024xf32> -> vector<6x1024xf32>
      %get3A_470 = arith.constant 6 : index
      %get3A_471 = arith.constant 0 : index
      %get3A_472 = arith.constant 0 : index
      %get3A_473 = vector.load %arg12[%get3A_470, %get3A_471, %get3A_472] : memref<8x8x1024xf32, #tpu.memory_space<vmem>>, vector<1x6x1024xf32>
      %get3A_474 = vector.shape_cast %get3A_473 : vector<1x6x1024xf32> to vector<6x1024xf32>
      %add3A_475 = arith.addf %get3A_474, %dot_general3A_469 : vector<6x1024xf32>
      %swap3A_476 = arith.constant 6 : index
      %swap3A_477 = arith.constant 0 : index
      %swap3A_478 = arith.constant 0 : index
      %swap3A_479 = vector.load %arg12[%swap3A_476, %swap3A_477, %swap3A_478] : memref<8x8x1024xf32, #tpu.memory_space<vmem>>, vector<1x6x1024xf32>
      %swap3A_480 = vector.shape_cast %swap3A_479 : vector<1x6x1024xf32> to vector<6x1024xf32>
      %swap3A_481 = vector.shape_cast %add3A_475 : vector<6x1024xf32> to vector<1x6x1024xf32>
      tpu.vector_store %arg12[%swap3A_476, %swap3A_477, %swap3A_478], %swap3A_481 {strides = array<i32>} : memref<8x8x1024xf32, #tpu.memory_space<vmem>>, vector<1x6x1024xf32>,
      %slice3A_482 = vector.extract_strided_slice %dot_general3A_266 {offsets = [0, 7], sizes = [128, 1], strides = [1, 1]} : vector<128x8xf32> to vector<128x1xf32>
      %sub3A_483 = vector.broadcast %slice3A_482 : vector<128x1xf32> to vector<128x1024xf32>
      %sub3A_484 = vector.broadcast %convert_element_type3A_149 : vector<1x1024xf32> to vector<128x1024xf32>
      %sub3A_485 = arith.subf %sub3A_483, %sub3A_484 : vector<128x1024xf32>
      %abs3A_486 = math.absf %sub3A_485 : vector<128x1024xf32>
      %lt3A_487 = arith.constant 5.000000e-01 : f32
      %lt3A_488 = vector.broadcast %lt3A_487 : f32 to vector<128x1024xf32>
      %lt3A_489 = arith.cmpf olt, %abs3A_486, %lt3A_488 : vector<128x1024xf32>
      %convert_element_type3A_490 = arith.extui %lt3A_489 : vector<128x1024xi1> to vector<128x1024xi32>
      %convert_element_type3A_491 = arith.sitofp %convert_element_type3A_490 : vector<128x1024xi32> to vector<128x1024xf32>
      %slice3A_492 = vector.extract_strided_slice %reduce_sum3A_219 {offsets = [7, 0], sizes = [1, 128], strides = [1, 1]} : vector<8x128xf32> to vector<1x128xf32>
      %slice3A_493 = vector.extract_strided_slice %reduce_sum3A_228 {offsets = [7, 0], sizes = [1, 128], strides = [1, 1]} : vector<8x128xf32> to vector<1x128xf32>
      %slice3A_494 = vector.extract_strided_slice %reduce_sum3A_237 {offsets = [7, 0], sizes = [1, 128], strides = [1, 1]} : vector<8x128xf32> to vector<1x128xf32>
      %slice3A_495 = vector.extract_strided_slice %reduce_sum3A_246 {offsets = [7, 0], sizes = [1, 128], strides = [1, 1]} : vector<8x128xf32> to vector<1x128xf32>
      %slice3A_496 = vector.extract_strided_slice %reduce_sum3A_255 {offsets = [7, 0], sizes = [1, 128], strides = [1, 1]} : vector<8x128xf32> to vector<1x128xf32>
      %slice3A_497 = vector.extract_strided_slice %reduce_sum3A_260 {offsets = [7, 0], sizes = [1, 128], strides = [1, 1]} : vector<8x128xf32> to vector<1x128xf32>
      %concatenate3A_498 = tpu.concatenate %slice3A_492, %slice3A_493, %slice3A_494, %slice3A_495, %slice3A_496, %slice3A_497 in 0 : vector<1x128xf32>, vector<1x128xf32>, vector<1x128xf32>, vector<1x128xf32>, vector<1x128xf32>, vector<1x128xf32> -> vector<6x128xf32>
      %dot_general3A_499 = arith.constant dense<0.000000e+00> : vector<6x1024xf32>
      %dot_general3A_500 = tpu.matmul %concatenate3A_498, %convert_element_type3A_491, %dot_general3A_499 {dimension_numbers = #tpu.dot_dimension_numbers<[1], [0], [0], [1], [0, 0, 1, 1], [], []>, precision = #tpu.contract_precision<fp32>, transpose_lhs_hint = false} : vector<6x128xf32>, vector<128x1024xf32>, vector<6x1024xf32> -> vector<6x1024xf32>
      %get3A_501 = arith.constant 7 : index
      %get3A_502 = arith.constant 0 : index
      %get3A_503 = arith.constant 0 : index
      %get3A_504 = vector.load %arg12[%get3A_501, %get3A_502, %get3A_503] : memref<8x8x1024xf32, #tpu.memory_space<vmem>>, vector<1x6x1024xf32>
      %get3A_505 = vector.shape_cast %get3A_504 : vector<1x6x1024xf32> to vector<6x1024xf32>
      %add3A_506 = arith.addf %get3A_505, %dot_general3A_500 : vector<6x1024xf32>
      %swap3A_507 = arith.constant 7 : index
      %swap3A_508 = arith.constant 0 : index
      %swap3A_509 = arith.constant 0 : index
      %swap3A_510 = vector.load %arg12[%swap3A_507, %swap3A_508, %swap3A_509] : memref<8x8x1024xf32, #tpu.memory_space<vmem>>, vector<1x6x1024xf32>
      %swap3A_511 = vector.shape_cast %swap3A_510 : vector<1x6x1024xf32> to vector<6x1024xf32>
      %swap3A_512 = vector.shape_cast %add3A_506 : vector<6x1024xf32> to vector<1x6x1024xf32>
      tpu.vector_store %arg12[%swap3A_507, %swap3A_508, %swap3A_509], %swap3A_512 {strides = array<i32>} : memref<8x8x1024xf32, #tpu.memory_space<vmem>>, vector<1x6x1024xf32>,
    }
    %while3A_163 = arith.constant 1 : i32
    scf.for %while3A_212 = %while3A_161 to %while3A_157 step %while3A_163  : i32 {
      %add3A_213 = arith.constant 1 : i32
      %add3A_214 = arith.addi %while3A_212, %add3A_213 : i32
      %eq3A_215 = vector.broadcast %add3A_214 : i32 to vector<8x328x128xi32>
      %eq3A_216 = arith.cmpi eq, %add3A_47, %eq3A_215 : vector<8x328x128xi32>
      %and3A = arith.andi %ge3A_6, %eq3A_216 : vector<8x328x128xi1>
      %jit3A = arith.constant 0.000000e+00 : f32
      %broadcast_in_dim3A_217 = vector.broadcast %jit3A : f32 to vector<8x328x128xf32>
      %select_n3A = arith.select %and3A, %get3A_2, %broadcast_in_dim3A_217 : vector<8x328x128xi1>, vector<8x328x128xf32>
      %reduce_sum3A_218 = arith.constant dense<0.000000e+00> : vector<8x128xf32>
      %reduce_sum3A_219 = vector.multi_reduction <add>, %select_n3A, %reduce_sum3A_218 [1] : vector<8x328x128xf32> to vector<8x128xf32>
      %get3A_220 = arith.constant 0 : index
      %get3A_221 = arith.constant 0 : index
      %get3A_222 = arith.constant 0 : index
      %get3A_223 = vector.load %arg1[%get3A_220, %get3A_221, %get3A_222] : memref<8x328x128xf32, #tpu.memory_space<vmem>>, vector<8x328x128xf32>
      %jit3A_224 = arith.constant 0.000000e+00 : f32
      %broadcast_in_dim3A_225 = vector.broadcast %jit3A_224 : f32 to vector<8x328x128xf32>
      %select_n3A_226 = arith.select %and3A, %get3A_223, %broadcast_in_dim3A_225 : vector<8x328x128xi1>, vector<8x328x128xf32>
      %reduce_sum3A_227 = arith.constant dense<0.000000e+00> : vector<8x128xf32>
      %reduce_sum3A_228 = vector.multi_reduction <add>, %select_n3A_226, %reduce_sum3A_227 [1] : vector<8x328x128xf32> to vector<8x128xf32>
      %get3A_229 = arith.constant 0 : index
      %get3A_230 = arith.constant 0 : index
      %get3A_231 = arith.constant 0 : index
      %get3A_232 = vector.load %arg2[%get3A_229, %get3A_230, %get3A_231] : memref<8x328x128xf32, #tpu.memory_space<vmem>>, vector<8x328x128xf32>
      %jit3A_233 = arith.constant 0.000000e+00 : f32
      %broadcast_in_dim3A_234 = vector.broadcast %jit3A_233 : f32 to vector<8x328x128xf32>
      %select_n3A_235 = arith.select %and3A, %get3A_232, %broadcast_in_dim3A_234 : vector<8x328x128xi1>, vector<8x328x128xf32>
      %reduce_sum3A_236 = arith.constant dense<0.000000e+00> : vector<8x128xf32>
      %reduce_sum3A_237 = vector.multi_reduction <add>, %select_n3A_235, %reduce_sum3A_236 [1] : vector<8x328x128xf32> to vector<8x128xf32>
      %get3A_238 = arith.constant 0 : index
      %get3A_239 = arith.constant 0 : index
      %get3A_240 = arith.constant 0 : index
      %get3A_241 = vector.load %arg3[%get3A_238, %get3A_239, %get3A_240] : memref<8x328x128xf32, #tpu.memory_space<vmem>>, vector<8x328x128xf32>
      %jit3A_242 = arith.constant 0.000000e+00 : f32
      %broadcast_in_dim3A_243 = vector.broadcast %jit3A_242 : f32 to vector<8x328x128xf32>
      %select_n3A_244 = arith.select %and3A, %get3A_241, %broadcast_in_dim3A_243 : vector<8x328x128xi1>, vector<8x328x128xf32>
      %reduce_sum3A_245 = arith.constant dense<0.000000e+00> : vector<8x128xf32>
      %reduce_sum3A_246 = vector.multi_reduction <add>, %select_n3A_244, %reduce_sum3A_245 [1] : vector<8x328x128xf32> to vector<8x128xf32>
      %get3A_247 = arith.constant 0 : index
      %get3A_248 = arith.constant 0 : index
      %get3A_249 = arith.constant 0 : index
      %get3A_250 = vector.load %arg4[%get3A_247, %get3A_248, %get3A_249] : memref<8x328x128xf32, #tpu.memory_space<vmem>>, vector<8x328x128xf32>
      %jit3A_251 = arith.constant 0.000000e+00 : f32
      %broadcast_in_dim3A_252 = vector.broadcast %jit3A_251 : f32 to vector<8x328x128xf32>
      %select_n3A_253 = arith.select %and3A, %get3A_250, %broadcast_in_dim3A_252 : vector<8x328x128xi1>, vector<8x328x128xf32>
      %reduce_sum3A_254 = arith.constant dense<0.000000e+00> : vector<8x128xf32>
      %reduce_sum3A_255 = vector.multi_reduction <add>, %select_n3A_253, %reduce_sum3A_254 [1] : vector<8x328x128xf32> to vector<8x128xf32>
      %jit3A_256 = arith.constant 0.000000e+00 : f32
      %broadcast_in_dim3A_257 = vector.broadcast %jit3A_256 : f32 to vector<8x328x128xf32>
      %select_n3A_258 = arith.select %and3A, %convert_element_type3A_143, %broadcast_in_dim3A_257 : vector<8x328x128xi1>, vector<8x328x128xf32>
      %reduce_sum3A_259 = arith.constant dense<0.000000e+00> : vector<8x128xf32>
      %reduce_sum3A_260 = vector.multi_reduction <add>, %select_n3A_258, %reduce_sum3A_259 [1] : vector<8x328x128xf32> to vector<8x128xf32>
      %jit3A_261 = arith.constant 0.000000e+00 : f32
      %broadcast_in_dim3A_262 = vector.broadcast %jit3A_261 : f32 to vector<8x328x128xf32>
      %select_n3A_263 = arith.select %and3A, %convert_element_type3A_138, %broadcast_in_dim3A_262 : vector<8x328x128xi1>, vector<8x328x128xf32>
      %reduce_sum3A_264 = arith.constant dense<0.000000e+00> : vector<8x128xf32>
      %reduce_sum3A_265 = vector.multi_reduction <add>, %select_n3A_263, %reduce_sum3A_264 [1] : vector<8x328x128xf32> to vector<8x128xf32>
      %dot_general3A = arith.constant dense<0.000000e+00> : vector<128x8xf32>
      %dot_general3A_266 = tpu.matmul %reduce_sum3A_265, %convert_element_type3A_147, %dot_general3A {dimension_numbers = #tpu.dot_dimension_numbers<[0], [0], [1], [1], [0, 1, 1, 1], [], []>, precision = #tpu.contract_precision<fp32>, transpose_lhs_hint = false} : vector<8x128xf32>, vector<8x8xf32>, vector<128x8xf32> -> vector<128x8xf32>
      %slice3A_267 = vector.extract_strided_slice %dot_general3A_266 {offsets = [0, 0], sizes = [128, 1], strides = [1, 1]} : vector<128x8xf32> to vector<128x1xf32>
      %sub3A_268 = vector.broadcast %slice3A_267 : vector<128x1xf32> to vector<128x1024xf32>
      %sub3A_269 = vector.broadcast %convert_element_type3A_149 : vector<1x1024xf32> to vector<128x1024xf32>
      %sub3A_270 = arith.subf %sub3A_268, %sub3A_269 : vector<128x1024xf32>
      %abs3A = math.absf %sub3A_270 : vector<128x1024xf32>
      %lt3A = arith.constant 5.000000e-01 : f32
      %lt3A_271 = vector.broadcast %lt3A : f32 to vector<128x1024xf32>
      %lt3A_272 = arith.cmpf olt, %abs3A, %lt3A_271 : vector<128x1024xf32>
      %convert_element_type3A_273 = arith.extui %lt3A_272 : vector<128x1024xi1> to vector<128x1024xi32>
      %convert_element_type3A_274 = arith.sitofp %convert_element_type3A_273 : vector<128x1024xi32> to vector<128x1024xf32>
      %slice3A_275 = vector.extract_strided_slice %reduce_sum3A_219 {offsets = [0, 0], sizes = [1, 128], strides = [1, 1]} : vector<8x128xf32> to vector<1x128xf32>
      %slice3A_276 = vector.extract_strided_slice %reduce_sum3A_228 {offsets = [0, 0], sizes = [1, 128], strides = [1, 1]} : vector<8x128xf32> to vector<1x128xf32>
      %slice3A_277 = vector.extract_strided_slice %reduce_sum3A_237 {offsets = [0, 0], sizes = [1, 128], strides = [1, 1]} : vector<8x128xf32> to vector<1x128xf32>
      %slice3A_278 = vector.extract_strided_slice %reduce_sum3A_246 {offsets = [0, 0], sizes = [1, 128], strides = [1, 1]} : vector<8x128xf32> to vector<1x128xf32>
      %slice3A_279 = vector.extract_strided_slice %reduce_sum3A_255 {offsets = [0, 0], sizes = [1, 128], strides = [1, 1]} : vector<8x128xf32> to vector<1x128xf32>
      %slice3A_280 = vector.extract_strided_slice %reduce_sum3A_260 {offsets = [0, 0], sizes = [1, 128], strides = [1, 1]} : vector<8x128xf32> to vector<1x128xf32>
      %concatenate3A_281 = tpu.concatenate %slice3A_275, %slice3A_276, %slice3A_277, %slice3A_278, %slice3A_279, %slice3A_280 in 0 : vector<1x128xf32>, vector<1x128xf32>, vector<1x128xf32>, vector<1x128xf32>, vector<1x128xf32>, vector<1x128xf32> -> vector<6x128xf32>
      %dot_general3A_282 = arith.constant dense<0.000000e+00> : vector<6x1024xf32>
      %dot_general3A_283 = tpu.matmul %concatenate3A_281, %convert_element_type3A_274, %dot_general3A_282 {dimension_numbers = #tpu.dot_dimension_numbers<[1], [0], [0], [1], [0, 0, 1, 1], [], []>, precision = #tpu.contract_precision<fp32>, transpose_lhs_hint = false} : vector<6x128xf32>, vector<128x1024xf32>, vector<6x1024xf32> -> vector<6x1024xf32>
      %get3A_284 = arith.constant 0 : index
      %get3A_285 = arith.constant 0 : index
      %get3A_286 = arith.constant 0 : index
      %get3A_287 = vector.load %arg12[%get3A_284, %get3A_285, %get3A_286] : memref<8x8x1024xf32, #tpu.memory_space<vmem>>, vector<1x6x1024xf32>
      %get3A_288 = vector.shape_cast %get3A_287 : vector<1x6x1024xf32> to vector<6x1024xf32>
      %add3A_289 = arith.addf %get3A_288, %dot_general3A_283 : vector<6x1024xf32>
      %swap3A_290 = arith.constant 0 : index
      %swap3A_291 = arith.constant 0 : index
      %swap3A_292 = arith.constant 0 : index
      %swap3A_293 = vector.load %arg12[%swap3A_290, %swap3A_291, %swap3A_292] : memref<8x8x1024xf32, #tpu.memory_space<vmem>>, vector<1x6x1024xf32>
      %swap3A_294 = vector.shape_cast %swap3A_293 : vector<1x6x1024xf32> to vector<6x1024xf32>
      %swap3A_295 = vector.shape_cast %add3A_289 : vector<6x1024xf32> to vector<1x6x1024xf32>
      tpu.vector_store %arg12[%swap3A_290, %swap3A_291, %swap3A_292], %swap3A_295 {strides = array<i32>} : memref<8x8x1024xf32, #tpu.memory_space<vmem>>, vector<1x6x1024xf32>,
      %slice3A_296 = vector.extract_strided_slice %dot_general3A_266 {offsets = [0, 1], sizes = [128, 1], strides = [1, 1]} : vector<128x8xf32> to vector<128x1xf32>
      %sub3A_297 = vector.broadcast %slice3A_296 : vector<128x1xf32> to vector<128x1024xf32>
      %sub3A_298 = vector.broadcast %convert_element_type3A_149 : vector<1x1024xf32> to vector<128x1024xf32>
      %sub3A_299 = arith.subf %sub3A_297, %sub3A_298 : vector<128x1024xf32>
      %abs3A_300 = math.absf %sub3A_299 : vector<128x1024xf32>
      %lt3A_301 = arith.constant 5.000000e-01 : f32
      %lt3A_302 = vector.broadcast %lt3A_301 : f32 to vector<128x1024xf32>
      %lt3A_303 = arith.cmpf olt, %abs3A_300, %lt3A_302 : vector<128x1024xf32>
      %convert_element_type3A_304 = arith.extui %lt3A_303 : vector<128x1024xi1> to vector<128x1024xi32>
      %convert_element_type3A_305 = arith.sitofp %convert_element_type3A_304 : vector<128x1024xi32> to vector<128x1024xf32>
      %slice3A_306 = vector.extract_strided_slice %reduce_sum3A_219 {offsets = [1, 0], sizes = [1, 128], strides = [1, 1]} : vector<8x128xf32> to vector<1x128xf32>
      %slice3A_307 = vector.extract_strided_slice %reduce_sum3A_228 {offsets = [1, 0], sizes = [1, 128], strides = [1, 1]} : vector<8x128xf32> to vector<1x128xf32>
      %slice3A_308 = vector.extract_strided_slice %reduce_sum3A_237 {offsets = [1, 0], sizes = [1, 128], strides = [1, 1]} : vector<8x128xf32> to vector<1x128xf32>
      %slice3A_309 = vector.extract_strided_slice %reduce_sum3A_246 {offsets = [1, 0], sizes = [1, 128], strides = [1, 1]} : vector<8x128xf32> to vector<1x128xf32>
      %slice3A_310 = vector.extract_strided_slice %reduce_sum3A_255 {offsets = [1, 0], sizes = [1, 128], strides = [1, 1]} : vector<8x128xf32> to vector<1x128xf32>
      %slice3A_311 = vector.extract_strided_slice %reduce_sum3A_260 {offsets = [1, 0], sizes = [1, 128], strides = [1, 1]} : vector<8x128xf32> to vector<1x128xf32>
      %concatenate3A_312 = tpu.concatenate %slice3A_306, %slice3A_307, %slice3A_308, %slice3A_309, %slice3A_310, %slice3A_311 in 0 : vector<1x128xf32>, vector<1x128xf32>, vector<1x128xf32>, vector<1x128xf32>, vector<1x128xf32>, vector<1x128xf32> -> vector<6x128xf32>
      %dot_general3A_313 = arith.constant dense<0.000000e+00> : vector<6x1024xf32>
      %dot_general3A_314 = tpu.matmul %concatenate3A_312, %convert_element_type3A_305, %dot_general3A_313 {dimension_numbers = #tpu.dot_dimension_numbers<[1], [0], [0], [1], [0, 0, 1, 1], [], []>, precision = #tpu.contract_precision<fp32>, transpose_lhs_hint = false} : vector<6x128xf32>, vector<128x1024xf32>, vector<6x1024xf32> -> vector<6x1024xf32>
      %get3A_315 = arith.constant 1 : index
      %get3A_316 = arith.constant 0 : index
      %get3A_317 = arith.constant 0 : index
      %get3A_318 = vector.load %arg12[%get3A_315, %get3A_316, %get3A_317] : memref<8x8x1024xf32, #tpu.memory_space<vmem>>, vector<1x6x1024xf32>
      %get3A_319 = vector.shape_cast %get3A_318 : vector<1x6x1024xf32> to vector<6x1024xf32>
      %add3A_320 = arith.addf %get3A_319, %dot_general3A_314 : vector<6x1024xf32>
      %swap3A_321 = arith.constant 1 : index
      %swap3A_322 = arith.constant 0 : index
      %swap3A_323 = arith.constant 0 : index
      %swap3A_324 = vector.load %arg12[%swap3A_321, %swap3A_322, %swap3A_323] : memref<8x8x1024xf32, #tpu.memory_space<vmem>>, vector<1x6x1024xf32>
      %swap3A_325 = vector.shape_cast %swap3A_324 : vector<1x6x1024xf32> to vector<6x1024xf32>
      %swap3A_326 = vector.shape_cast %add3A_320 : vector<6x1024xf32> to vector<1x6x1024xf32>
      tpu.vector_store %arg12[%swap3A_321, %swap3A_322, %swap3A_323], %swap3A_326 {strides = array<i32>} : memref<8x8x1024xf32, #tpu.memory_space<vmem>>, vector<1x6x1024xf32>,
      %slice3A_327 = vector.extract_strided_slice %dot_general3A_266 {offsets = [0, 2], sizes = [128, 1], strides = [1, 1]} : vector<128x8xf32> to vector<128x1xf32>
      %sub3A_328 = vector.broadcast %slice3A_327 : vector<128x1xf32> to vector<128x1024xf32>
      %sub3A_329 = vector.broadcast %convert_element_type3A_149 : vector<1x1024xf32> to vector<128x1024xf32>
      %sub3A_330 = arith.subf %sub3A_328, %sub3A_329 : vector<128x1024xf32>
      %abs3A_331 = math.absf %sub3A_330 : vector<128x1024xf32>
      %lt3A_332 = arith.constant 5.000000e-01 : f32
      %lt3A_333 = vector.broadcast %lt3A_332 : f32 to vector<128x1024xf32>
      %lt3A_334 = arith.cmpf olt, %abs3A_331, %lt3A_333 : vector<128x1024xf32>
      %convert_element_type3A_335 = arith.extui %lt3A_334 : vector<128x1024xi1> to vector<128x1024xi32>
      %convert_element_type3A_336 = arith.sitofp %convert_element_type3A_335 : vector<128x1024xi32> to vector<128x1024xf32>
      %slice3A_337 = vector.extract_strided_slice %reduce_sum3A_219 {offsets = [2, 0], sizes = [1, 128], strides = [1, 1]} : vector<8x128xf32> to vector<1x128xf32>
      %slice3A_338 = vector.extract_strided_slice %reduce_sum3A_228 {offsets = [2, 0], sizes = [1, 128], strides = [1, 1]} : vector<8x128xf32> to vector<1x128xf32>
      %slice3A_339 = vector.extract_strided_slice %reduce_sum3A_237 {offsets = [2, 0], sizes = [1, 128], strides = [1, 1]} : vector<8x128xf32> to vector<1x128xf32>
      %slice3A_340 = vector.extract_strided_slice %reduce_sum3A_246 {offsets = [2, 0], sizes = [1, 128], strides = [1, 1]} : vector<8x128xf32> to vector<1x128xf32>
      %slice3A_341 = vector.extract_strided_slice %reduce_sum3A_255 {offsets = [2, 0], sizes = [1, 128], strides = [1, 1]} : vector<8x128xf32> to vector<1x128xf32>
      %slice3A_342 = vector.extract_strided_slice %reduce_sum3A_260 {offsets = [2, 0], sizes = [1, 128], strides = [1, 1]} : vector<8x128xf32> to vector<1x128xf32>
      %concatenate3A_343 = tpu.concatenate %slice3A_337, %slice3A_338, %slice3A_339, %slice3A_340, %slice3A_341, %slice3A_342 in 0 : vector<1x128xf32>, vector<1x128xf32>, vector<1x128xf32>, vector<1x128xf32>, vector<1x128xf32>, vector<1x128xf32> -> vector<6x128xf32>
      %dot_general3A_344 = arith.constant dense<0.000000e+00> : vector<6x1024xf32>
      %dot_general3A_345 = tpu.matmul %concatenate3A_343, %convert_element_type3A_336, %dot_general3A_344 {dimension_numbers = #tpu.dot_dimension_numbers<[1], [0], [0], [1], [0, 0, 1, 1], [], []>, precision = #tpu.contract_precision<fp32>, transpose_lhs_hint = false} : vector<6x128xf32>, vector<128x1024xf32>, vector<6x1024xf32> -> vector<6x1024xf32>
      %get3A_346 = arith.constant 2 : index
      %get3A_347 = arith.constant 0 : index
      %get3A_348 = arith.constant 0 : index
      %get3A_349 = vector.load %arg12[%get3A_346, %get3A_347, %get3A_348] : memref<8x8x1024xf32, #tpu.memory_space<vmem>>, vector<1x6x1024xf32>
      %get3A_350 = vector.shape_cast %get3A_349 : vector<1x6x1024xf32> to vector<6x1024xf32>
      %add3A_351 = arith.addf %get3A_350, %dot_general3A_345 : vector<6x1024xf32>
      %swap3A_352 = arith.constant 2 : index
      %swap3A_353 = arith.constant 0 : index
      %swap3A_354 = arith.constant 0 : index
      %swap3A_355 = vector.load %arg12[%swap3A_352, %swap3A_353, %swap3A_354] : memref<8x8x1024xf32, #tpu.memory_space<vmem>>, vector<1x6x1024xf32>
      %swap3A_356 = vector.shape_cast %swap3A_355 : vector<1x6x1024xf32> to vector<6x1024xf32>
      %swap3A_357 = vector.shape_cast %add3A_351 : vector<6x1024xf32> to vector<1x6x1024xf32>
      tpu.vector_store %arg12[%swap3A_352, %swap3A_353, %swap3A_354], %swap3A_357 {strides = array<i32>} : memref<8x8x1024xf32, #tpu.memory_space<vmem>>, vector<1x6x1024xf32>,
      %slice3A_358 = vector.extract_strided_slice %dot_general3A_266 {offsets = [0, 3], sizes = [128, 1], strides = [1, 1]} : vector<128x8xf32> to vector<128x1xf32>
      %sub3A_359 = vector.broadcast %slice3A_358 : vector<128x1xf32> to vector<128x1024xf32>
      %sub3A_360 = vector.broadcast %convert_element_type3A_149 : vector<1x1024xf32> to vector<128x1024xf32>
      %sub3A_361 = arith.subf %sub3A_359, %sub3A_360 : vector<128x1024xf32>
      %abs3A_362 = math.absf %sub3A_361 : vector<128x1024xf32>
      %lt3A_363 = arith.constant 5.000000e-01 : f32
      %lt3A_364 = vector.broadcast %lt3A_363 : f32 to vector<128x1024xf32>
      %lt3A_365 = arith.cmpf olt, %abs3A_362, %lt3A_364 : vector<128x1024xf32>
      %convert_element_type3A_366 = arith.extui %lt3A_365 : vector<128x1024xi1> to vector<128x1024xi32>
      %convert_element_type3A_367 = arith.sitofp %convert_element_type3A_366 : vector<128x1024xi32> to vector<128x1024xf32>
      %slice3A_368 = vector.extract_strided_slice %reduce_sum3A_219 {offsets = [3, 0], sizes = [1, 128], strides = [1, 1]} : vector<8x128xf32> to vector<1x128xf32>
      %slice3A_369 = vector.extract_strided_slice %reduce_sum3A_228 {offsets = [3, 0], sizes = [1, 128], strides = [1, 1]} : vector<8x128xf32> to vector<1x128xf32>
      %slice3A_370 = vector.extract_strided_slice %reduce_sum3A_237 {offsets = [3, 0], sizes = [1, 128], strides = [1, 1]} : vector<8x128xf32> to vector<1x128xf32>
      %slice3A_371 = vector.extract_strided_slice %reduce_sum3A_246 {offsets = [3, 0], sizes = [1, 128], strides = [1, 1]} : vector<8x128xf32> to vector<1x128xf32>
      %slice3A_372 = vector.extract_strided_slice %reduce_sum3A_255 {offsets = [3, 0], sizes = [1, 128], strides = [1, 1]} : vector<8x128xf32> to vector<1x128xf32>
      %slice3A_373 = vector.extract_strided_slice %reduce_sum3A_260 {offsets = [3, 0], sizes = [1, 128], strides = [1, 1]} : vector<8x128xf32> to vector<1x128xf32>
      %concatenate3A_374 = tpu.concatenate %slice3A_368, %slice3A_369, %slice3A_370, %slice3A_371, %slice3A_372, %slice3A_373 in 0 : vector<1x128xf32>, vector<1x128xf32>, vector<1x128xf32>, vector<1x128xf32>, vector<1x128xf32>, vector<1x128xf32> -> vector<6x128xf32>
      %dot_general3A_375 = arith.constant dense<0.000000e+00> : vector<6x1024xf32>
      %dot_general3A_376 = tpu.matmul %concatenate3A_374, %convert_element_type3A_367, %dot_general3A_375 {dimension_numbers = #tpu.dot_dimension_numbers<[1], [0], [0], [1], [0, 0, 1, 1], [], []>, precision = #tpu.contract_precision<fp32>, transpose_lhs_hint = false} : vector<6x128xf32>, vector<128x1024xf32>, vector<6x1024xf32> -> vector<6x1024xf32>
      %get3A_377 = arith.constant 3 : index
      %get3A_378 = arith.constant 0 : index
      %get3A_379 = arith.constant 0 : index
      %get3A_380 = vector.load %arg12[%get3A_377, %get3A_378, %get3A_379] : memref<8x8x1024xf32, #tpu.memory_space<vmem>>, vector<1x6x1024xf32>
      %get3A_381 = vector.shape_cast %get3A_380 : vector<1x6x1024xf32> to vector<6x1024xf32>
      %add3A_382 = arith.addf %get3A_381, %dot_general3A_376 : vector<6x1024xf32>
      %swap3A_383 = arith.constant 3 : index
      %swap3A_384 = arith.constant 0 : index
      %swap3A_385 = arith.constant 0 : index
      %swap3A_386 = vector.load %arg12[%swap3A_383, %swap3A_384, %swap3A_385] : memref<8x8x1024xf32, #tpu.memory_space<vmem>>, vector<1x6x1024xf32>
      %swap3A_387 = vector.shape_cast %swap3A_386 : vector<1x6x1024xf32> to vector<6x1024xf32>
      %swap3A_388 = vector.shape_cast %add3A_382 : vector<6x1024xf32> to vector<1x6x1024xf32>
      tpu.vector_store %arg12[%swap3A_383, %swap3A_384, %swap3A_385], %swap3A_388 {strides = array<i32>} : memref<8x8x1024xf32, #tpu.memory_space<vmem>>, vector<1x6x1024xf32>,
      %slice3A_389 = vector.extract_strided_slice %dot_general3A_266 {offsets = [0, 4], sizes = [128, 1], strides = [1, 1]} : vector<128x8xf32> to vector<128x1xf32>
      %sub3A_390 = vector.broadcast %slice3A_389 : vector<128x1xf32> to vector<128x1024xf32>
      %sub3A_391 = vector.broadcast %convert_element_type3A_149 : vector<1x1024xf32> to vector<128x1024xf32>
      %sub3A_392 = arith.subf %sub3A_390, %sub3A_391 : vector<128x1024xf32>
      %abs3A_393 = math.absf %sub3A_392 : vector<128x1024xf32>
      %lt3A_394 = arith.constant 5.000000e-01 : f32
      %lt3A_395 = vector.broadcast %lt3A_394 : f32 to vector<128x1024xf32>
      %lt3A_396 = arith.cmpf olt, %abs3A_393, %lt3A_395 : vector<128x1024xf32>
      %convert_element_type3A_397 = arith.extui %lt3A_396 : vector<128x1024xi1> to vector<128x1024xi32>
      %convert_element_type3A_398 = arith.sitofp %convert_element_type3A_397 : vector<128x1024xi32> to vector<128x1024xf32>
      %slice3A_399 = vector.extract_strided_slice %reduce_sum3A_219 {offsets = [4, 0], sizes = [1, 128], strides = [1, 1]} : vector<8x128xf32> to vector<1x128xf32>
      %slice3A_400 = vector.extract_strided_slice %reduce_sum3A_228 {offsets = [4, 0], sizes = [1, 128], strides = [1, 1]} : vector<8x128xf32> to vector<1x128xf32>
      %slice3A_401 = vector.extract_strided_slice %reduce_sum3A_237 {offsets = [4, 0], sizes = [1, 128], strides = [1, 1]} : vector<8x128xf32> to vector<1x128xf32>
      %slice3A_402 = vector.extract_strided_slice %reduce_sum3A_246 {offsets = [4, 0], sizes = [1, 128], strides = [1, 1]} : vector<8x128xf32> to vector<1x128xf32>
      %slice3A_403 = vector.extract_strided_slice %reduce_sum3A_255 {offsets = [4, 0], sizes = [1, 128], strides = [1, 1]} : vector<8x128xf32> to vector<1x128xf32>
      %slice3A_404 = vector.extract_strided_slice %reduce_sum3A_260 {offsets = [4, 0], sizes = [1, 128], strides = [1, 1]} : vector<8x128xf32> to vector<1x128xf32>
      %concatenate3A_405 = tpu.concatenate %slice3A_399, %slice3A_400, %slice3A_401, %slice3A_402, %slice3A_403, %slice3A_404 in 0 : vector<1x128xf32>, vector<1x128xf32>, vector<1x128xf32>, vector<1x128xf32>, vector<1x128xf32>, vector<1x128xf32> -> vector<6x128xf32>
      %dot_general3A_406 = arith.constant dense<0.000000e+00> : vector<6x1024xf32>
      %dot_general3A_407 = tpu.matmul %concatenate3A_405, %convert_element_type3A_398, %dot_general3A_406 {dimension_numbers = #tpu.dot_dimension_numbers<[1], [0], [0], [1], [0, 0, 1, 1], [], []>, precision = #tpu.contract_precision<fp32>, transpose_lhs_hint = false} : vector<6x128xf32>, vector<128x1024xf32>, vector<6x1024xf32> -> vector<6x1024xf32>
      %get3A_408 = arith.constant 4 : index
      %get3A_409 = arith.constant 0 : index
      %get3A_410 = arith.constant 0 : index
      %get3A_411 = vector.load %arg12[%get3A_408, %get3A_409, %get3A_410] : memref<8x8x1024xf32, #tpu.memory_space<vmem>>, vector<1x6x1024xf32>
      %get3A_412 = vector.shape_cast %get3A_411 : vector<1x6x1024xf32> to vector<6x1024xf32>
      %add3A_413 = arith.addf %get3A_412, %dot_general3A_407 : vector<6x1024xf32>
      %swap3A_414 = arith.constant 4 : index
      %swap3A_415 = arith.constant 0 : index
      %swap3A_416 = arith.constant 0 : index
      %swap3A_417 = vector.load %arg12[%swap3A_414, %swap3A_415, %swap3A_416] : memref<8x8x1024xf32, #tpu.memory_space<vmem>>, vector<1x6x1024xf32>
      %swap3A_418 = vector.shape_cast %swap3A_417 : vector<1x6x1024xf32> to vector<6x1024xf32>
      %swap3A_419 = vector.shape_cast %add3A_413 : vector<6x1024xf32> to vector<1x6x1024xf32>
      tpu.vector_store %arg12[%swap3A_414, %swap3A_415, %swap3A_416], %swap3A_419 {strides = array<i32>} : memref<8x8x1024xf32, #tpu.memory_space<vmem>>, vector<1x6x1024xf32>,
      %slice3A_420 = vector.extract_strided_slice %dot_general3A_266 {offsets = [0, 5], sizes = [128, 1], strides = [1, 1]} : vector<128x8xf32> to vector<128x1xf32>
      %sub3A_421 = vector.broadcast %slice3A_420 : vector<128x1xf32> to vector<128x1024xf32>
      %sub3A_422 = vector.broadcast %convert_element_type3A_149 : vector<1x1024xf32> to vector<128x1024xf32>
      %sub3A_423 = arith.subf %sub3A_421, %sub3A_422 : vector<128x1024xf32>
      %abs3A_424 = math.absf %sub3A_423 : vector<128x1024xf32>
      %lt3A_425 = arith.constant 5.000000e-01 : f32
      %lt3A_426 = vector.broadcast %lt3A_425 : f32 to vector<128x1024xf32>
      %lt3A_427 = arith.cmpf olt, %abs3A_424, %lt3A_426 : vector<128x1024xf32>
      %convert_element_type3A_428 = arith.extui %lt3A_427 : vector<128x1024xi1> to vector<128x1024xi32>
      %convert_element_type3A_429 = arith.sitofp %convert_element_type3A_428 : vector<128x1024xi32> to vector<128x1024xf32>
      %slice3A_430 = vector.extract_strided_slice %reduce_sum3A_219 {offsets = [5, 0], sizes = [1, 128], strides = [1, 1]} : vector<8x128xf32> to vector<1x128xf32>
      %slice3A_431 = vector.extract_strided_slice %reduce_sum3A_228 {offsets = [5, 0], sizes = [1, 128], strides = [1, 1]} : vector<8x128xf32> to vector<1x128xf32>
      %slice3A_432 = vector.extract_strided_slice %reduce_sum3A_237 {offsets = [5, 0], sizes = [1, 128], strides = [1, 1]} : vector<8x128xf32> to vector<1x128xf32>
      %slice3A_433 = vector.extract_strided_slice %reduce_sum3A_246 {offsets = [5, 0], sizes = [1, 128], strides = [1, 1]} : vector<8x128xf32> to vector<1x128xf32>
      %slice3A_434 = vector.extract_strided_slice %reduce_sum3A_255 {offsets = [5, 0], sizes = [1, 128], strides = [1, 1]} : vector<8x128xf32> to vector<1x128xf32>
      %slice3A_435 = vector.extract_strided_slice %reduce_sum3A_260 {offsets = [5, 0], sizes = [1, 128], strides = [1, 1]} : vector<8x128xf32> to vector<1x128xf32>
      %concatenate3A_436 = tpu.concatenate %slice3A_430, %slice3A_431, %slice3A_432, %slice3A_433, %slice3A_434, %slice3A_435 in 0 : vector<1x128xf32>, vector<1x128xf32>, vector<1x128xf32>, vector<1x128xf32>, vector<1x128xf32>, vector<1x128xf32> -> vector<6x128xf32>
      %dot_general3A_437 = arith.constant dense<0.000000e+00> : vector<6x1024xf32>
      %dot_general3A_438 = tpu.matmul %concatenate3A_436, %convert_element_type3A_429, %dot_general3A_437 {dimension_numbers = #tpu.dot_dimension_numbers<[1], [0], [0], [1], [0, 0, 1, 1], [], []>, precision = #tpu.contract_precision<fp32>, transpose_lhs_hint = false} : vector<6x128xf32>, vector<128x1024xf32>, vector<6x1024xf32> -> vector<6x1024xf32>
      %get3A_439 = arith.constant 5 : index
      %get3A_440 = arith.constant 0 : index
      %get3A_441 = arith.constant 0 : index
      %get3A_442 = vector.load %arg12[%get3A_439, %get3A_440, %get3A_441] : memref<8x8x1024xf32, #tpu.memory_space<vmem>>, vector<1x6x1024xf32>
      %get3A_443 = vector.shape_cast %get3A_442 : vector<1x6x1024xf32> to vector<6x1024xf32>
      %add3A_444 = arith.addf %get3A_443, %dot_general3A_438 : vector<6x1024xf32>
      %swap3A_445 = arith.constant 5 : index
      %swap3A_446 = arith.constant 0 : index
      %swap3A_447 = arith.constant 0 : index
      %swap3A_448 = vector.load %arg12[%swap3A_445, %swap3A_446, %swap3A_447] : memref<8x8x1024xf32, #tpu.memory_space<vmem>>, vector<1x6x1024xf32>
      %swap3A_449 = vector.shape_cast %swap3A_448 : vector<1x6x1024xf32> to vector<6x1024xf32>
      %swap3A_450 = vector.shape_cast %add3A_444 : vector<6x1024xf32> to vector<1x6x1024xf32>
      tpu.vector_store %arg12[%swap3A_445, %swap3A_446, %swap3A_447], %swap3A_450 {strides = array<i32>} : memref<8x8x1024xf32, #tpu.memory_space<vmem>>, vector<1x6x1024xf32>,
      %slice3A_451 = vector.extract_strided_slice %dot_general3A_266 {offsets = [0, 6], sizes = [128, 1], strides = [1, 1]} : vector<128x8xf32> to vector<128x1xf32>
      %sub3A_452 = vector.broadcast %slice3A_451 : vector<128x1xf32> to vector<128x1024xf32>
      %sub3A_453 = vector.broadcast %convert_element_type3A_149 : vector<1x1024xf32> to vector<128x1024xf32>
      %sub3A_454 = arith.subf %sub3A_452, %sub3A_453 : vector<128x1024xf32>
      %abs3A_455 = math.absf %sub3A_454 : vector<128x1024xf32>
      %lt3A_456 = arith.constant 5.000000e-01 : f32
      %lt3A_457 = vector.broadcast %lt3A_456 : f32 to vector<128x1024xf32>
      %lt3A_458 = arith.cmpf olt, %abs3A_455, %lt3A_457 : vector<128x1024xf32>
      %convert_element_type3A_459 = arith.extui %lt3A_458 : vector<128x1024xi1> to vector<128x1024xi32>
      %convert_element_type3A_460 = arith.sitofp %convert_element_type3A_459 : vector<128x1024xi32> to vector<128x1024xf32>
      %slice3A_461 = vector.extract_strided_slice %reduce_sum3A_219 {offsets = [6, 0], sizes = [1, 128], strides = [1, 1]} : vector<8x128xf32> to vector<1x128xf32>
      %slice3A_462 = vector.extract_strided_slice %reduce_sum3A_228 {offsets = [6, 0], sizes = [1, 128], strides = [1, 1]} : vector<8x128xf32> to vector<1x128xf32>
      %slice3A_463 = vector.extract_strided_slice %reduce_sum3A_237 {offsets = [6, 0], sizes = [1, 128], strides = [1, 1]} : vector<8x128xf32> to vector<1x128xf32>
      %slice3A_464 = vector.extract_strided_slice %reduce_sum3A_246 {offsets = [6, 0], sizes = [1, 128], strides = [1, 1]} : vector<8x128xf32> to vector<1x128xf32>
      %slice3A_465 = vector.extract_strided_slice %reduce_sum3A_255 {offsets = [6, 0], sizes = [1, 128], strides = [1, 1]} : vector<8x128xf32> to vector<1x128xf32>
      %slice3A_466 = vector.extract_strided_slice %reduce_sum3A_260 {offsets = [6, 0], sizes = [1, 128], strides = [1, 1]} : vector<8x128xf32> to vector<1x128xf32>
      %concatenate3A_467 = tpu.concatenate %slice3A_461, %slice3A_462, %slice3A_463, %slice3A_464, %slice3A_465, %slice3A_466 in 0 : vector<1x128xf32>, vector<1x128xf32>, vector<1x128xf32>, vector<1x128xf32>, vector<1x128xf32>, vector<1x128xf32> -> vector<6x128xf32>
      %dot_general3A_468 = arith.constant dense<0.000000e+00> : vector<6x1024xf32>
      %dot_general3A_469 = tpu.matmul %concatenate3A_467, %convert_element_type3A_460, %dot_general3A_468 {dimension_numbers = #tpu.dot_dimension_numbers<[1], [0], [0], [1], [0, 0, 1, 1], [], []>, precision = #tpu.contract_precision<fp32>, transpose_lhs_hint = false} : vector<6x128xf32>, vector<128x1024xf32>, vector<6x1024xf32> -> vector<6x1024xf32>
      %get3A_470 = arith.constant 6 : index
      %get3A_471 = arith.constant 0 : index
      %get3A_472 = arith.constant 0 : index
      %get3A_473 = vector.load %arg12[%get3A_470, %get3A_471, %get3A_472] : memref<8x8x1024xf32, #tpu.memory_space<vmem>>, vector<1x6x1024xf32>
      %get3A_474 = vector.shape_cast %get3A_473 : vector<1x6x1024xf32> to vector<6x1024xf32>
      %add3A_475 = arith.addf %get3A_474, %dot_general3A_469 : vector<6x1024xf32>
      %swap3A_476 = arith.constant 6 : index
      %swap3A_477 = arith.constant 0 : index
      %swap3A_478 = arith.constant 0 : index
      %swap3A_479 = vector.load %arg12[%swap3A_476, %swap3A_477, %swap3A_478] : memref<8x8x1024xf32, #tpu.memory_space<vmem>>, vector<1x6x1024xf32>
      %swap3A_480 = vector.shape_cast %swap3A_479 : vector<1x6x1024xf32> to vector<6x1024xf32>
      %swap3A_481 = vector.shape_cast %add3A_475 : vector<6x1024xf32> to vector<1x6x1024xf32>
      tpu.vector_store %arg12[%swap3A_476, %swap3A_477, %swap3A_478], %swap3A_481 {strides = array<i32>} : memref<8x8x1024xf32, #tpu.memory_space<vmem>>, vector<1x6x1024xf32>,
      %slice3A_482 = vector.extract_strided_slice %dot_general3A_266 {offsets = [0, 7], sizes = [128, 1], strides = [1, 1]} : vector<128x8xf32> to vector<128x1xf32>
      %sub3A_483 = vector.broadcast %slice3A_482 : vector<128x1xf32> to vector<128x1024xf32>
      %sub3A_484 = vector.broadcast %convert_element_type3A_149 : vector<1x1024xf32> to vector<128x1024xf32>
      %sub3A_485 = arith.subf %sub3A_483, %sub3A_484 : vector<128x1024xf32>
      %abs3A_486 = math.absf %sub3A_485 : vector<128x1024xf32>
      %lt3A_487 = arith.constant 5.000000e-01 : f32
      %lt3A_488 = vector.broadcast %lt3A_487 : f32 to vector<128x1024xf32>
      %lt3A_489 = arith.cmpf olt, %abs3A_486, %lt3A_488 : vector<128x1024xf32>
      %convert_element_type3A_490 = arith.extui %lt3A_489 : vector<128x1024xi1> to vector<128x1024xi32>
      %convert_element_type3A_491 = arith.sitofp %convert_element_type3A_490 : vector<128x1024xi32> to vector<128x1024xf32>
      %slice3A_492 = vector.extract_strided_slice %reduce_sum3A_219 {offsets = [7, 0], sizes = [1, 128], strides = [1, 1]} : vector<8x128xf32> to vector<1x128xf32>
      %slice3A_493 = vector.extract_strided_slice %reduce_sum3A_228 {offsets = [7, 0], sizes = [1, 128], strides = [1, 1]} : vector<8x128xf32> to vector<1x128xf32>
      %slice3A_494 = vector.extract_strided_slice %reduce_sum3A_237 {offsets = [7, 0], sizes = [1, 128], strides = [1, 1]} : vector<8x128xf32> to vector<1x128xf32>
      %slice3A_495 = vector.extract_strided_slice %reduce_sum3A_246 {offsets = [7, 0], sizes = [1, 128], strides = [1, 1]} : vector<8x128xf32> to vector<1x128xf32>
      %slice3A_496 = vector.extract_strided_slice %reduce_sum3A_255 {offsets = [7, 0], sizes = [1, 128], strides = [1, 1]} : vector<8x128xf32> to vector<1x128xf32>
      %slice3A_497 = vector.extract_strided_slice %reduce_sum3A_260 {offsets = [7, 0], sizes = [1, 128], strides = [1, 1]} : vector<8x128xf32> to vector<1x128xf32>
      %concatenate3A_498 = tpu.concatenate %slice3A_492, %slice3A_493, %slice3A_494, %slice3A_495, %slice3A_496, %slice3A_497 in 0 : vector<1x128xf32>, vector<1x128xf32>, vector<1x128xf32>, vector<1x128xf32>, vector<1x128xf32>, vector<1x128xf32> -> vector<6x128xf32>
      %dot_general3A_499 = arith.constant dense<0.000000e+00> : vector<6x1024xf32>
      %dot_general3A_500 = tpu.matmul %concatenate3A_498, %convert_element_type3A_491, %dot_general3A_499 {dimension_numbers = #tpu.dot_dimension_numbers<[1], [0], [0], [1], [0, 0, 1, 1], [], []>, precision = #tpu.contract_precision<fp32>, transpose_lhs_hint = false} : vector<6x128xf32>, vector<128x1024xf32>, vector<6x1024xf32> -> vector<6x1024xf32>
      %get3A_501 = arith.constant 7 : index
      %get3A_502 = arith.constant 0 : index
      %get3A_503 = arith.constant 0 : index
      %get3A_504 = vector.load %arg12[%get3A_501, %get3A_502, %get3A_503] : memref<8x8x1024xf32, #tpu.memory_space<vmem>>, vector<1x6x1024xf32>
      %get3A_505 = vector.shape_cast %get3A_504 : vector<1x6x1024xf32> to vector<6x1024xf32>
      %add3A_506 = arith.addf %get3A_505, %dot_general3A_500 : vector<6x1024xf32>
      %swap3A_507 = arith.constant 7 : index
      %swap3A_508 = arith.constant 0 : index
      %swap3A_509 = arith.constant 0 : index
      %swap3A_510 = vector.load %arg12[%swap3A_507, %swap3A_508, %swap3A_509] : memref<8x8x1024xf32, #tpu.memory_space<vmem>>, vector<1x6x1024xf32>
      %swap3A_511 = vector.shape_cast %swap3A_510 : vector<1x6x1024xf32> to vector<6x1024xf32>
      %swap3A_512 = vector.shape_cast %add3A_506 : vector<6x1024xf32> to vector<1x6x1024xf32>
      tpu.vector_store %arg12[%swap3A_507, %swap3A_508, %swap3A_509], %swap3A_512 {strides = array<i32>} : memref<8x8x1024xf32, #tpu.memory_space<vmem>>, vector<1x6x1024xf32>,
    }
    %get3A_164 = arith.constant 0 : index
    %get3A_165 = arith.constant 0 : index
    %get3A_166 = arith.constant 0 : index
    %get3A_167 = vector.load %arg12[%get3A_164, %get3A_165, %get3A_166] : memref<8x8x1024xf32, #tpu.memory_space<vmem>>, vector<8x1x1024xf32>
    %get3A_168 = vector.shape_cast %get3A_167 : vector<8x1x1024xf32> to vector<8x1024xf32>
    %swap3A_169 = arith.constant 0 : index
    %swap3A_170 = arith.constant 0 : index
    %swap3A_171 = vector.load %arg6[%swap3A_169, %swap3A_170] : memref<8x1024xf32, #tpu.memory_space<vmem>>, vector<8x1024xf32>
    tpu.vector_store %arg6[%swap3A_169, %swap3A_170], %get3A_168 {strides = array<i32>} : memref<8x1024xf32, #tpu.memory_space<vmem>>, vector<8x1024xf32>,
    %get3A_172 = arith.constant 0 : index
    %get3A_173 = arith.constant 1 : index
    %get3A_174 = arith.constant 0 : index
    %get3A_175 = vector.load %arg12[%get3A_172, %get3A_173, %get3A_174] : memref<8x8x1024xf32, #tpu.memory_space<vmem>>, vector<8x1x1024xf32>
    %get3A_176 = vector.shape_cast %get3A_175 : vector<8x1x1024xf32> to vector<8x1024xf32>
    %swap3A_177 = arith.constant 0 : index
    %swap3A_178 = arith.constant 0 : index
    %swap3A_179 = vector.load %arg7[%swap3A_177, %swap3A_178] : memref<8x1024xf32, #tpu.memory_space<vmem>>, vector<8x1024xf32>
    tpu.vector_store %arg7[%swap3A_177, %swap3A_178], %get3A_176 {strides = array<i32>} : memref<8x1024xf32, #tpu.memory_space<vmem>>, vector<8x1024xf32>,
    %get3A_180 = arith.constant 0 : index
    %get3A_181 = arith.constant 2 : index
    %get3A_182 = arith.constant 0 : index
    %get3A_183 = vector.load %arg12[%get3A_180, %get3A_181, %get3A_182] : memref<8x8x1024xf32, #tpu.memory_space<vmem>>, vector<8x1x1024xf32>
    %get3A_184 = vector.shape_cast %get3A_183 : vector<8x1x1024xf32> to vector<8x1024xf32>
    %swap3A_185 = arith.constant 0 : index
    %swap3A_186 = arith.constant 0 : index
    %swap3A_187 = vector.load %arg8[%swap3A_185, %swap3A_186] : memref<8x1024xf32, #tpu.memory_space<vmem>>, vector<8x1024xf32>
    tpu.vector_store %arg8[%swap3A_185, %swap3A_186], %get3A_184 {strides = array<i32>} : memref<8x1024xf32, #tpu.memory_space<vmem>>, vector<8x1024xf32>,
    %get3A_188 = arith.constant 0 : index
    %get3A_189 = arith.constant 3 : index
    %get3A_190 = arith.constant 0 : index
    %get3A_191 = vector.load %arg12[%get3A_188, %get3A_189, %get3A_190] : memref<8x8x1024xf32, #tpu.memory_space<vmem>>, vector<8x1x1024xf32>
    %get3A_192 = vector.shape_cast %get3A_191 : vector<8x1x1024xf32> to vector<8x1024xf32>
    %swap3A_193 = arith.constant 0 : index
    %swap3A_194 = arith.constant 0 : index
    %swap3A_195 = vector.load %arg9[%swap3A_193, %swap3A_194] : memref<8x1024xf32, #tpu.memory_space<vmem>>, vector<8x1024xf32>
    tpu.vector_store %arg9[%swap3A_193, %swap3A_194], %get3A_192 {strides = array<i32>} : memref<8x1024xf32, #tpu.memory_space<vmem>>, vector<8x1024xf32>,
    %get3A_196 = arith.constant 0 : index
    %get3A_197 = arith.constant 4 : index
    %get3A_198 = arith.constant 0 : index
    %get3A_199 = vector.load %arg12[%get3A_196, %get3A_197, %get3A_198] : memref<8x8x1024xf32, #tpu.memory_space<vmem>>, vector<8x1x1024xf32>
    %get3A_200 = vector.shape_cast %get3A_199 : vector<8x1x1024xf32> to vector<8x1024xf32>
    %swap3A_201 = arith.constant 0 : index
    %swap3A_202 = arith.constant 0 : index
    %swap3A_203 = vector.load %arg10[%swap3A_201, %swap3A_202] : memref<8x1024xf32, #tpu.memory_space<vmem>>, vector<8x1024xf32>
    tpu.vector_store %arg10[%swap3A_201, %swap3A_202], %get3A_200 {strides = array<i32>} : memref<8x1024xf32, #tpu.memory_space<vmem>>, vector<8x1024xf32>,
    %get3A_204 = arith.constant 0 : index
    %get3A_205 = arith.constant 5 : index
    %get3A_206 = arith.constant 0 : index
    %get3A_207 = vector.load %arg12[%get3A_204, %get3A_205, %get3A_206] : memref<8x8x1024xf32, #tpu.memory_space<vmem>>, vector<8x1x1024xf32>
    %get3A_208 = vector.shape_cast %get3A_207 : vector<8x1x1024xf32> to vector<8x1024xf32>
    %swap3A_209 = arith.constant 0 : index
    %swap3A_210 = arith.constant 0 : index
    %swap3A_211 = vector.load %arg11[%swap3A_209, %swap3A_210] : memref<8x1024xf32, #tpu.memory_space<vmem>>, vector<8x1024xf32>
    tpu.vector_store %arg11[%swap3A_209, %swap3A_210], %get3A_208 {strides = array<i32>} : memref<8x1024xf32, #tpu.memory_space<vmem>>, vector<8x1024xf32>,
    return
  }
}

module attributes {stable_mosaic.version = 14 : i64} {
  func.func @_nms_kernel(%arg0: memref<8x1024xf32, #tpu.memory_space<vmem>>, %arg1: memref<8x1024xi32, #tpu.memory_space<vmem>>, %arg2: memref<8x1024xf32, #tpu.memory_space<vmem>>, %arg3: memref<8x1024xf32, #tpu.memory_space<vmem>>, %arg4: memref<8x1024xf32, #tpu.memory_space<vmem>>, %arg5: memref<8x1024xf32, #tpu.memory_space<vmem>>, %arg6: memref<8x1xf32, #tpu.memory_space<vmem>>, %arg7: memref<8x1xf32, #tpu.memory_space<vmem>>, %arg8: memref<8x1xf32, #tpu.memory_space<vmem>>, %arg9: memref<8x1024xf32, #tpu.memory_space<vmem>>, %arg10: memref<8x1024xf32, #tpu.memory_space<vmem>>, %arg11: memref<8x1024xf32, #tpu.memory_space<vmem>>, %arg12: memref<8x1024xf32, #tpu.memory_space<vmem>>, %arg13: memref<8x1024xf32, #tpu.memory_space<vmem>>, %arg14: memref<8x1024xf32, #tpu.memory_space<vmem>>, %arg15: memref<8x1024xf32, #tpu.memory_space<vmem>>, %arg16: memref<8x1024xf32, #tpu.memory_space<vmem>>, %arg17: memref<8x1024xf32, #tpu.memory_space<vmem>>, %arg18: memref<8x1024xf32, #tpu.memory_space<vmem>>, %arg19: memref<8x1024xf32, #tpu.memory_space<vmem>>) attributes {dimension_semantics = [], scalar_prefetch = 0 : i64, scratch_operands = 6 : i64, tpu.core_type = #tpu.core_type<tc>} {
    %get3A = arith.constant 0 : index
    %get3A_0 = arith.constant 0 : index
    %get3A_1 = vector.load %arg0[%get3A, %get3A_0] : memref<8x1024xf32, #tpu.memory_space<vmem>>, vector<8x1024xf32>
    %get3A_2 = arith.constant 0 : index
    %get3A_3 = arith.constant 0 : index
    %get3A_4 = vector.load %arg1[%get3A_2, %get3A_3] : memref<8x1024xi32, #tpu.memory_space<vmem>>, vector<8x1024xi32>
    %jit3A = arith.constant 272 : i32
    %div3A = vector.broadcast %jit3A : i32 to vector<8x1024xi32>
    %div3A_5 = arith.divsi %get3A_4, %div3A : vector<8x1024xi32>
    %sign3A = arith.constant 0 : i32
    %sign3A_6 = vector.broadcast %sign3A : i32 to vector<8x1024xi32>
    %sign3A_7 = arith.cmpi sgt, %get3A_4, %sign3A_6 : vector<8x1024xi32>
    %sign3A_8 = arith.extui %sign3A_7 : vector<8x1024xi1> to vector<8x1024xi32>
    %sign3A_9 = arith.constant 0 : i32
    %sign3A_10 = vector.broadcast %sign3A_9 : i32 to vector<8x1024xi32>
    %sign3A_11 = arith.cmpi slt, %get3A_4, %sign3A_10 : vector<8x1024xi32>
    %sign3A_12 = arith.extui %sign3A_11 : vector<8x1024xi1> to vector<8x1024xi32>
    %sign3A_13 = arith.subi %sign3A_8, %sign3A_12 : vector<8x1024xi32>
    %sign3A_14 = arith.constant 0 : i32
    %sign3A_15 = arith.cmpi sgt, %jit3A, %sign3A_14 : i32
    %sign3A_16 = arith.extui %sign3A_15 : i1 to i32
    %sign3A_17 = arith.constant 0 : i32
    %sign3A_18 = arith.cmpi slt, %jit3A, %sign3A_17 : i32
    %sign3A_19 = arith.extui %sign3A_18 : i1 to i32
    %sign3A_20 = arith.subi %sign3A_16, %sign3A_19 : i32
    %ne3A = vector.broadcast %sign3A_20 : i32 to vector<8x1024xi32>
    %ne3A_21 = arith.cmpi ne, %sign3A_13, %ne3A : vector<8x1024xi32>
    %rem3A = vector.broadcast %jit3A : i32 to vector<8x1024xi32>
    %rem3A_22 = arith.remsi %get3A_4, %rem3A : vector<8x1024xi32>
    %ne3A_23 = arith.constant 0 : i32
    %ne3A_24 = vector.broadcast %ne3A_23 : i32 to vector<8x1024xi32>
    %ne3A_25 = arith.cmpi ne, %rem3A_22, %ne3A_24 : vector<8x1024xi32>
    %and3A = arith.andi %ne3A_21, %ne3A_25 : vector<8x1024xi1>
    %sub3A = arith.constant 1 : i32
    %sub3A_26 = vector.broadcast %sub3A : i32 to vector<8x1024xi32>
    %sub3A_27 = arith.subi %div3A_5, %sub3A_26 : vector<8x1024xi32>
    %select_n3A = arith.select %and3A, %sub3A_27, %div3A_5 : vector<8x1024xi1>, vector<8x1024xi32>
    %convert_element_type3A = arith.sitofp %select_n3A : vector<8x1024xi32> to vector<8x1024xf32>
    %jit3A_28 = arith.constant 272 : i32
    %eq3A = arith.constant 0 : i32
    %eq3A_29 = arith.cmpi eq, %jit3A_28, %eq3A : i32
    %jit3A_30 = arith.constant 1 : i32
    %select_n3A_31 = arith.select %eq3A_29, %jit3A_30, %jit3A_28 : i32
    %rem3A_32 = vector.broadcast %select_n3A_31 : i32 to vector<8x1024xi32>
    %rem3A_33 = arith.remsi %get3A_4, %rem3A_32 : vector<8x1024xi32>
    %ne3A_34 = arith.constant 0 : i32
    %ne3A_35 = vector.broadcast %ne3A_34 : i32 to vector<8x1024xi32>
    %ne3A_36 = arith.cmpi ne, %rem3A_33, %ne3A_35 : vector<8x1024xi32>
    %lt3A = arith.constant 0 : i32
    %lt3A_37 = vector.broadcast %lt3A : i32 to vector<8x1024xi32>
    %lt3A_38 = arith.cmpi slt, %rem3A_33, %lt3A_37 : vector<8x1024xi32>
    %lt3A_39 = arith.constant 0 : i32
    %lt3A_40 = arith.cmpi slt, %select_n3A_31, %lt3A_39 : i32
    %ne3A_41 = vector.broadcast %lt3A_40 : i1 to vector<8x1024xi1>
    %ne3A_42 = vector.broadcast %ne3A_41 : vector<8x1024xi1> to vector<8x1024xi1>
    %ne3A_43 = arith.xori %lt3A_38, %ne3A_42 : vector<8x1024xi1>
    %and3A_44 = arith.andi %ne3A_43, %ne3A_36 : vector<8x1024xi1>
    %add3A = vector.broadcast %select_n3A_31 : i32 to vector<8x1024xi32>
    %add3A_45 = arith.addi %rem3A_33, %add3A : vector<8x1024xi32>
    %select_n3A_46 = arith.select %and3A_44, %add3A_45, %rem3A_33 : vector<8x1024xi1>, vector<8x1024xi32>
    %convert_element_type3A_47 = arith.sitofp %select_n3A_46 : vector<8x1024xi32> to vector<8x1024xf32>
    %get3A_48 = arith.constant 0 : index
    %get3A_49 = arith.constant 0 : index
    %get3A_50 = vector.load %arg2[%get3A_48, %get3A_49] : memref<8x1024xf32, #tpu.memory_space<vmem>>, vector<8x1024xf32>
    %add3A_51 = arith.addf %convert_element_type3A_47, %get3A_50 : vector<8x1024xf32>
    %get3A_52 = arith.constant 0 : index
    %get3A_53 = arith.constant 0 : index
    %get3A_54 = vector.load %arg3[%get3A_52, %get3A_53] : memref<8x1024xf32, #tpu.memory_space<vmem>>, vector<8x1024xf32>
    %add3A_55 = arith.addf %convert_element_type3A, %get3A_54 : vector<8x1024xf32>
    %get3A_56 = arith.constant 0 : index
    %get3A_57 = arith.constant 0 : index
    %get3A_58 = vector.load %arg4[%get3A_56, %get3A_57] : memref<8x1024xf32, #tpu.memory_space<vmem>>, vector<8x1024xf32>
    %get3A_59 = arith.constant 0 : index
    %get3A_60 = arith.constant 0 : index
    %get3A_61 = vector.load %arg5[%get3A_59, %get3A_60] : memref<8x1024xf32, #tpu.memory_space<vmem>>, vector<8x1024xf32>
    %mul3A = arith.constant 5.000000e-01 : f32
    %mul3A_62 = vector.broadcast %mul3A : f32 to vector<8x1024xf32>
    %mul3A_63 = arith.mulf %get3A_58, %mul3A_62 : vector<8x1024xf32>
    %sub3A_64 = arith.subf %add3A_51, %mul3A_63 : vector<8x1024xf32>
    %mul3A_65 = arith.constant 5.000000e-01 : f32
    %mul3A_66 = vector.broadcast %mul3A_65 : f32 to vector<8x1024xf32>
    %mul3A_67 = arith.mulf %get3A_61, %mul3A_66 : vector<8x1024xf32>
    %sub3A_68 = arith.subf %add3A_55, %mul3A_67 : vector<8x1024xf32>
    %mul3A_69 = arith.constant 5.000000e-01 : f32
    %mul3A_70 = vector.broadcast %mul3A_69 : f32 to vector<8x1024xf32>
    %mul3A_71 = arith.mulf %get3A_58, %mul3A_70 : vector<8x1024xf32>
    %add3A_72 = arith.addf %add3A_51, %mul3A_71 : vector<8x1024xf32>
    %mul3A_73 = arith.constant 5.000000e-01 : f32
    %mul3A_74 = vector.broadcast %mul3A_73 : f32 to vector<8x1024xf32>
    %mul3A_75 = arith.mulf %get3A_61, %mul3A_74 : vector<8x1024xf32>
    %add3A_76 = arith.addf %add3A_55, %mul3A_75 : vector<8x1024xf32>
    %get3A_77 = arith.constant 0 : index
    %get3A_78 = arith.constant 0 : index
    %get3A_79 = vector.load %arg6[%get3A_77, %get3A_78] : memref<8x1xf32, #tpu.memory_space<vmem>>, vector<8x1xf32>
    %get3A_80 = arith.constant 0 : index
    %get3A_81 = arith.constant 0 : index
    %get3A_82 = vector.load %arg7[%get3A_80, %get3A_81] : memref<8x1xf32, #tpu.memory_space<vmem>>, vector<8x1xf32>
    %get3A_83 = arith.constant 0 : index
    %get3A_84 = arith.constant 0 : index
    %get3A_85 = vector.load %arg8[%get3A_83, %get3A_84] : memref<8x1xf32, #tpu.memory_space<vmem>>, vector<8x1xf32>
    %sub3A_86 = arith.constant 1.360000e+02 : f32
    %sub3A_87 = vector.broadcast %sub3A_86 : f32 to vector<8x1024xf32>
    %sub3A_88 = arith.subf %sub3A_64, %sub3A_87 : vector<8x1024xf32>
    %mul3A_89 = vector.broadcast %get3A_85 : vector<8x1xf32> to vector<8x1024xf32>
    %mul3A_90 = arith.mulf %sub3A_88, %mul3A_89 : vector<8x1024xf32>
    %add3A_91 = vector.broadcast %get3A_79 : vector<8x1xf32> to vector<8x1024xf32>
    %add3A_92 = arith.addf %mul3A_90, %add3A_91 : vector<8x1024xf32>
    %sub3A_93 = arith.constant 1.360000e+02 : f32
    %sub3A_94 = vector.broadcast %sub3A_93 : f32 to vector<8x1024xf32>
    %sub3A_95 = arith.subf %add3A_72, %sub3A_94 : vector<8x1024xf32>
    %mul3A_96 = vector.broadcast %get3A_85 : vector<8x1xf32> to vector<8x1024xf32>
    %mul3A_97 = arith.mulf %sub3A_95, %mul3A_96 : vector<8x1024xf32>
    %add3A_98 = vector.broadcast %get3A_79 : vector<8x1xf32> to vector<8x1024xf32>
    %add3A_99 = arith.addf %mul3A_97, %add3A_98 : vector<8x1024xf32>
    %sub3A_100 = arith.constant 7.600000e+01 : f32
    %sub3A_101 = vector.broadcast %sub3A_100 : f32 to vector<8x1024xf32>
    %sub3A_102 = arith.subf %sub3A_68, %sub3A_101 : vector<8x1024xf32>
    %mul3A_103 = vector.broadcast %get3A_85 : vector<8x1xf32> to vector<8x1024xf32>
    %mul3A_104 = arith.mulf %sub3A_102, %mul3A_103 : vector<8x1024xf32>
    %add3A_105 = vector.broadcast %get3A_82 : vector<8x1xf32> to vector<8x1024xf32>
    %add3A_106 = arith.addf %mul3A_104, %add3A_105 : vector<8x1024xf32>
    %sub3A_107 = arith.constant 7.600000e+01 : f32
    %sub3A_108 = vector.broadcast %sub3A_107 : f32 to vector<8x1024xf32>
    %sub3A_109 = arith.subf %add3A_76, %sub3A_108 : vector<8x1024xf32>
    %mul3A_110 = vector.broadcast %get3A_85 : vector<8x1xf32> to vector<8x1024xf32>
    %mul3A_111 = arith.mulf %sub3A_109, %mul3A_110 : vector<8x1024xf32>
    %add3A_112 = vector.broadcast %get3A_82 : vector<8x1xf32> to vector<8x1024xf32>
    %add3A_113 = arith.addf %mul3A_111, %add3A_112 : vector<8x1024xf32>
    %swap3A = arith.constant 0 : index
    %swap3A_114 = arith.constant 0 : index
    %swap3A_115 = vector.load %arg14[%swap3A, %swap3A_114] : memref<8x1024xf32, #tpu.memory_space<vmem>>, vector<8x1024xf32>
    tpu.vector_store %arg14[%swap3A, %swap3A_114], %add3A_92 {strides = array<i32>} : memref<8x1024xf32, #tpu.memory_space<vmem>>, vector<8x1024xf32>,
    %swap3A_116 = arith.constant 0 : index
    %swap3A_117 = arith.constant 0 : index
    %swap3A_118 = vector.load %arg15[%swap3A_116, %swap3A_117] : memref<8x1024xf32, #tpu.memory_space<vmem>>, vector<8x1024xf32>
    tpu.vector_store %arg15[%swap3A_116, %swap3A_117], %add3A_106 {strides = array<i32>} : memref<8x1024xf32, #tpu.memory_space<vmem>>, vector<8x1024xf32>,
    %swap3A_119 = arith.constant 0 : index
    %swap3A_120 = arith.constant 0 : index
    %swap3A_121 = vector.load %arg16[%swap3A_119, %swap3A_120] : memref<8x1024xf32, #tpu.memory_space<vmem>>, vector<8x1024xf32>
    tpu.vector_store %arg16[%swap3A_119, %swap3A_120], %add3A_99 {strides = array<i32>} : memref<8x1024xf32, #tpu.memory_space<vmem>>, vector<8x1024xf32>,
    %swap3A_122 = arith.constant 0 : index
    %swap3A_123 = arith.constant 0 : index
    %swap3A_124 = vector.load %arg17[%swap3A_122, %swap3A_123] : memref<8x1024xf32, #tpu.memory_space<vmem>>, vector<8x1024xf32>
    tpu.vector_store %arg17[%swap3A_122, %swap3A_123], %add3A_113 {strides = array<i32>} : memref<8x1024xf32, #tpu.memory_space<vmem>>, vector<8x1024xf32>,
    %sub3A_125 = arith.subf %add3A_99, %add3A_92 : vector<8x1024xf32>
    %jit3A_126 = arith.constant 0.000000e+00 : f32
    %max3A = vector.broadcast %jit3A_126 : f32 to vector<8x1024xf32>
    %max3A_127 = arith.maximumf %max3A, %sub3A_125 : vector<8x1024xf32>
    %sub3A_128 = arith.subf %add3A_113, %add3A_106 : vector<8x1024xf32>
    %jit3A_129 = arith.constant 0.000000e+00 : f32
    %max3A_130 = vector.broadcast %jit3A_129 : f32 to vector<8x1024xf32>
    %max3A_131 = arith.maximumf %max3A_130, %sub3A_128 : vector<8x1024xf32>
    %mul3A_132 = arith.mulf %max3A_127, %max3A_131 : vector<8x1024xf32>
    %swap3A_133 = arith.constant 0 : index
    %swap3A_134 = arith.constant 0 : index
    %swap3A_135 = vector.load %arg18[%swap3A_133, %swap3A_134] : memref<8x1024xf32, #tpu.memory_space<vmem>>, vector<8x1024xf32>
    tpu.vector_store %arg18[%swap3A_133, %swap3A_134], %mul3A_132 {strides = array<i32>} : memref<8x1024xf32, #tpu.memory_space<vmem>>, vector<8x1024xf32>,
    %ge3A = arith.constant 1.000000e-01 : f32
    %ge3A_136 = vector.broadcast %ge3A : f32 to vector<8x1024xf32>
    %ge3A_137 = arith.cmpf oge, %get3A_1, %ge3A_136 : vector<8x1024xf32>
    %convert_element_type3A_138 = arith.extui %ge3A_137 : vector<8x1024xi1> to vector<8x1024xi32>
    %convert_element_type3A_139 = arith.sitofp %convert_element_type3A_138 : vector<8x1024xi32> to vector<8x1024xf32>
    %swap3A_140 = arith.constant 0 : index
    %swap3A_141 = arith.constant 0 : index
    %swap3A_142 = vector.load %arg19[%swap3A_140, %swap3A_141] : memref<8x1024xf32, #tpu.memory_space<vmem>>, vector<8x1024xf32>
    tpu.vector_store %arg19[%swap3A_140, %swap3A_141], %convert_element_type3A_139 {strides = array<i32>} : memref<8x1024xf32, #tpu.memory_space<vmem>>, vector<8x1024xf32>,
    %iota3A = tpu.iota {dimensions = array<i32: 1>} : vector<8x128xi32>
    %iota3A_143 = tpu.iota {dimensions = array<i32: 1>} : vector<8x1024xi32>
    %add3A_144 = arith.constant 0 : i32
    %add3A_145 = vector.broadcast %add3A_144 : i32 to vector<8x1024xi32>
    %add3A_146 = arith.addi %iota3A_143, %add3A_145 : vector<8x1024xi32>
    %scan3A = arith.constant 0 : i32
    %scan3A_147 = arith.constant 128 : i32
    %scan3A_148 = arith.addi %scan3A, %scan3A_147 : i32
    %scan3A_149 = arith.constant 1 : i32
    scf.for %scan3A_237 = %scan3A to %scan3A_148 step %scan3A_149  : i32 {
      %eq3A_238 = vector.broadcast %scan3A_237 : i32 to vector<8x128xi32>
      %eq3A_239 = arith.cmpi eq, %iota3A, %eq3A_238 : vector<8x128xi32>
      %get3A_240 = arith.constant 0 : index
      %get3A_241 = arith.constant 0 : index
      %get3A_242 = vector.load %arg14[%get3A_240, %get3A_241] : memref<8x1024xf32, #tpu.memory_space<vmem>>, vector<8x128xf32>
      %jit3A_243 = arith.constant -3.400000e+38 : f32
      %broadcast_in_dim3A = vector.broadcast %jit3A_243 : f32 to vector<8x128xf32>
      %select_n3A_244 = arith.select %eq3A_239, %get3A_242, %broadcast_in_dim3A : vector<8x128xi1>, vector<8x128xf32>
      %reduce_max3A = arith.constant dense<0xFF800000> : vector<8xf32>
      %reduce_max3A_245 = vector.multi_reduction <maximumf>, %select_n3A_244, %reduce_max3A [1] : vector<8x128xf32> to vector<8xf32>
      %broadcast_in_dim3A_246 = vector.shape_cast %reduce_max3A_245 : vector<8xf32> to vector<8x1xf32>
      %get3A_247 = arith.constant 0 : index
      %get3A_248 = arith.constant 0 : index
      %get3A_249 = vector.load %arg15[%get3A_247, %get3A_248] : memref<8x1024xf32, #tpu.memory_space<vmem>>, vector<8x128xf32>
      %jit3A_250 = arith.constant -3.400000e+38 : f32
      %broadcast_in_dim3A_251 = vector.broadcast %jit3A_250 : f32 to vector<8x128xf32>
      %select_n3A_252 = arith.select %eq3A_239, %get3A_249, %broadcast_in_dim3A_251 : vector<8x128xi1>, vector<8x128xf32>
      %reduce_max3A_253 = arith.constant dense<0xFF800000> : vector<8xf32>
      %reduce_max3A_254 = vector.multi_reduction <maximumf>, %select_n3A_252, %reduce_max3A_253 [1] : vector<8x128xf32> to vector<8xf32>
      %broadcast_in_dim3A_255 = vector.shape_cast %reduce_max3A_254 : vector<8xf32> to vector<8x1xf32>
      %get3A_256 = arith.constant 0 : index
      %get3A_257 = arith.constant 0 : index
      %get3A_258 = vector.load %arg16[%get3A_256, %get3A_257] : memref<8x1024xf32, #tpu.memory_space<vmem>>, vector<8x128xf32>
      %jit3A_259 = arith.constant -3.400000e+38 : f32
      %broadcast_in_dim3A_260 = vector.broadcast %jit3A_259 : f32 to vector<8x128xf32>
      %select_n3A_261 = arith.select %eq3A_239, %get3A_258, %broadcast_in_dim3A_260 : vector<8x128xi1>, vector<8x128xf32>
      %reduce_max3A_262 = arith.constant dense<0xFF800000> : vector<8xf32>
      %reduce_max3A_263 = vector.multi_reduction <maximumf>, %select_n3A_261, %reduce_max3A_262 [1] : vector<8x128xf32> to vector<8xf32>
      %broadcast_in_dim3A_264 = vector.shape_cast %reduce_max3A_263 : vector<8xf32> to vector<8x1xf32>
      %get3A_265 = arith.constant 0 : index
      %get3A_266 = arith.constant 0 : index
      %get3A_267 = vector.load %arg17[%get3A_265, %get3A_266] : memref<8x1024xf32, #tpu.memory_space<vmem>>, vector<8x128xf32>
      %jit3A_268 = arith.constant -3.400000e+38 : f32
      %broadcast_in_dim3A_269 = vector.broadcast %jit3A_268 : f32 to vector<8x128xf32>
      %select_n3A_270 = arith.select %eq3A_239, %get3A_267, %broadcast_in_dim3A_269 : vector<8x128xi1>, vector<8x128xf32>
      %reduce_max3A_271 = arith.constant dense<0xFF800000> : vector<8xf32>
      %reduce_max3A_272 = vector.multi_reduction <maximumf>, %select_n3A_270, %reduce_max3A_271 [1] : vector<8x128xf32> to vector<8xf32>
      %broadcast_in_dim3A_273 = vector.shape_cast %reduce_max3A_272 : vector<8xf32> to vector<8x1xf32>
      %get3A_274 = arith.constant 0 : index
      %get3A_275 = arith.constant 0 : index
      %get3A_276 = vector.load %arg18[%get3A_274, %get3A_275] : memref<8x1024xf32, #tpu.memory_space<vmem>>, vector<8x128xf32>
      %jit3A_277 = arith.constant -3.400000e+38 : f32
      %broadcast_in_dim3A_278 = vector.broadcast %jit3A_277 : f32 to vector<8x128xf32>
      %select_n3A_279 = arith.select %eq3A_239, %get3A_276, %broadcast_in_dim3A_278 : vector<8x128xi1>, vector<8x128xf32>
      %reduce_max3A_280 = arith.constant dense<0xFF800000> : vector<8xf32>
      %reduce_max3A_281 = vector.multi_reduction <maximumf>, %select_n3A_279, %reduce_max3A_280 [1] : vector<8x128xf32> to vector<8xf32>
      %broadcast_in_dim3A_282 = vector.shape_cast %reduce_max3A_281 : vector<8xf32> to vector<8x1xf32>
      %get3A_283 = arith.constant 0 : index
      %get3A_284 = arith.constant 0 : index
      %get3A_285 = vector.load %arg19[%get3A_283, %get3A_284] : memref<8x1024xf32, #tpu.memory_space<vmem>>, vector<8x128xf32>
      %jit3A_286 = arith.constant -3.400000e+38 : f32
      %broadcast_in_dim3A_287 = vector.broadcast %jit3A_286 : f32 to vector<8x128xf32>
      %select_n3A_288 = arith.select %eq3A_239, %get3A_285, %broadcast_in_dim3A_287 : vector<8x128xi1>, vector<8x128xf32>
      %reduce_max3A_289 = arith.constant dense<0xFF800000> : vector<8xf32>
      %reduce_max3A_290 = vector.multi_reduction <maximumf>, %select_n3A_288, %reduce_max3A_289 [1] : vector<8x128xf32> to vector<8xf32>
      %broadcast_in_dim3A_291 = vector.shape_cast %reduce_max3A_290 : vector<8xf32> to vector<8x1xf32>
      %get3A_292 = arith.constant 0 : index
      %get3A_293 = arith.constant 0 : index
      %get3A_294 = vector.load %arg14[%get3A_292, %get3A_293] : memref<8x1024xf32, #tpu.memory_space<vmem>>, vector<8x1024xf32>
      %max3A_295 = vector.broadcast %broadcast_in_dim3A_246 : vector<8x1xf32> to vector<8x1024xf32>
      %max3A_296 = arith.maximumf %get3A_294, %max3A_295 : vector<8x1024xf32>
      %get3A_297 = arith.constant 0 : index
      %get3A_298 = arith.constant 0 : index
      %get3A_299 = vector.load %arg15[%get3A_297, %get3A_298] : memref<8x1024xf32, #tpu.memory_space<vmem>>, vector<8x1024xf32>
      %max3A_300 = vector.broadcast %broadcast_in_dim3A_255 : vector<8x1xf32> to vector<8x1024xf32>
      %max3A_301 = arith.maximumf %get3A_299, %max3A_300 : vector<8x1024xf32>
      %get3A_302 = arith.constant 0 : index
      %get3A_303 = arith.constant 0 : index
      %get3A_304 = vector.load %arg16[%get3A_302, %get3A_303] : memref<8x1024xf32, #tpu.memory_space<vmem>>, vector<8x1024xf32>
      %min3A = vector.broadcast %broadcast_in_dim3A_264 : vector<8x1xf32> to vector<8x1024xf32>
      %min3A_305 = arith.minimumf %get3A_304, %min3A : vector<8x1024xf32>
      %get3A_306 = arith.constant 0 : index
      %get3A_307 = arith.constant 0 : index
      %get3A_308 = vector.load %arg17[%get3A_306, %get3A_307] : memref<8x1024xf32, #tpu.memory_space<vmem>>, vector<8x1024xf32>
      %min3A_309 = vector.broadcast %broadcast_in_dim3A_273 : vector<8x1xf32> to vector<8x1024xf32>
      %min3A_310 = arith.minimumf %get3A_308, %min3A_309 : vector<8x1024xf32>
      %sub3A_311 = arith.subf %min3A_305, %max3A_296 : vector<8x1024xf32>
      %jit3A_312 = arith.constant 0.000000e+00 : f32
      %max3A_313 = vector.broadcast %jit3A_312 : f32 to vector<8x1024xf32>
      %max3A_314 = arith.maximumf %max3A_313, %sub3A_311 : vector<8x1024xf32>
      %sub3A_315 = arith.subf %min3A_310, %max3A_301 : vector<8x1024xf32>
      %jit3A_316 = arith.constant 0.000000e+00 : f32
      %max3A_317 = vector.broadcast %jit3A_316 : f32 to vector<8x1024xf32>
      %max3A_318 = arith.maximumf %max3A_317, %sub3A_315 : vector<8x1024xf32>
      %mul3A_319 = arith.mulf %max3A_314, %max3A_318 : vector<8x1024xf32>
      %get3A_320 = arith.constant 0 : index
      %get3A_321 = arith.constant 0 : index
      %get3A_322 = vector.load %arg18[%get3A_320, %get3A_321] : memref<8x1024xf32, #tpu.memory_space<vmem>>, vector<8x1024xf32>
      %add3A_323 = vector.broadcast %broadcast_in_dim3A_282 : vector<8x1xf32> to vector<8x1024xf32>
      %add3A_324 = arith.addf %get3A_322, %add3A_323 : vector<8x1024xf32>
      %sub3A_325 = arith.subf %add3A_324, %mul3A_319 : vector<8x1024xf32>
      %max3A_326 = arith.constant 9.99999997E-7 : f32
      %max3A_327 = vector.broadcast %max3A_326 : f32 to vector<8x1024xf32>
      %max3A_328 = arith.maximumf %sub3A_325, %max3A_327 : vector<8x1024xf32>
      %gt3A = arith.constant 0.000000e+00 : f32
      %gt3A_329 = vector.broadcast %gt3A : f32 to vector<8x1xf32>
      %gt3A_330 = arith.cmpf ogt, %broadcast_in_dim3A_291, %gt3A_329 : vector<8x1xf32>
      %mul3A_331 = arith.constant 4.000000e-01 : f32
      %mul3A_332 = vector.broadcast %mul3A_331 : f32 to vector<8x1024xf32>
      %mul3A_333 = arith.mulf %mul3A_332, %max3A_328 : vector<8x1024xf32>
      %gt3A_334 = arith.cmpf ogt, %mul3A_319, %mul3A_333 : vector<8x1024xf32>
      %and3A_335 = vector.broadcast %gt3A_330 : vector<8x1xi1> to vector<8x1024xi1>
      %and3A_336 = arith.andi %and3A_335, %gt3A_334 : vector<8x1024xi1>
      %add3A_337 = arith.constant 0 : i32
      %add3A_338 = arith.addi %add3A_337, %scan3A_237 : i32
      %gt3A_339 = vector.broadcast %add3A_338 : i32 to vector<8x1024xi32>
      %gt3A_340 = arith.cmpi sgt, %add3A_146, %gt3A_339 : vector<8x1024xi32>
      %and3A_341 = arith.andi %and3A_336, %gt3A_340 : vector<8x1024xi1>
      %get3A_342 = arith.constant 0 : index
      %get3A_343 = arith.constant 0 : index
      %get3A_344 = vector.load %arg19[%get3A_342, %get3A_343] : memref<8x1024xf32, #tpu.memory_space<vmem>>, vector<8x1024xf32>
      %convert_element_type3A_345 = arith.extui %and3A_341 : vector<8x1024xi1> to vector<8x1024xi32>
      %convert_element_type3A_346 = arith.sitofp %convert_element_type3A_345 : vector<8x1024xi32> to vector<8x1024xf32>
      %sub3A_347 = arith.constant 1.000000e+00 : f32
      %sub3A_348 = vector.broadcast %sub3A_347 : f32 to vector<8x1024xf32>
      %sub3A_349 = arith.subf %sub3A_348, %convert_element_type3A_346 : vector<8x1024xf32>
      %mul3A_350 = arith.mulf %get3A_344, %sub3A_349 : vector<8x1024xf32>
      %swap3A_351 = arith.constant 0 : index
      %swap3A_352 = arith.constant 0 : index
      %swap3A_353 = vector.load %arg19[%swap3A_351, %swap3A_352] : memref<8x1024xf32, #tpu.memory_space<vmem>>, vector<8x1024xf32>
      tpu.vector_store %arg19[%swap3A_351, %swap3A_352], %mul3A_350 {strides = array<i32>} : memref<8x1024xf32, #tpu.memory_space<vmem>>, vector<8x1024xf32>,
    }
    %scan3A_150 = arith.constant 128 : i32
    %iota3A_151 = tpu.iota {dimensions = array<i32: 1>} : vector<8x896xi32>
    %add3A_152 = arith.constant 128 : i32
    %add3A_153 = vector.broadcast %add3A_152 : i32 to vector<8x896xi32>
    %add3A_154 = arith.addi %iota3A_151, %add3A_153 : vector<8x896xi32>
    %scan3A_155 = arith.constant 0 : i32
    %scan3A_156 = arith.constant 128 : i32
    %scan3A_157 = arith.addi %scan3A_155, %scan3A_156 : i32
    %scan3A_158 = arith.constant 1 : i32
    scf.for %scan3A_237 = %scan3A_155 to %scan3A_157 step %scan3A_158  : i32 {
      %eq3A_238 = vector.broadcast %scan3A_237 : i32 to vector<8x128xi32>
      %eq3A_239 = arith.cmpi eq, %iota3A, %eq3A_238 : vector<8x128xi32>
      %get3A_240 = arith.constant 0 : index
      %get3A_241 = arith.constant 128 : index
      %get3A_242 = vector.load %arg14[%get3A_240, %get3A_241] : memref<8x1024xf32, #tpu.memory_space<vmem>>, vector<8x128xf32>
      %jit3A_243 = arith.constant -3.400000e+38 : f32
      %broadcast_in_dim3A = vector.broadcast %jit3A_243 : f32 to vector<8x128xf32>
      %select_n3A_244 = arith.select %eq3A_239, %get3A_242, %broadcast_in_dim3A : vector<8x128xi1>, vector<8x128xf32>
      %reduce_max3A = arith.constant dense<0xFF800000> : vector<8xf32>
      %reduce_max3A_245 = vector.multi_reduction <maximumf>, %select_n3A_244, %reduce_max3A [1] : vector<8x128xf32> to vector<8xf32>
      %broadcast_in_dim3A_246 = vector.shape_cast %reduce_max3A_245 : vector<8xf32> to vector<8x1xf32>
      %get3A_247 = arith.constant 0 : index
      %get3A_248 = arith.constant 128 : index
      %get3A_249 = vector.load %arg15[%get3A_247, %get3A_248] : memref<8x1024xf32, #tpu.memory_space<vmem>>, vector<8x128xf32>
      %jit3A_250 = arith.constant -3.400000e+38 : f32
      %broadcast_in_dim3A_251 = vector.broadcast %jit3A_250 : f32 to vector<8x128xf32>
      %select_n3A_252 = arith.select %eq3A_239, %get3A_249, %broadcast_in_dim3A_251 : vector<8x128xi1>, vector<8x128xf32>
      %reduce_max3A_253 = arith.constant dense<0xFF800000> : vector<8xf32>
      %reduce_max3A_254 = vector.multi_reduction <maximumf>, %select_n3A_252, %reduce_max3A_253 [1] : vector<8x128xf32> to vector<8xf32>
      %broadcast_in_dim3A_255 = vector.shape_cast %reduce_max3A_254 : vector<8xf32> to vector<8x1xf32>
      %get3A_256 = arith.constant 0 : index
      %get3A_257 = arith.constant 128 : index
      %get3A_258 = vector.load %arg16[%get3A_256, %get3A_257] : memref<8x1024xf32, #tpu.memory_space<vmem>>, vector<8x128xf32>
      %jit3A_259 = arith.constant -3.400000e+38 : f32
      %broadcast_in_dim3A_260 = vector.broadcast %jit3A_259 : f32 to vector<8x128xf32>
      %select_n3A_261 = arith.select %eq3A_239, %get3A_258, %broadcast_in_dim3A_260 : vector<8x128xi1>, vector<8x128xf32>
      %reduce_max3A_262 = arith.constant dense<0xFF800000> : vector<8xf32>
      %reduce_max3A_263 = vector.multi_reduction <maximumf>, %select_n3A_261, %reduce_max3A_262 [1] : vector<8x128xf32> to vector<8xf32>
      %broadcast_in_dim3A_264 = vector.shape_cast %reduce_max3A_263 : vector<8xf32> to vector<8x1xf32>
      %get3A_265 = arith.constant 0 : index
      %get3A_266 = arith.constant 128 : index
      %get3A_267 = vector.load %arg17[%get3A_265, %get3A_266] : memref<8x1024xf32, #tpu.memory_space<vmem>>, vector<8x128xf32>
      %jit3A_268 = arith.constant -3.400000e+38 : f32
      %broadcast_in_dim3A_269 = vector.broadcast %jit3A_268 : f32 to vector<8x128xf32>
      %select_n3A_270 = arith.select %eq3A_239, %get3A_267, %broadcast_in_dim3A_269 : vector<8x128xi1>, vector<8x128xf32>
      %reduce_max3A_271 = arith.constant dense<0xFF800000> : vector<8xf32>
      %reduce_max3A_272 = vector.multi_reduction <maximumf>, %select_n3A_270, %reduce_max3A_271 [1] : vector<8x128xf32> to vector<8xf32>
      %broadcast_in_dim3A_273 = vector.shape_cast %reduce_max3A_272 : vector<8xf32> to vector<8x1xf32>
      %get3A_274 = arith.constant 0 : index
      %get3A_275 = arith.constant 128 : index
      %get3A_276 = vector.load %arg18[%get3A_274, %get3A_275] : memref<8x1024xf32, #tpu.memory_space<vmem>>, vector<8x128xf32>
      %jit3A_277 = arith.constant -3.400000e+38 : f32
      %broadcast_in_dim3A_278 = vector.broadcast %jit3A_277 : f32 to vector<8x128xf32>
      %select_n3A_279 = arith.select %eq3A_239, %get3A_276, %broadcast_in_dim3A_278 : vector<8x128xi1>, vector<8x128xf32>
      %reduce_max3A_280 = arith.constant dense<0xFF800000> : vector<8xf32>
      %reduce_max3A_281 = vector.multi_reduction <maximumf>, %select_n3A_279, %reduce_max3A_280 [1] : vector<8x128xf32> to vector<8xf32>
      %broadcast_in_dim3A_282 = vector.shape_cast %reduce_max3A_281 : vector<8xf32> to vector<8x1xf32>
      %get3A_283 = arith.constant 0 : index
      %get3A_284 = arith.constant 128 : index
      %get3A_285 = vector.load %arg19[%get3A_283, %get3A_284] : memref<8x1024xf32, #tpu.memory_space<vmem>>, vector<8x128xf32>
      %jit3A_286 = arith.constant -3.400000e+38 : f32
      %broadcast_in_dim3A_287 = vector.broadcast %jit3A_286 : f32 to vector<8x128xf32>
      %select_n3A_288 = arith.select %eq3A_239, %get3A_285, %broadcast_in_dim3A_287 : vector<8x128xi1>, vector<8x128xf32>
      %reduce_max3A_289 = arith.constant dense<0xFF800000> : vector<8xf32>
      %reduce_max3A_290 = vector.multi_reduction <maximumf>, %select_n3A_288, %reduce_max3A_289 [1] : vector<8x128xf32> to vector<8xf32>
      %broadcast_in_dim3A_291 = vector.shape_cast %reduce_max3A_290 : vector<8xf32> to vector<8x1xf32>
      %get3A_292 = arith.constant 0 : index
      %get3A_293 = arith.constant 128 : index
      %get3A_294 = vector.load %arg14[%get3A_292, %get3A_293] : memref<8x1024xf32, #tpu.memory_space<vmem>>, vector<8x896xf32>
      %max3A_295 = vector.broadcast %broadcast_in_dim3A_246 : vector<8x1xf32> to vector<8x896xf32>
      %max3A_296 = arith.maximumf %get3A_294, %max3A_295 : vector<8x896xf32>
      %get3A_297 = arith.constant 0 : index
      %get3A_298 = arith.constant 128 : index
      %get3A_299 = vector.load %arg15[%get3A_297, %get3A_298] : memref<8x1024xf32, #tpu.memory_space<vmem>>, vector<8x896xf32>
      %max3A_300 = vector.broadcast %broadcast_in_dim3A_255 : vector<8x1xf32> to vector<8x896xf32>
      %max3A_301 = arith.maximumf %get3A_299, %max3A_300 : vector<8x896xf32>
      %get3A_302 = arith.constant 0 : index
      %get3A_303 = arith.constant 128 : index
      %get3A_304 = vector.load %arg16[%get3A_302, %get3A_303] : memref<8x1024xf32, #tpu.memory_space<vmem>>, vector<8x896xf32>
      %min3A = vector.broadcast %broadcast_in_dim3A_264 : vector<8x1xf32> to vector<8x896xf32>
      %min3A_305 = arith.minimumf %get3A_304, %min3A : vector<8x896xf32>
      %get3A_306 = arith.constant 0 : index
      %get3A_307 = arith.constant 128 : index
      %get3A_308 = vector.load %arg17[%get3A_306, %get3A_307] : memref<8x1024xf32, #tpu.memory_space<vmem>>, vector<8x896xf32>
      %min3A_309 = vector.broadcast %broadcast_in_dim3A_273 : vector<8x1xf32> to vector<8x896xf32>
      %min3A_310 = arith.minimumf %get3A_308, %min3A_309 : vector<8x896xf32>
      %sub3A_311 = arith.subf %min3A_305, %max3A_296 : vector<8x896xf32>
      %jit3A_312 = arith.constant 0.000000e+00 : f32
      %max3A_313 = vector.broadcast %jit3A_312 : f32 to vector<8x896xf32>
      %max3A_314 = arith.maximumf %max3A_313, %sub3A_311 : vector<8x896xf32>
      %sub3A_315 = arith.subf %min3A_310, %max3A_301 : vector<8x896xf32>
      %jit3A_316 = arith.constant 0.000000e+00 : f32
      %max3A_317 = vector.broadcast %jit3A_316 : f32 to vector<8x896xf32>
      %max3A_318 = arith.maximumf %max3A_317, %sub3A_315 : vector<8x896xf32>
      %mul3A_319 = arith.mulf %max3A_314, %max3A_318 : vector<8x896xf32>
      %get3A_320 = arith.constant 0 : index
      %get3A_321 = arith.constant 128 : index
      %get3A_322 = vector.load %arg18[%get3A_320, %get3A_321] : memref<8x1024xf32, #tpu.memory_space<vmem>>, vector<8x896xf32>
      %add3A_323 = vector.broadcast %broadcast_in_dim3A_282 : vector<8x1xf32> to vector<8x896xf32>
      %add3A_324 = arith.addf %get3A_322, %add3A_323 : vector<8x896xf32>
      %sub3A_325 = arith.subf %add3A_324, %mul3A_319 : vector<8x896xf32>
      %max3A_326 = arith.constant 9.99999997E-7 : f32
      %max3A_327 = vector.broadcast %max3A_326 : f32 to vector<8x896xf32>
      %max3A_328 = arith.maximumf %sub3A_325, %max3A_327 : vector<8x896xf32>
      %gt3A = arith.constant 0.000000e+00 : f32
      %gt3A_329 = vector.broadcast %gt3A : f32 to vector<8x1xf32>
      %gt3A_330 = arith.cmpf ogt, %broadcast_in_dim3A_291, %gt3A_329 : vector<8x1xf32>
      %mul3A_331 = arith.constant 4.000000e-01 : f32
      %mul3A_332 = vector.broadcast %mul3A_331 : f32 to vector<8x896xf32>
      %mul3A_333 = arith.mulf %mul3A_332, %max3A_328 : vector<8x896xf32>
      %gt3A_334 = arith.cmpf ogt, %mul3A_319, %mul3A_333 : vector<8x896xf32>
      %and3A_335 = vector.broadcast %gt3A_330 : vector<8x1xi1> to vector<8x896xi1>
      %and3A_336 = arith.andi %and3A_335, %gt3A_334 : vector<8x896xi1>
      %add3A_337 = arith.constant 128 : i32
      %add3A_338 = arith.addi %add3A_337, %scan3A_237 : i32
      %gt3A_339 = vector.broadcast %add3A_338 : i32 to vector<8x896xi32>
      %gt3A_340 = arith.cmpi sgt, %add3A_154, %gt3A_339 : vector<8x896xi32>
      %and3A_341 = arith.andi %and3A_336, %gt3A_340 : vector<8x896xi1>
      %get3A_342 = arith.constant 0 : index
      %get3A_343 = arith.constant 128 : index
      %get3A_344 = vector.load %arg19[%get3A_342, %get3A_343] : memref<8x1024xf32, #tpu.memory_space<vmem>>, vector<8x896xf32>
      %convert_element_type3A_345 = arith.extui %and3A_341 : vector<8x896xi1> to vector<8x896xi32>
      %convert_element_type3A_346 = arith.sitofp %convert_element_type3A_345 : vector<8x896xi32> to vector<8x896xf32>
      %sub3A_347 = arith.constant 1.000000e+00 : f32
      %sub3A_348 = vector.broadcast %sub3A_347 : f32 to vector<8x896xf32>
      %sub3A_349 = arith.subf %sub3A_348, %convert_element_type3A_346 : vector<8x896xf32>
      %mul3A_350 = arith.mulf %get3A_344, %sub3A_349 : vector<8x896xf32>
      %swap3A_351 = arith.constant 0 : index
      %swap3A_352 = arith.constant 128 : index
      %swap3A_353 = vector.load %arg19[%swap3A_351, %swap3A_352] : memref<8x1024xf32, #tpu.memory_space<vmem>>, vector<8x896xf32>
      tpu.vector_store %arg19[%swap3A_351, %swap3A_352], %mul3A_350 {strides = array<i32>} : memref<8x1024xf32, #tpu.memory_space<vmem>>, vector<8x896xf32>,
    }
    %scan3A_159 = arith.constant 128 : i32
    %iota3A_160 = tpu.iota {dimensions = array<i32: 1>} : vector<8x768xi32>
    %add3A_161 = arith.constant 256 : i32
    %add3A_162 = vector.broadcast %add3A_161 : i32 to vector<8x768xi32>
    %add3A_163 = arith.addi %iota3A_160, %add3A_162 : vector<8x768xi32>
    %scan3A_164 = arith.constant 0 : i32
    %scan3A_165 = arith.constant 128 : i32
    %scan3A_166 = arith.addi %scan3A_164, %scan3A_165 : i32
    %scan3A_167 = arith.constant 1 : i32
    scf.for %scan3A_237 = %scan3A_164 to %scan3A_166 step %scan3A_167  : i32 {
      %eq3A_238 = vector.broadcast %scan3A_237 : i32 to vector<8x128xi32>
      %eq3A_239 = arith.cmpi eq, %iota3A, %eq3A_238 : vector<8x128xi32>
      %get3A_240 = arith.constant 0 : index
      %get3A_241 = arith.constant 256 : index
      %get3A_242 = vector.load %arg14[%get3A_240, %get3A_241] : memref<8x1024xf32, #tpu.memory_space<vmem>>, vector<8x128xf32>
      %jit3A_243 = arith.constant -3.400000e+38 : f32
      %broadcast_in_dim3A = vector.broadcast %jit3A_243 : f32 to vector<8x128xf32>
      %select_n3A_244 = arith.select %eq3A_239, %get3A_242, %broadcast_in_dim3A : vector<8x128xi1>, vector<8x128xf32>
      %reduce_max3A = arith.constant dense<0xFF800000> : vector<8xf32>
      %reduce_max3A_245 = vector.multi_reduction <maximumf>, %select_n3A_244, %reduce_max3A [1] : vector<8x128xf32> to vector<8xf32>
      %broadcast_in_dim3A_246 = vector.shape_cast %reduce_max3A_245 : vector<8xf32> to vector<8x1xf32>
      %get3A_247 = arith.constant 0 : index
      %get3A_248 = arith.constant 256 : index
      %get3A_249 = vector.load %arg15[%get3A_247, %get3A_248] : memref<8x1024xf32, #tpu.memory_space<vmem>>, vector<8x128xf32>
      %jit3A_250 = arith.constant -3.400000e+38 : f32
      %broadcast_in_dim3A_251 = vector.broadcast %jit3A_250 : f32 to vector<8x128xf32>
      %select_n3A_252 = arith.select %eq3A_239, %get3A_249, %broadcast_in_dim3A_251 : vector<8x128xi1>, vector<8x128xf32>
      %reduce_max3A_253 = arith.constant dense<0xFF800000> : vector<8xf32>
      %reduce_max3A_254 = vector.multi_reduction <maximumf>, %select_n3A_252, %reduce_max3A_253 [1] : vector<8x128xf32> to vector<8xf32>
      %broadcast_in_dim3A_255 = vector.shape_cast %reduce_max3A_254 : vector<8xf32> to vector<8x1xf32>
      %get3A_256 = arith.constant 0 : index
      %get3A_257 = arith.constant 256 : index
      %get3A_258 = vector.load %arg16[%get3A_256, %get3A_257] : memref<8x1024xf32, #tpu.memory_space<vmem>>, vector<8x128xf32>
      %jit3A_259 = arith.constant -3.400000e+38 : f32
      %broadcast_in_dim3A_260 = vector.broadcast %jit3A_259 : f32 to vector<8x128xf32>
      %select_n3A_261 = arith.select %eq3A_239, %get3A_258, %broadcast_in_dim3A_260 : vector<8x128xi1>, vector<8x128xf32>
      %reduce_max3A_262 = arith.constant dense<0xFF800000> : vector<8xf32>
      %reduce_max3A_263 = vector.multi_reduction <maximumf>, %select_n3A_261, %reduce_max3A_262 [1] : vector<8x128xf32> to vector<8xf32>
      %broadcast_in_dim3A_264 = vector.shape_cast %reduce_max3A_263 : vector<8xf32> to vector<8x1xf32>
      %get3A_265 = arith.constant 0 : index
      %get3A_266 = arith.constant 256 : index
      %get3A_267 = vector.load %arg17[%get3A_265, %get3A_266] : memref<8x1024xf32, #tpu.memory_space<vmem>>, vector<8x128xf32>
      %jit3A_268 = arith.constant -3.400000e+38 : f32
      %broadcast_in_dim3A_269 = vector.broadcast %jit3A_268 : f32 to vector<8x128xf32>
      %select_n3A_270 = arith.select %eq3A_239, %get3A_267, %broadcast_in_dim3A_269 : vector<8x128xi1>, vector<8x128xf32>
      %reduce_max3A_271 = arith.constant dense<0xFF800000> : vector<8xf32>
      %reduce_max3A_272 = vector.multi_reduction <maximumf>, %select_n3A_270, %reduce_max3A_271 [1] : vector<8x128xf32> to vector<8xf32>
      %broadcast_in_dim3A_273 = vector.shape_cast %reduce_max3A_272 : vector<8xf32> to vector<8x1xf32>
      %get3A_274 = arith.constant 0 : index
      %get3A_275 = arith.constant 256 : index
      %get3A_276 = vector.load %arg18[%get3A_274, %get3A_275] : memref<8x1024xf32, #tpu.memory_space<vmem>>, vector<8x128xf32>
      %jit3A_277 = arith.constant -3.400000e+38 : f32
      %broadcast_in_dim3A_278 = vector.broadcast %jit3A_277 : f32 to vector<8x128xf32>
      %select_n3A_279 = arith.select %eq3A_239, %get3A_276, %broadcast_in_dim3A_278 : vector<8x128xi1>, vector<8x128xf32>
      %reduce_max3A_280 = arith.constant dense<0xFF800000> : vector<8xf32>
      %reduce_max3A_281 = vector.multi_reduction <maximumf>, %select_n3A_279, %reduce_max3A_280 [1] : vector<8x128xf32> to vector<8xf32>
      %broadcast_in_dim3A_282 = vector.shape_cast %reduce_max3A_281 : vector<8xf32> to vector<8x1xf32>
      %get3A_283 = arith.constant 0 : index
      %get3A_284 = arith.constant 256 : index
      %get3A_285 = vector.load %arg19[%get3A_283, %get3A_284] : memref<8x1024xf32, #tpu.memory_space<vmem>>, vector<8x128xf32>
      %jit3A_286 = arith.constant -3.400000e+38 : f32
      %broadcast_in_dim3A_287 = vector.broadcast %jit3A_286 : f32 to vector<8x128xf32>
      %select_n3A_288 = arith.select %eq3A_239, %get3A_285, %broadcast_in_dim3A_287 : vector<8x128xi1>, vector<8x128xf32>
      %reduce_max3A_289 = arith.constant dense<0xFF800000> : vector<8xf32>
      %reduce_max3A_290 = vector.multi_reduction <maximumf>, %select_n3A_288, %reduce_max3A_289 [1] : vector<8x128xf32> to vector<8xf32>
      %broadcast_in_dim3A_291 = vector.shape_cast %reduce_max3A_290 : vector<8xf32> to vector<8x1xf32>
      %get3A_292 = arith.constant 0 : index
      %get3A_293 = arith.constant 256 : index
      %get3A_294 = vector.load %arg14[%get3A_292, %get3A_293] : memref<8x1024xf32, #tpu.memory_space<vmem>>, vector<8x768xf32>
      %max3A_295 = vector.broadcast %broadcast_in_dim3A_246 : vector<8x1xf32> to vector<8x768xf32>
      %max3A_296 = arith.maximumf %get3A_294, %max3A_295 : vector<8x768xf32>
      %get3A_297 = arith.constant 0 : index
      %get3A_298 = arith.constant 256 : index
      %get3A_299 = vector.load %arg15[%get3A_297, %get3A_298] : memref<8x1024xf32, #tpu.memory_space<vmem>>, vector<8x768xf32>
      %max3A_300 = vector.broadcast %broadcast_in_dim3A_255 : vector<8x1xf32> to vector<8x768xf32>
      %max3A_301 = arith.maximumf %get3A_299, %max3A_300 : vector<8x768xf32>
      %get3A_302 = arith.constant 0 : index
      %get3A_303 = arith.constant 256 : index
      %get3A_304 = vector.load %arg16[%get3A_302, %get3A_303] : memref<8x1024xf32, #tpu.memory_space<vmem>>, vector<8x768xf32>
      %min3A = vector.broadcast %broadcast_in_dim3A_264 : vector<8x1xf32> to vector<8x768xf32>
      %min3A_305 = arith.minimumf %get3A_304, %min3A : vector<8x768xf32>
      %get3A_306 = arith.constant 0 : index
      %get3A_307 = arith.constant 256 : index
      %get3A_308 = vector.load %arg17[%get3A_306, %get3A_307] : memref<8x1024xf32, #tpu.memory_space<vmem>>, vector<8x768xf32>
      %min3A_309 = vector.broadcast %broadcast_in_dim3A_273 : vector<8x1xf32> to vector<8x768xf32>
      %min3A_310 = arith.minimumf %get3A_308, %min3A_309 : vector<8x768xf32>
      %sub3A_311 = arith.subf %min3A_305, %max3A_296 : vector<8x768xf32>
      %jit3A_312 = arith.constant 0.000000e+00 : f32
      %max3A_313 = vector.broadcast %jit3A_312 : f32 to vector<8x768xf32>
      %max3A_314 = arith.maximumf %max3A_313, %sub3A_311 : vector<8x768xf32>
      %sub3A_315 = arith.subf %min3A_310, %max3A_301 : vector<8x768xf32>
      %jit3A_316 = arith.constant 0.000000e+00 : f32
      %max3A_317 = vector.broadcast %jit3A_316 : f32 to vector<8x768xf32>
      %max3A_318 = arith.maximumf %max3A_317, %sub3A_315 : vector<8x768xf32>
      %mul3A_319 = arith.mulf %max3A_314, %max3A_318 : vector<8x768xf32>
      %get3A_320 = arith.constant 0 : index
      %get3A_321 = arith.constant 256 : index
      %get3A_322 = vector.load %arg18[%get3A_320, %get3A_321] : memref<8x1024xf32, #tpu.memory_space<vmem>>, vector<8x768xf32>
      %add3A_323 = vector.broadcast %broadcast_in_dim3A_282 : vector<8x1xf32> to vector<8x768xf32>
      %add3A_324 = arith.addf %get3A_322, %add3A_323 : vector<8x768xf32>
      %sub3A_325 = arith.subf %add3A_324, %mul3A_319 : vector<8x768xf32>
      %max3A_326 = arith.constant 9.99999997E-7 : f32
      %max3A_327 = vector.broadcast %max3A_326 : f32 to vector<8x768xf32>
      %max3A_328 = arith.maximumf %sub3A_325, %max3A_327 : vector<8x768xf32>
      %gt3A = arith.constant 0.000000e+00 : f32
      %gt3A_329 = vector.broadcast %gt3A : f32 to vector<8x1xf32>
      %gt3A_330 = arith.cmpf ogt, %broadcast_in_dim3A_291, %gt3A_329 : vector<8x1xf32>
      %mul3A_331 = arith.constant 4.000000e-01 : f32
      %mul3A_332 = vector.broadcast %mul3A_331 : f32 to vector<8x768xf32>
      %mul3A_333 = arith.mulf %mul3A_332, %max3A_328 : vector<8x768xf32>
      %gt3A_334 = arith.cmpf ogt, %mul3A_319, %mul3A_333 : vector<8x768xf32>
      %and3A_335 = vector.broadcast %gt3A_330 : vector<8x1xi1> to vector<8x768xi1>
      %and3A_336 = arith.andi %and3A_335, %gt3A_334 : vector<8x768xi1>
      %add3A_337 = arith.constant 256 : i32
      %add3A_338 = arith.addi %add3A_337, %scan3A_237 : i32
      %gt3A_339 = vector.broadcast %add3A_338 : i32 to vector<8x768xi32>
      %gt3A_340 = arith.cmpi sgt, %add3A_163, %gt3A_339 : vector<8x768xi32>
      %and3A_341 = arith.andi %and3A_336, %gt3A_340 : vector<8x768xi1>
      %get3A_342 = arith.constant 0 : index
      %get3A_343 = arith.constant 256 : index
      %get3A_344 = vector.load %arg19[%get3A_342, %get3A_343] : memref<8x1024xf32, #tpu.memory_space<vmem>>, vector<8x768xf32>
      %convert_element_type3A_345 = arith.extui %and3A_341 : vector<8x768xi1> to vector<8x768xi32>
      %convert_element_type3A_346 = arith.sitofp %convert_element_type3A_345 : vector<8x768xi32> to vector<8x768xf32>
      %sub3A_347 = arith.constant 1.000000e+00 : f32
      %sub3A_348 = vector.broadcast %sub3A_347 : f32 to vector<8x768xf32>
      %sub3A_349 = arith.subf %sub3A_348, %convert_element_type3A_346 : vector<8x768xf32>
      %mul3A_350 = arith.mulf %get3A_344, %sub3A_349 : vector<8x768xf32>
      %swap3A_351 = arith.constant 0 : index
      %swap3A_352 = arith.constant 256 : index
      %swap3A_353 = vector.load %arg19[%swap3A_351, %swap3A_352] : memref<8x1024xf32, #tpu.memory_space<vmem>>, vector<8x768xf32>
      tpu.vector_store %arg19[%swap3A_351, %swap3A_352], %mul3A_350 {strides = array<i32>} : memref<8x1024xf32, #tpu.memory_space<vmem>>, vector<8x768xf32>,
    }
    %scan3A_168 = arith.constant 128 : i32
    %iota3A_169 = tpu.iota {dimensions = array<i32: 1>} : vector<8x640xi32>
    %add3A_170 = arith.constant 384 : i32
    %add3A_171 = vector.broadcast %add3A_170 : i32 to vector<8x640xi32>
    %add3A_172 = arith.addi %iota3A_169, %add3A_171 : vector<8x640xi32>
    %scan3A_173 = arith.constant 0 : i32
    %scan3A_174 = arith.constant 128 : i32
    %scan3A_175 = arith.addi %scan3A_173, %scan3A_174 : i32
    %scan3A_176 = arith.constant 1 : i32
    scf.for %scan3A_237 = %scan3A_173 to %scan3A_175 step %scan3A_176  : i32 {
      %eq3A_238 = vector.broadcast %scan3A_237 : i32 to vector<8x128xi32>
      %eq3A_239 = arith.cmpi eq, %iota3A, %eq3A_238 : vector<8x128xi32>
      %get3A_240 = arith.constant 0 : index
      %get3A_241 = arith.constant 384 : index
      %get3A_242 = vector.load %arg14[%get3A_240, %get3A_241] : memref<8x1024xf32, #tpu.memory_space<vmem>>, vector<8x128xf32>
      %jit3A_243 = arith.constant -3.400000e+38 : f32
      %broadcast_in_dim3A = vector.broadcast %jit3A_243 : f32 to vector<8x128xf32>
      %select_n3A_244 = arith.select %eq3A_239, %get3A_242, %broadcast_in_dim3A : vector<8x128xi1>, vector<8x128xf32>
      %reduce_max3A = arith.constant dense<0xFF800000> : vector<8xf32>
      %reduce_max3A_245 = vector.multi_reduction <maximumf>, %select_n3A_244, %reduce_max3A [1] : vector<8x128xf32> to vector<8xf32>
      %broadcast_in_dim3A_246 = vector.shape_cast %reduce_max3A_245 : vector<8xf32> to vector<8x1xf32>
      %get3A_247 = arith.constant 0 : index
      %get3A_248 = arith.constant 384 : index
      %get3A_249 = vector.load %arg15[%get3A_247, %get3A_248] : memref<8x1024xf32, #tpu.memory_space<vmem>>, vector<8x128xf32>
      %jit3A_250 = arith.constant -3.400000e+38 : f32
      %broadcast_in_dim3A_251 = vector.broadcast %jit3A_250 : f32 to vector<8x128xf32>
      %select_n3A_252 = arith.select %eq3A_239, %get3A_249, %broadcast_in_dim3A_251 : vector<8x128xi1>, vector<8x128xf32>
      %reduce_max3A_253 = arith.constant dense<0xFF800000> : vector<8xf32>
      %reduce_max3A_254 = vector.multi_reduction <maximumf>, %select_n3A_252, %reduce_max3A_253 [1] : vector<8x128xf32> to vector<8xf32>
      %broadcast_in_dim3A_255 = vector.shape_cast %reduce_max3A_254 : vector<8xf32> to vector<8x1xf32>
      %get3A_256 = arith.constant 0 : index
      %get3A_257 = arith.constant 384 : index
      %get3A_258 = vector.load %arg16[%get3A_256, %get3A_257] : memref<8x1024xf32, #tpu.memory_space<vmem>>, vector<8x128xf32>
      %jit3A_259 = arith.constant -3.400000e+38 : f32
      %broadcast_in_dim3A_260 = vector.broadcast %jit3A_259 : f32 to vector<8x128xf32>
      %select_n3A_261 = arith.select %eq3A_239, %get3A_258, %broadcast_in_dim3A_260 : vector<8x128xi1>, vector<8x128xf32>
      %reduce_max3A_262 = arith.constant dense<0xFF800000> : vector<8xf32>
      %reduce_max3A_263 = vector.multi_reduction <maximumf>, %select_n3A_261, %reduce_max3A_262 [1] : vector<8x128xf32> to vector<8xf32>
      %broadcast_in_dim3A_264 = vector.shape_cast %reduce_max3A_263 : vector<8xf32> to vector<8x1xf32>
      %get3A_265 = arith.constant 0 : index
      %get3A_266 = arith.constant 384 : index
      %get3A_267 = vector.load %arg17[%get3A_265, %get3A_266] : memref<8x1024xf32, #tpu.memory_space<vmem>>, vector<8x128xf32>
      %jit3A_268 = arith.constant -3.400000e+38 : f32
      %broadcast_in_dim3A_269 = vector.broadcast %jit3A_268 : f32 to vector<8x128xf32>
      %select_n3A_270 = arith.select %eq3A_239, %get3A_267, %broadcast_in_dim3A_269 : vector<8x128xi1>, vector<8x128xf32>
      %reduce_max3A_271 = arith.constant dense<0xFF800000> : vector<8xf32>
      %reduce_max3A_272 = vector.multi_reduction <maximumf>, %select_n3A_270, %reduce_max3A_271 [1] : vector<8x128xf32> to vector<8xf32>
      %broadcast_in_dim3A_273 = vector.shape_cast %reduce_max3A_272 : vector<8xf32> to vector<8x1xf32>
      %get3A_274 = arith.constant 0 : index
      %get3A_275 = arith.constant 384 : index
      %get3A_276 = vector.load %arg18[%get3A_274, %get3A_275] : memref<8x1024xf32, #tpu.memory_space<vmem>>, vector<8x128xf32>
      %jit3A_277 = arith.constant -3.400000e+38 : f32
      %broadcast_in_dim3A_278 = vector.broadcast %jit3A_277 : f32 to vector<8x128xf32>
      %select_n3A_279 = arith.select %eq3A_239, %get3A_276, %broadcast_in_dim3A_278 : vector<8x128xi1>, vector<8x128xf32>
      %reduce_max3A_280 = arith.constant dense<0xFF800000> : vector<8xf32>
      %reduce_max3A_281 = vector.multi_reduction <maximumf>, %select_n3A_279, %reduce_max3A_280 [1] : vector<8x128xf32> to vector<8xf32>
      %broadcast_in_dim3A_282 = vector.shape_cast %reduce_max3A_281 : vector<8xf32> to vector<8x1xf32>
      %get3A_283 = arith.constant 0 : index
      %get3A_284 = arith.constant 384 : index
      %get3A_285 = vector.load %arg19[%get3A_283, %get3A_284] : memref<8x1024xf32, #tpu.memory_space<vmem>>, vector<8x128xf32>
      %jit3A_286 = arith.constant -3.400000e+38 : f32
      %broadcast_in_dim3A_287 = vector.broadcast %jit3A_286 : f32 to vector<8x128xf32>
      %select_n3A_288 = arith.select %eq3A_239, %get3A_285, %broadcast_in_dim3A_287 : vector<8x128xi1>, vector<8x128xf32>
      %reduce_max3A_289 = arith.constant dense<0xFF800000> : vector<8xf32>
      %reduce_max3A_290 = vector.multi_reduction <maximumf>, %select_n3A_288, %reduce_max3A_289 [1] : vector<8x128xf32> to vector<8xf32>
      %broadcast_in_dim3A_291 = vector.shape_cast %reduce_max3A_290 : vector<8xf32> to vector<8x1xf32>
      %get3A_292 = arith.constant 0 : index
      %get3A_293 = arith.constant 384 : index
      %get3A_294 = vector.load %arg14[%get3A_292, %get3A_293] : memref<8x1024xf32, #tpu.memory_space<vmem>>, vector<8x640xf32>
      %max3A_295 = vector.broadcast %broadcast_in_dim3A_246 : vector<8x1xf32> to vector<8x640xf32>
      %max3A_296 = arith.maximumf %get3A_294, %max3A_295 : vector<8x640xf32>
      %get3A_297 = arith.constant 0 : index
      %get3A_298 = arith.constant 384 : index
      %get3A_299 = vector.load %arg15[%get3A_297, %get3A_298] : memref<8x1024xf32, #tpu.memory_space<vmem>>, vector<8x640xf32>
      %max3A_300 = vector.broadcast %broadcast_in_dim3A_255 : vector<8x1xf32> to vector<8x640xf32>
      %max3A_301 = arith.maximumf %get3A_299, %max3A_300 : vector<8x640xf32>
      %get3A_302 = arith.constant 0 : index
      %get3A_303 = arith.constant 384 : index
      %get3A_304 = vector.load %arg16[%get3A_302, %get3A_303] : memref<8x1024xf32, #tpu.memory_space<vmem>>, vector<8x640xf32>
      %min3A = vector.broadcast %broadcast_in_dim3A_264 : vector<8x1xf32> to vector<8x640xf32>
      %min3A_305 = arith.minimumf %get3A_304, %min3A : vector<8x640xf32>
      %get3A_306 = arith.constant 0 : index
      %get3A_307 = arith.constant 384 : index
      %get3A_308 = vector.load %arg17[%get3A_306, %get3A_307] : memref<8x1024xf32, #tpu.memory_space<vmem>>, vector<8x640xf32>
      %min3A_309 = vector.broadcast %broadcast_in_dim3A_273 : vector<8x1xf32> to vector<8x640xf32>
      %min3A_310 = arith.minimumf %get3A_308, %min3A_309 : vector<8x640xf32>
      %sub3A_311 = arith.subf %min3A_305, %max3A_296 : vector<8x640xf32>
      %jit3A_312 = arith.constant 0.000000e+00 : f32
      %max3A_313 = vector.broadcast %jit3A_312 : f32 to vector<8x640xf32>
      %max3A_314 = arith.maximumf %max3A_313, %sub3A_311 : vector<8x640xf32>
      %sub3A_315 = arith.subf %min3A_310, %max3A_301 : vector<8x640xf32>
      %jit3A_316 = arith.constant 0.000000e+00 : f32
      %max3A_317 = vector.broadcast %jit3A_316 : f32 to vector<8x640xf32>
      %max3A_318 = arith.maximumf %max3A_317, %sub3A_315 : vector<8x640xf32>
      %mul3A_319 = arith.mulf %max3A_314, %max3A_318 : vector<8x640xf32>
      %get3A_320 = arith.constant 0 : index
      %get3A_321 = arith.constant 384 : index
      %get3A_322 = vector.load %arg18[%get3A_320, %get3A_321] : memref<8x1024xf32, #tpu.memory_space<vmem>>, vector<8x640xf32>
      %add3A_323 = vector.broadcast %broadcast_in_dim3A_282 : vector<8x1xf32> to vector<8x640xf32>
      %add3A_324 = arith.addf %get3A_322, %add3A_323 : vector<8x640xf32>
      %sub3A_325 = arith.subf %add3A_324, %mul3A_319 : vector<8x640xf32>
      %max3A_326 = arith.constant 9.99999997E-7 : f32
      %max3A_327 = vector.broadcast %max3A_326 : f32 to vector<8x640xf32>
      %max3A_328 = arith.maximumf %sub3A_325, %max3A_327 : vector<8x640xf32>
      %gt3A = arith.constant 0.000000e+00 : f32
      %gt3A_329 = vector.broadcast %gt3A : f32 to vector<8x1xf32>
      %gt3A_330 = arith.cmpf ogt, %broadcast_in_dim3A_291, %gt3A_329 : vector<8x1xf32>
      %mul3A_331 = arith.constant 4.000000e-01 : f32
      %mul3A_332 = vector.broadcast %mul3A_331 : f32 to vector<8x640xf32>
      %mul3A_333 = arith.mulf %mul3A_332, %max3A_328 : vector<8x640xf32>
      %gt3A_334 = arith.cmpf ogt, %mul3A_319, %mul3A_333 : vector<8x640xf32>
      %and3A_335 = vector.broadcast %gt3A_330 : vector<8x1xi1> to vector<8x640xi1>
      %and3A_336 = arith.andi %and3A_335, %gt3A_334 : vector<8x640xi1>
      %add3A_337 = arith.constant 384 : i32
      %add3A_338 = arith.addi %add3A_337, %scan3A_237 : i32
      %gt3A_339 = vector.broadcast %add3A_338 : i32 to vector<8x640xi32>
      %gt3A_340 = arith.cmpi sgt, %add3A_172, %gt3A_339 : vector<8x640xi32>
      %and3A_341 = arith.andi %and3A_336, %gt3A_340 : vector<8x640xi1>
      %get3A_342 = arith.constant 0 : index
      %get3A_343 = arith.constant 384 : index
      %get3A_344 = vector.load %arg19[%get3A_342, %get3A_343] : memref<8x1024xf32, #tpu.memory_space<vmem>>, vector<8x640xf32>
      %convert_element_type3A_345 = arith.extui %and3A_341 : vector<8x640xi1> to vector<8x640xi32>
      %convert_element_type3A_346 = arith.sitofp %convert_element_type3A_345 : vector<8x640xi32> to vector<8x640xf32>
      %sub3A_347 = arith.constant 1.000000e+00 : f32
      %sub3A_348 = vector.broadcast %sub3A_347 : f32 to vector<8x640xf32>
      %sub3A_349 = arith.subf %sub3A_348, %convert_element_type3A_346 : vector<8x640xf32>
      %mul3A_350 = arith.mulf %get3A_344, %sub3A_349 : vector<8x640xf32>
      %swap3A_351 = arith.constant 0 : index
      %swap3A_352 = arith.constant 384 : index
      %swap3A_353 = vector.load %arg19[%swap3A_351, %swap3A_352] : memref<8x1024xf32, #tpu.memory_space<vmem>>, vector<8x640xf32>
      tpu.vector_store %arg19[%swap3A_351, %swap3A_352], %mul3A_350 {strides = array<i32>} : memref<8x1024xf32, #tpu.memory_space<vmem>>, vector<8x640xf32>,
    }
    %scan3A_177 = arith.constant 128 : i32
    %iota3A_178 = tpu.iota {dimensions = array<i32: 1>} : vector<8x512xi32>
    %add3A_179 = arith.constant 512 : i32
    %add3A_180 = vector.broadcast %add3A_179 : i32 to vector<8x512xi32>
    %add3A_181 = arith.addi %iota3A_178, %add3A_180 : vector<8x512xi32>
    %scan3A_182 = arith.constant 0 : i32
    %scan3A_183 = arith.constant 128 : i32
    %scan3A_184 = arith.addi %scan3A_182, %scan3A_183 : i32
    %scan3A_185 = arith.constant 1 : i32
    scf.for %scan3A_237 = %scan3A_182 to %scan3A_184 step %scan3A_185  : i32 {
      %eq3A_238 = vector.broadcast %scan3A_237 : i32 to vector<8x128xi32>
      %eq3A_239 = arith.cmpi eq, %iota3A, %eq3A_238 : vector<8x128xi32>
      %get3A_240 = arith.constant 0 : index
      %get3A_241 = arith.constant 512 : index
      %get3A_242 = vector.load %arg14[%get3A_240, %get3A_241] : memref<8x1024xf32, #tpu.memory_space<vmem>>, vector<8x128xf32>
      %jit3A_243 = arith.constant -3.400000e+38 : f32
      %broadcast_in_dim3A = vector.broadcast %jit3A_243 : f32 to vector<8x128xf32>
      %select_n3A_244 = arith.select %eq3A_239, %get3A_242, %broadcast_in_dim3A : vector<8x128xi1>, vector<8x128xf32>
      %reduce_max3A = arith.constant dense<0xFF800000> : vector<8xf32>
      %reduce_max3A_245 = vector.multi_reduction <maximumf>, %select_n3A_244, %reduce_max3A [1] : vector<8x128xf32> to vector<8xf32>
      %broadcast_in_dim3A_246 = vector.shape_cast %reduce_max3A_245 : vector<8xf32> to vector<8x1xf32>
      %get3A_247 = arith.constant 0 : index
      %get3A_248 = arith.constant 512 : index
      %get3A_249 = vector.load %arg15[%get3A_247, %get3A_248] : memref<8x1024xf32, #tpu.memory_space<vmem>>, vector<8x128xf32>
      %jit3A_250 = arith.constant -3.400000e+38 : f32
      %broadcast_in_dim3A_251 = vector.broadcast %jit3A_250 : f32 to vector<8x128xf32>
      %select_n3A_252 = arith.select %eq3A_239, %get3A_249, %broadcast_in_dim3A_251 : vector<8x128xi1>, vector<8x128xf32>
      %reduce_max3A_253 = arith.constant dense<0xFF800000> : vector<8xf32>
      %reduce_max3A_254 = vector.multi_reduction <maximumf>, %select_n3A_252, %reduce_max3A_253 [1] : vector<8x128xf32> to vector<8xf32>
      %broadcast_in_dim3A_255 = vector.shape_cast %reduce_max3A_254 : vector<8xf32> to vector<8x1xf32>
      %get3A_256 = arith.constant 0 : index
      %get3A_257 = arith.constant 512 : index
      %get3A_258 = vector.load %arg16[%get3A_256, %get3A_257] : memref<8x1024xf32, #tpu.memory_space<vmem>>, vector<8x128xf32>
      %jit3A_259 = arith.constant -3.400000e+38 : f32
      %broadcast_in_dim3A_260 = vector.broadcast %jit3A_259 : f32 to vector<8x128xf32>
      %select_n3A_261 = arith.select %eq3A_239, %get3A_258, %broadcast_in_dim3A_260 : vector<8x128xi1>, vector<8x128xf32>
      %reduce_max3A_262 = arith.constant dense<0xFF800000> : vector<8xf32>
      %reduce_max3A_263 = vector.multi_reduction <maximumf>, %select_n3A_261, %reduce_max3A_262 [1] : vector<8x128xf32> to vector<8xf32>
      %broadcast_in_dim3A_264 = vector.shape_cast %reduce_max3A_263 : vector<8xf32> to vector<8x1xf32>
      %get3A_265 = arith.constant 0 : index
      %get3A_266 = arith.constant 512 : index
      %get3A_267 = vector.load %arg17[%get3A_265, %get3A_266] : memref<8x1024xf32, #tpu.memory_space<vmem>>, vector<8x128xf32>
      %jit3A_268 = arith.constant -3.400000e+38 : f32
      %broadcast_in_dim3A_269 = vector.broadcast %jit3A_268 : f32 to vector<8x128xf32>
      %select_n3A_270 = arith.select %eq3A_239, %get3A_267, %broadcast_in_dim3A_269 : vector<8x128xi1>, vector<8x128xf32>
      %reduce_max3A_271 = arith.constant dense<0xFF800000> : vector<8xf32>
      %reduce_max3A_272 = vector.multi_reduction <maximumf>, %select_n3A_270, %reduce_max3A_271 [1] : vector<8x128xf32> to vector<8xf32>
      %broadcast_in_dim3A_273 = vector.shape_cast %reduce_max3A_272 : vector<8xf32> to vector<8x1xf32>
      %get3A_274 = arith.constant 0 : index
      %get3A_275 = arith.constant 512 : index
      %get3A_276 = vector.load %arg18[%get3A_274, %get3A_275] : memref<8x1024xf32, #tpu.memory_space<vmem>>, vector<8x128xf32>
      %jit3A_277 = arith.constant -3.400000e+38 : f32
      %broadcast_in_dim3A_278 = vector.broadcast %jit3A_277 : f32 to vector<8x128xf32>
      %select_n3A_279 = arith.select %eq3A_239, %get3A_276, %broadcast_in_dim3A_278 : vector<8x128xi1>, vector<8x128xf32>
      %reduce_max3A_280 = arith.constant dense<0xFF800000> : vector<8xf32>
      %reduce_max3A_281 = vector.multi_reduction <maximumf>, %select_n3A_279, %reduce_max3A_280 [1] : vector<8x128xf32> to vector<8xf32>
      %broadcast_in_dim3A_282 = vector.shape_cast %reduce_max3A_281 : vector<8xf32> to vector<8x1xf32>
      %get3A_283 = arith.constant 0 : index
      %get3A_284 = arith.constant 512 : index
      %get3A_285 = vector.load %arg19[%get3A_283, %get3A_284] : memref<8x1024xf32, #tpu.memory_space<vmem>>, vector<8x128xf32>
      %jit3A_286 = arith.constant -3.400000e+38 : f32
      %broadcast_in_dim3A_287 = vector.broadcast %jit3A_286 : f32 to vector<8x128xf32>
      %select_n3A_288 = arith.select %eq3A_239, %get3A_285, %broadcast_in_dim3A_287 : vector<8x128xi1>, vector<8x128xf32>
      %reduce_max3A_289 = arith.constant dense<0xFF800000> : vector<8xf32>
      %reduce_max3A_290 = vector.multi_reduction <maximumf>, %select_n3A_288, %reduce_max3A_289 [1] : vector<8x128xf32> to vector<8xf32>
      %broadcast_in_dim3A_291 = vector.shape_cast %reduce_max3A_290 : vector<8xf32> to vector<8x1xf32>
      %get3A_292 = arith.constant 0 : index
      %get3A_293 = arith.constant 512 : index
      %get3A_294 = vector.load %arg14[%get3A_292, %get3A_293] : memref<8x1024xf32, #tpu.memory_space<vmem>>, vector<8x512xf32>
      %max3A_295 = vector.broadcast %broadcast_in_dim3A_246 : vector<8x1xf32> to vector<8x512xf32>
      %max3A_296 = arith.maximumf %get3A_294, %max3A_295 : vector<8x512xf32>
      %get3A_297 = arith.constant 0 : index
      %get3A_298 = arith.constant 512 : index
      %get3A_299 = vector.load %arg15[%get3A_297, %get3A_298] : memref<8x1024xf32, #tpu.memory_space<vmem>>, vector<8x512xf32>
      %max3A_300 = vector.broadcast %broadcast_in_dim3A_255 : vector<8x1xf32> to vector<8x512xf32>
      %max3A_301 = arith.maximumf %get3A_299, %max3A_300 : vector<8x512xf32>
      %get3A_302 = arith.constant 0 : index
      %get3A_303 = arith.constant 512 : index
      %get3A_304 = vector.load %arg16[%get3A_302, %get3A_303] : memref<8x1024xf32, #tpu.memory_space<vmem>>, vector<8x512xf32>
      %min3A = vector.broadcast %broadcast_in_dim3A_264 : vector<8x1xf32> to vector<8x512xf32>
      %min3A_305 = arith.minimumf %get3A_304, %min3A : vector<8x512xf32>
      %get3A_306 = arith.constant 0 : index
      %get3A_307 = arith.constant 512 : index
      %get3A_308 = vector.load %arg17[%get3A_306, %get3A_307] : memref<8x1024xf32, #tpu.memory_space<vmem>>, vector<8x512xf32>
      %min3A_309 = vector.broadcast %broadcast_in_dim3A_273 : vector<8x1xf32> to vector<8x512xf32>
      %min3A_310 = arith.minimumf %get3A_308, %min3A_309 : vector<8x512xf32>
      %sub3A_311 = arith.subf %min3A_305, %max3A_296 : vector<8x512xf32>
      %jit3A_312 = arith.constant 0.000000e+00 : f32
      %max3A_313 = vector.broadcast %jit3A_312 : f32 to vector<8x512xf32>
      %max3A_314 = arith.maximumf %max3A_313, %sub3A_311 : vector<8x512xf32>
      %sub3A_315 = arith.subf %min3A_310, %max3A_301 : vector<8x512xf32>
      %jit3A_316 = arith.constant 0.000000e+00 : f32
      %max3A_317 = vector.broadcast %jit3A_316 : f32 to vector<8x512xf32>
      %max3A_318 = arith.maximumf %max3A_317, %sub3A_315 : vector<8x512xf32>
      %mul3A_319 = arith.mulf %max3A_314, %max3A_318 : vector<8x512xf32>
      %get3A_320 = arith.constant 0 : index
      %get3A_321 = arith.constant 512 : index
      %get3A_322 = vector.load %arg18[%get3A_320, %get3A_321] : memref<8x1024xf32, #tpu.memory_space<vmem>>, vector<8x512xf32>
      %add3A_323 = vector.broadcast %broadcast_in_dim3A_282 : vector<8x1xf32> to vector<8x512xf32>
      %add3A_324 = arith.addf %get3A_322, %add3A_323 : vector<8x512xf32>
      %sub3A_325 = arith.subf %add3A_324, %mul3A_319 : vector<8x512xf32>
      %max3A_326 = arith.constant 9.99999997E-7 : f32
      %max3A_327 = vector.broadcast %max3A_326 : f32 to vector<8x512xf32>
      %max3A_328 = arith.maximumf %sub3A_325, %max3A_327 : vector<8x512xf32>
      %gt3A = arith.constant 0.000000e+00 : f32
      %gt3A_329 = vector.broadcast %gt3A : f32 to vector<8x1xf32>
      %gt3A_330 = arith.cmpf ogt, %broadcast_in_dim3A_291, %gt3A_329 : vector<8x1xf32>
      %mul3A_331 = arith.constant 4.000000e-01 : f32
      %mul3A_332 = vector.broadcast %mul3A_331 : f32 to vector<8x512xf32>
      %mul3A_333 = arith.mulf %mul3A_332, %max3A_328 : vector<8x512xf32>
      %gt3A_334 = arith.cmpf ogt, %mul3A_319, %mul3A_333 : vector<8x512xf32>
      %and3A_335 = vector.broadcast %gt3A_330 : vector<8x1xi1> to vector<8x512xi1>
      %and3A_336 = arith.andi %and3A_335, %gt3A_334 : vector<8x512xi1>
      %add3A_337 = arith.constant 512 : i32
      %add3A_338 = arith.addi %add3A_337, %scan3A_237 : i32
      %gt3A_339 = vector.broadcast %add3A_338 : i32 to vector<8x512xi32>
      %gt3A_340 = arith.cmpi sgt, %add3A_181, %gt3A_339 : vector<8x512xi32>
      %and3A_341 = arith.andi %and3A_336, %gt3A_340 : vector<8x512xi1>
      %get3A_342 = arith.constant 0 : index
      %get3A_343 = arith.constant 512 : index
      %get3A_344 = vector.load %arg19[%get3A_342, %get3A_343] : memref<8x1024xf32, #tpu.memory_space<vmem>>, vector<8x512xf32>
      %convert_element_type3A_345 = arith.extui %and3A_341 : vector<8x512xi1> to vector<8x512xi32>
      %convert_element_type3A_346 = arith.sitofp %convert_element_type3A_345 : vector<8x512xi32> to vector<8x512xf32>
      %sub3A_347 = arith.constant 1.000000e+00 : f32
      %sub3A_348 = vector.broadcast %sub3A_347 : f32 to vector<8x512xf32>
      %sub3A_349 = arith.subf %sub3A_348, %convert_element_type3A_346 : vector<8x512xf32>
      %mul3A_350 = arith.mulf %get3A_344, %sub3A_349 : vector<8x512xf32>
      %swap3A_351 = arith.constant 0 : index
      %swap3A_352 = arith.constant 512 : index
      %swap3A_353 = vector.load %arg19[%swap3A_351, %swap3A_352] : memref<8x1024xf32, #tpu.memory_space<vmem>>, vector<8x512xf32>
      tpu.vector_store %arg19[%swap3A_351, %swap3A_352], %mul3A_350 {strides = array<i32>} : memref<8x1024xf32, #tpu.memory_space<vmem>>, vector<8x512xf32>,
    }
    %scan3A_186 = arith.constant 128 : i32
    %iota3A_187 = tpu.iota {dimensions = array<i32: 1>} : vector<8x384xi32>
    %add3A_188 = arith.constant 640 : i32
    %add3A_189 = vector.broadcast %add3A_188 : i32 to vector<8x384xi32>
    %add3A_190 = arith.addi %iota3A_187, %add3A_189 : vector<8x384xi32>
    %scan3A_191 = arith.constant 0 : i32
    %scan3A_192 = arith.constant 128 : i32
    %scan3A_193 = arith.addi %scan3A_191, %scan3A_192 : i32
    %scan3A_194 = arith.constant 1 : i32
    scf.for %scan3A_237 = %scan3A_191 to %scan3A_193 step %scan3A_194  : i32 {
      %eq3A_238 = vector.broadcast %scan3A_237 : i32 to vector<8x128xi32>
      %eq3A_239 = arith.cmpi eq, %iota3A, %eq3A_238 : vector<8x128xi32>
      %get3A_240 = arith.constant 0 : index
      %get3A_241 = arith.constant 640 : index
      %get3A_242 = vector.load %arg14[%get3A_240, %get3A_241] : memref<8x1024xf32, #tpu.memory_space<vmem>>, vector<8x128xf32>
      %jit3A_243 = arith.constant -3.400000e+38 : f32
      %broadcast_in_dim3A = vector.broadcast %jit3A_243 : f32 to vector<8x128xf32>
      %select_n3A_244 = arith.select %eq3A_239, %get3A_242, %broadcast_in_dim3A : vector<8x128xi1>, vector<8x128xf32>
      %reduce_max3A = arith.constant dense<0xFF800000> : vector<8xf32>
      %reduce_max3A_245 = vector.multi_reduction <maximumf>, %select_n3A_244, %reduce_max3A [1] : vector<8x128xf32> to vector<8xf32>
      %broadcast_in_dim3A_246 = vector.shape_cast %reduce_max3A_245 : vector<8xf32> to vector<8x1xf32>
      %get3A_247 = arith.constant 0 : index
      %get3A_248 = arith.constant 640 : index
      %get3A_249 = vector.load %arg15[%get3A_247, %get3A_248] : memref<8x1024xf32, #tpu.memory_space<vmem>>, vector<8x128xf32>
      %jit3A_250 = arith.constant -3.400000e+38 : f32
      %broadcast_in_dim3A_251 = vector.broadcast %jit3A_250 : f32 to vector<8x128xf32>
      %select_n3A_252 = arith.select %eq3A_239, %get3A_249, %broadcast_in_dim3A_251 : vector<8x128xi1>, vector<8x128xf32>
      %reduce_max3A_253 = arith.constant dense<0xFF800000> : vector<8xf32>
      %reduce_max3A_254 = vector.multi_reduction <maximumf>, %select_n3A_252, %reduce_max3A_253 [1] : vector<8x128xf32> to vector<8xf32>
      %broadcast_in_dim3A_255 = vector.shape_cast %reduce_max3A_254 : vector<8xf32> to vector<8x1xf32>
      %get3A_256 = arith.constant 0 : index
      %get3A_257 = arith.constant 640 : index
      %get3A_258 = vector.load %arg16[%get3A_256, %get3A_257] : memref<8x1024xf32, #tpu.memory_space<vmem>>, vector<8x128xf32>
      %jit3A_259 = arith.constant -3.400000e+38 : f32
      %broadcast_in_dim3A_260 = vector.broadcast %jit3A_259 : f32 to vector<8x128xf32>
      %select_n3A_261 = arith.select %eq3A_239, %get3A_258, %broadcast_in_dim3A_260 : vector<8x128xi1>, vector<8x128xf32>
      %reduce_max3A_262 = arith.constant dense<0xFF800000> : vector<8xf32>
      %reduce_max3A_263 = vector.multi_reduction <maximumf>, %select_n3A_261, %reduce_max3A_262 [1] : vector<8x128xf32> to vector<8xf32>
      %broadcast_in_dim3A_264 = vector.shape_cast %reduce_max3A_263 : vector<8xf32> to vector<8x1xf32>
      %get3A_265 = arith.constant 0 : index
      %get3A_266 = arith.constant 640 : index
      %get3A_267 = vector.load %arg17[%get3A_265, %get3A_266] : memref<8x1024xf32, #tpu.memory_space<vmem>>, vector<8x128xf32>
      %jit3A_268 = arith.constant -3.400000e+38 : f32
      %broadcast_in_dim3A_269 = vector.broadcast %jit3A_268 : f32 to vector<8x128xf32>
      %select_n3A_270 = arith.select %eq3A_239, %get3A_267, %broadcast_in_dim3A_269 : vector<8x128xi1>, vector<8x128xf32>
      %reduce_max3A_271 = arith.constant dense<0xFF800000> : vector<8xf32>
      %reduce_max3A_272 = vector.multi_reduction <maximumf>, %select_n3A_270, %reduce_max3A_271 [1] : vector<8x128xf32> to vector<8xf32>
      %broadcast_in_dim3A_273 = vector.shape_cast %reduce_max3A_272 : vector<8xf32> to vector<8x1xf32>
      %get3A_274 = arith.constant 0 : index
      %get3A_275 = arith.constant 640 : index
      %get3A_276 = vector.load %arg18[%get3A_274, %get3A_275] : memref<8x1024xf32, #tpu.memory_space<vmem>>, vector<8x128xf32>
      %jit3A_277 = arith.constant -3.400000e+38 : f32
      %broadcast_in_dim3A_278 = vector.broadcast %jit3A_277 : f32 to vector<8x128xf32>
      %select_n3A_279 = arith.select %eq3A_239, %get3A_276, %broadcast_in_dim3A_278 : vector<8x128xi1>, vector<8x128xf32>
      %reduce_max3A_280 = arith.constant dense<0xFF800000> : vector<8xf32>
      %reduce_max3A_281 = vector.multi_reduction <maximumf>, %select_n3A_279, %reduce_max3A_280 [1] : vector<8x128xf32> to vector<8xf32>
      %broadcast_in_dim3A_282 = vector.shape_cast %reduce_max3A_281 : vector<8xf32> to vector<8x1xf32>
      %get3A_283 = arith.constant 0 : index
      %get3A_284 = arith.constant 640 : index
      %get3A_285 = vector.load %arg19[%get3A_283, %get3A_284] : memref<8x1024xf32, #tpu.memory_space<vmem>>, vector<8x128xf32>
      %jit3A_286 = arith.constant -3.400000e+38 : f32
      %broadcast_in_dim3A_287 = vector.broadcast %jit3A_286 : f32 to vector<8x128xf32>
      %select_n3A_288 = arith.select %eq3A_239, %get3A_285, %broadcast_in_dim3A_287 : vector<8x128xi1>, vector<8x128xf32>
      %reduce_max3A_289 = arith.constant dense<0xFF800000> : vector<8xf32>
      %reduce_max3A_290 = vector.multi_reduction <maximumf>, %select_n3A_288, %reduce_max3A_289 [1] : vector<8x128xf32> to vector<8xf32>
      %broadcast_in_dim3A_291 = vector.shape_cast %reduce_max3A_290 : vector<8xf32> to vector<8x1xf32>
      %get3A_292 = arith.constant 0 : index
      %get3A_293 = arith.constant 640 : index
      %get3A_294 = vector.load %arg14[%get3A_292, %get3A_293] : memref<8x1024xf32, #tpu.memory_space<vmem>>, vector<8x384xf32>
      %max3A_295 = vector.broadcast %broadcast_in_dim3A_246 : vector<8x1xf32> to vector<8x384xf32>
      %max3A_296 = arith.maximumf %get3A_294, %max3A_295 : vector<8x384xf32>
      %get3A_297 = arith.constant 0 : index
      %get3A_298 = arith.constant 640 : index
      %get3A_299 = vector.load %arg15[%get3A_297, %get3A_298] : memref<8x1024xf32, #tpu.memory_space<vmem>>, vector<8x384xf32>
      %max3A_300 = vector.broadcast %broadcast_in_dim3A_255 : vector<8x1xf32> to vector<8x384xf32>
      %max3A_301 = arith.maximumf %get3A_299, %max3A_300 : vector<8x384xf32>
      %get3A_302 = arith.constant 0 : index
      %get3A_303 = arith.constant 640 : index
      %get3A_304 = vector.load %arg16[%get3A_302, %get3A_303] : memref<8x1024xf32, #tpu.memory_space<vmem>>, vector<8x384xf32>
      %min3A = vector.broadcast %broadcast_in_dim3A_264 : vector<8x1xf32> to vector<8x384xf32>
      %min3A_305 = arith.minimumf %get3A_304, %min3A : vector<8x384xf32>
      %get3A_306 = arith.constant 0 : index
      %get3A_307 = arith.constant 640 : index
      %get3A_308 = vector.load %arg17[%get3A_306, %get3A_307] : memref<8x1024xf32, #tpu.memory_space<vmem>>, vector<8x384xf32>
      %min3A_309 = vector.broadcast %broadcast_in_dim3A_273 : vector<8x1xf32> to vector<8x384xf32>
      %min3A_310 = arith.minimumf %get3A_308, %min3A_309 : vector<8x384xf32>
      %sub3A_311 = arith.subf %min3A_305, %max3A_296 : vector<8x384xf32>
      %jit3A_312 = arith.constant 0.000000e+00 : f32
      %max3A_313 = vector.broadcast %jit3A_312 : f32 to vector<8x384xf32>
      %max3A_314 = arith.maximumf %max3A_313, %sub3A_311 : vector<8x384xf32>
      %sub3A_315 = arith.subf %min3A_310, %max3A_301 : vector<8x384xf32>
      %jit3A_316 = arith.constant 0.000000e+00 : f32
      %max3A_317 = vector.broadcast %jit3A_316 : f32 to vector<8x384xf32>
      %max3A_318 = arith.maximumf %max3A_317, %sub3A_315 : vector<8x384xf32>
      %mul3A_319 = arith.mulf %max3A_314, %max3A_318 : vector<8x384xf32>
      %get3A_320 = arith.constant 0 : index
      %get3A_321 = arith.constant 640 : index
      %get3A_322 = vector.load %arg18[%get3A_320, %get3A_321] : memref<8x1024xf32, #tpu.memory_space<vmem>>, vector<8x384xf32>
      %add3A_323 = vector.broadcast %broadcast_in_dim3A_282 : vector<8x1xf32> to vector<8x384xf32>
      %add3A_324 = arith.addf %get3A_322, %add3A_323 : vector<8x384xf32>
      %sub3A_325 = arith.subf %add3A_324, %mul3A_319 : vector<8x384xf32>
      %max3A_326 = arith.constant 9.99999997E-7 : f32
      %max3A_327 = vector.broadcast %max3A_326 : f32 to vector<8x384xf32>
      %max3A_328 = arith.maximumf %sub3A_325, %max3A_327 : vector<8x384xf32>
      %gt3A = arith.constant 0.000000e+00 : f32
      %gt3A_329 = vector.broadcast %gt3A : f32 to vector<8x1xf32>
      %gt3A_330 = arith.cmpf ogt, %broadcast_in_dim3A_291, %gt3A_329 : vector<8x1xf32>
      %mul3A_331 = arith.constant 4.000000e-01 : f32
      %mul3A_332 = vector.broadcast %mul3A_331 : f32 to vector<8x384xf32>
      %mul3A_333 = arith.mulf %mul3A_332, %max3A_328 : vector<8x384xf32>
      %gt3A_334 = arith.cmpf ogt, %mul3A_319, %mul3A_333 : vector<8x384xf32>
      %and3A_335 = vector.broadcast %gt3A_330 : vector<8x1xi1> to vector<8x384xi1>
      %and3A_336 = arith.andi %and3A_335, %gt3A_334 : vector<8x384xi1>
      %add3A_337 = arith.constant 640 : i32
      %add3A_338 = arith.addi %add3A_337, %scan3A_237 : i32
      %gt3A_339 = vector.broadcast %add3A_338 : i32 to vector<8x384xi32>
      %gt3A_340 = arith.cmpi sgt, %add3A_190, %gt3A_339 : vector<8x384xi32>
      %and3A_341 = arith.andi %and3A_336, %gt3A_340 : vector<8x384xi1>
      %get3A_342 = arith.constant 0 : index
      %get3A_343 = arith.constant 640 : index
      %get3A_344 = vector.load %arg19[%get3A_342, %get3A_343] : memref<8x1024xf32, #tpu.memory_space<vmem>>, vector<8x384xf32>
      %convert_element_type3A_345 = arith.extui %and3A_341 : vector<8x384xi1> to vector<8x384xi32>
      %convert_element_type3A_346 = arith.sitofp %convert_element_type3A_345 : vector<8x384xi32> to vector<8x384xf32>
      %sub3A_347 = arith.constant 1.000000e+00 : f32
      %sub3A_348 = vector.broadcast %sub3A_347 : f32 to vector<8x384xf32>
      %sub3A_349 = arith.subf %sub3A_348, %convert_element_type3A_346 : vector<8x384xf32>
      %mul3A_350 = arith.mulf %get3A_344, %sub3A_349 : vector<8x384xf32>
      %swap3A_351 = arith.constant 0 : index
      %swap3A_352 = arith.constant 640 : index
      %swap3A_353 = vector.load %arg19[%swap3A_351, %swap3A_352] : memref<8x1024xf32, #tpu.memory_space<vmem>>, vector<8x384xf32>
      tpu.vector_store %arg19[%swap3A_351, %swap3A_352], %mul3A_350 {strides = array<i32>} : memref<8x1024xf32, #tpu.memory_space<vmem>>, vector<8x384xf32>,
    }
    %scan3A_195 = arith.constant 128 : i32
    %iota3A_196 = tpu.iota {dimensions = array<i32: 1>} : vector<8x256xi32>
    %add3A_197 = arith.constant 768 : i32
    %add3A_198 = vector.broadcast %add3A_197 : i32 to vector<8x256xi32>
    %add3A_199 = arith.addi %iota3A_196, %add3A_198 : vector<8x256xi32>
    %scan3A_200 = arith.constant 0 : i32
    %scan3A_201 = arith.constant 128 : i32
    %scan3A_202 = arith.addi %scan3A_200, %scan3A_201 : i32
    %scan3A_203 = arith.constant 1 : i32
    scf.for %scan3A_237 = %scan3A_200 to %scan3A_202 step %scan3A_203  : i32 {
      %eq3A_238 = vector.broadcast %scan3A_237 : i32 to vector<8x128xi32>
      %eq3A_239 = arith.cmpi eq, %iota3A, %eq3A_238 : vector<8x128xi32>
      %get3A_240 = arith.constant 0 : index
      %get3A_241 = arith.constant 768 : index
      %get3A_242 = vector.load %arg14[%get3A_240, %get3A_241] : memref<8x1024xf32, #tpu.memory_space<vmem>>, vector<8x128xf32>
      %jit3A_243 = arith.constant -3.400000e+38 : f32
      %broadcast_in_dim3A = vector.broadcast %jit3A_243 : f32 to vector<8x128xf32>
      %select_n3A_244 = arith.select %eq3A_239, %get3A_242, %broadcast_in_dim3A : vector<8x128xi1>, vector<8x128xf32>
      %reduce_max3A = arith.constant dense<0xFF800000> : vector<8xf32>
      %reduce_max3A_245 = vector.multi_reduction <maximumf>, %select_n3A_244, %reduce_max3A [1] : vector<8x128xf32> to vector<8xf32>
      %broadcast_in_dim3A_246 = vector.shape_cast %reduce_max3A_245 : vector<8xf32> to vector<8x1xf32>
      %get3A_247 = arith.constant 0 : index
      %get3A_248 = arith.constant 768 : index
      %get3A_249 = vector.load %arg15[%get3A_247, %get3A_248] : memref<8x1024xf32, #tpu.memory_space<vmem>>, vector<8x128xf32>
      %jit3A_250 = arith.constant -3.400000e+38 : f32
      %broadcast_in_dim3A_251 = vector.broadcast %jit3A_250 : f32 to vector<8x128xf32>
      %select_n3A_252 = arith.select %eq3A_239, %get3A_249, %broadcast_in_dim3A_251 : vector<8x128xi1>, vector<8x128xf32>
      %reduce_max3A_253 = arith.constant dense<0xFF800000> : vector<8xf32>
      %reduce_max3A_254 = vector.multi_reduction <maximumf>, %select_n3A_252, %reduce_max3A_253 [1] : vector<8x128xf32> to vector<8xf32>
      %broadcast_in_dim3A_255 = vector.shape_cast %reduce_max3A_254 : vector<8xf32> to vector<8x1xf32>
      %get3A_256 = arith.constant 0 : index
      %get3A_257 = arith.constant 768 : index
      %get3A_258 = vector.load %arg16[%get3A_256, %get3A_257] : memref<8x1024xf32, #tpu.memory_space<vmem>>, vector<8x128xf32>
      %jit3A_259 = arith.constant -3.400000e+38 : f32
      %broadcast_in_dim3A_260 = vector.broadcast %jit3A_259 : f32 to vector<8x128xf32>
      %select_n3A_261 = arith.select %eq3A_239, %get3A_258, %broadcast_in_dim3A_260 : vector<8x128xi1>, vector<8x128xf32>
      %reduce_max3A_262 = arith.constant dense<0xFF800000> : vector<8xf32>
      %reduce_max3A_263 = vector.multi_reduction <maximumf>, %select_n3A_261, %reduce_max3A_262 [1] : vector<8x128xf32> to vector<8xf32>
      %broadcast_in_dim3A_264 = vector.shape_cast %reduce_max3A_263 : vector<8xf32> to vector<8x1xf32>
      %get3A_265 = arith.constant 0 : index
      %get3A_266 = arith.constant 768 : index
      %get3A_267 = vector.load %arg17[%get3A_265, %get3A_266] : memref<8x1024xf32, #tpu.memory_space<vmem>>, vector<8x128xf32>
      %jit3A_268 = arith.constant -3.400000e+38 : f32
      %broadcast_in_dim3A_269 = vector.broadcast %jit3A_268 : f32 to vector<8x128xf32>
      %select_n3A_270 = arith.select %eq3A_239, %get3A_267, %broadcast_in_dim3A_269 : vector<8x128xi1>, vector<8x128xf32>
      %reduce_max3A_271 = arith.constant dense<0xFF800000> : vector<8xf32>
      %reduce_max3A_272 = vector.multi_reduction <maximumf>, %select_n3A_270, %reduce_max3A_271 [1] : vector<8x128xf32> to vector<8xf32>
      %broadcast_in_dim3A_273 = vector.shape_cast %reduce_max3A_272 : vector<8xf32> to vector<8x1xf32>
      %get3A_274 = arith.constant 0 : index
      %get3A_275 = arith.constant 768 : index
      %get3A_276 = vector.load %arg18[%get3A_274, %get3A_275] : memref<8x1024xf32, #tpu.memory_space<vmem>>, vector<8x128xf32>
      %jit3A_277 = arith.constant -3.400000e+38 : f32
      %broadcast_in_dim3A_278 = vector.broadcast %jit3A_277 : f32 to vector<8x128xf32>
      %select_n3A_279 = arith.select %eq3A_239, %get3A_276, %broadcast_in_dim3A_278 : vector<8x128xi1>, vector<8x128xf32>
      %reduce_max3A_280 = arith.constant dense<0xFF800000> : vector<8xf32>
      %reduce_max3A_281 = vector.multi_reduction <maximumf>, %select_n3A_279, %reduce_max3A_280 [1] : vector<8x128xf32> to vector<8xf32>
      %broadcast_in_dim3A_282 = vector.shape_cast %reduce_max3A_281 : vector<8xf32> to vector<8x1xf32>
      %get3A_283 = arith.constant 0 : index
      %get3A_284 = arith.constant 768 : index
      %get3A_285 = vector.load %arg19[%get3A_283, %get3A_284] : memref<8x1024xf32, #tpu.memory_space<vmem>>, vector<8x128xf32>
      %jit3A_286 = arith.constant -3.400000e+38 : f32
      %broadcast_in_dim3A_287 = vector.broadcast %jit3A_286 : f32 to vector<8x128xf32>
      %select_n3A_288 = arith.select %eq3A_239, %get3A_285, %broadcast_in_dim3A_287 : vector<8x128xi1>, vector<8x128xf32>
      %reduce_max3A_289 = arith.constant dense<0xFF800000> : vector<8xf32>
      %reduce_max3A_290 = vector.multi_reduction <maximumf>, %select_n3A_288, %reduce_max3A_289 [1] : vector<8x128xf32> to vector<8xf32>
      %broadcast_in_dim3A_291 = vector.shape_cast %reduce_max3A_290 : vector<8xf32> to vector<8x1xf32>
      %get3A_292 = arith.constant 0 : index
      %get3A_293 = arith.constant 768 : index
      %get3A_294 = vector.load %arg14[%get3A_292, %get3A_293] : memref<8x1024xf32, #tpu.memory_space<vmem>>, vector<8x256xf32>
      %max3A_295 = vector.broadcast %broadcast_in_dim3A_246 : vector<8x1xf32> to vector<8x256xf32>
      %max3A_296 = arith.maximumf %get3A_294, %max3A_295 : vector<8x256xf32>
      %get3A_297 = arith.constant 0 : index
      %get3A_298 = arith.constant 768 : index
      %get3A_299 = vector.load %arg15[%get3A_297, %get3A_298] : memref<8x1024xf32, #tpu.memory_space<vmem>>, vector<8x256xf32>
      %max3A_300 = vector.broadcast %broadcast_in_dim3A_255 : vector<8x1xf32> to vector<8x256xf32>
      %max3A_301 = arith.maximumf %get3A_299, %max3A_300 : vector<8x256xf32>
      %get3A_302 = arith.constant 0 : index
      %get3A_303 = arith.constant 768 : index
      %get3A_304 = vector.load %arg16[%get3A_302, %get3A_303] : memref<8x1024xf32, #tpu.memory_space<vmem>>, vector<8x256xf32>
      %min3A = vector.broadcast %broadcast_in_dim3A_264 : vector<8x1xf32> to vector<8x256xf32>
      %min3A_305 = arith.minimumf %get3A_304, %min3A : vector<8x256xf32>
      %get3A_306 = arith.constant 0 : index
      %get3A_307 = arith.constant 768 : index
      %get3A_308 = vector.load %arg17[%get3A_306, %get3A_307] : memref<8x1024xf32, #tpu.memory_space<vmem>>, vector<8x256xf32>
      %min3A_309 = vector.broadcast %broadcast_in_dim3A_273 : vector<8x1xf32> to vector<8x256xf32>
      %min3A_310 = arith.minimumf %get3A_308, %min3A_309 : vector<8x256xf32>
      %sub3A_311 = arith.subf %min3A_305, %max3A_296 : vector<8x256xf32>
      %jit3A_312 = arith.constant 0.000000e+00 : f32
      %max3A_313 = vector.broadcast %jit3A_312 : f32 to vector<8x256xf32>
      %max3A_314 = arith.maximumf %max3A_313, %sub3A_311 : vector<8x256xf32>
      %sub3A_315 = arith.subf %min3A_310, %max3A_301 : vector<8x256xf32>
      %jit3A_316 = arith.constant 0.000000e+00 : f32
      %max3A_317 = vector.broadcast %jit3A_316 : f32 to vector<8x256xf32>
      %max3A_318 = arith.maximumf %max3A_317, %sub3A_315 : vector<8x256xf32>
      %mul3A_319 = arith.mulf %max3A_314, %max3A_318 : vector<8x256xf32>
      %get3A_320 = arith.constant 0 : index
      %get3A_321 = arith.constant 768 : index
      %get3A_322 = vector.load %arg18[%get3A_320, %get3A_321] : memref<8x1024xf32, #tpu.memory_space<vmem>>, vector<8x256xf32>
      %add3A_323 = vector.broadcast %broadcast_in_dim3A_282 : vector<8x1xf32> to vector<8x256xf32>
      %add3A_324 = arith.addf %get3A_322, %add3A_323 : vector<8x256xf32>
      %sub3A_325 = arith.subf %add3A_324, %mul3A_319 : vector<8x256xf32>
      %max3A_326 = arith.constant 9.99999997E-7 : f32
      %max3A_327 = vector.broadcast %max3A_326 : f32 to vector<8x256xf32>
      %max3A_328 = arith.maximumf %sub3A_325, %max3A_327 : vector<8x256xf32>
      %gt3A = arith.constant 0.000000e+00 : f32
      %gt3A_329 = vector.broadcast %gt3A : f32 to vector<8x1xf32>
      %gt3A_330 = arith.cmpf ogt, %broadcast_in_dim3A_291, %gt3A_329 : vector<8x1xf32>
      %mul3A_331 = arith.constant 4.000000e-01 : f32
      %mul3A_332 = vector.broadcast %mul3A_331 : f32 to vector<8x256xf32>
      %mul3A_333 = arith.mulf %mul3A_332, %max3A_328 : vector<8x256xf32>
      %gt3A_334 = arith.cmpf ogt, %mul3A_319, %mul3A_333 : vector<8x256xf32>
      %and3A_335 = vector.broadcast %gt3A_330 : vector<8x1xi1> to vector<8x256xi1>
      %and3A_336 = arith.andi %and3A_335, %gt3A_334 : vector<8x256xi1>
      %add3A_337 = arith.constant 768 : i32
      %add3A_338 = arith.addi %add3A_337, %scan3A_237 : i32
      %gt3A_339 = vector.broadcast %add3A_338 : i32 to vector<8x256xi32>
      %gt3A_340 = arith.cmpi sgt, %add3A_199, %gt3A_339 : vector<8x256xi32>
      %and3A_341 = arith.andi %and3A_336, %gt3A_340 : vector<8x256xi1>
      %get3A_342 = arith.constant 0 : index
      %get3A_343 = arith.constant 768 : index
      %get3A_344 = vector.load %arg19[%get3A_342, %get3A_343] : memref<8x1024xf32, #tpu.memory_space<vmem>>, vector<8x256xf32>
      %convert_element_type3A_345 = arith.extui %and3A_341 : vector<8x256xi1> to vector<8x256xi32>
      %convert_element_type3A_346 = arith.sitofp %convert_element_type3A_345 : vector<8x256xi32> to vector<8x256xf32>
      %sub3A_347 = arith.constant 1.000000e+00 : f32
      %sub3A_348 = vector.broadcast %sub3A_347 : f32 to vector<8x256xf32>
      %sub3A_349 = arith.subf %sub3A_348, %convert_element_type3A_346 : vector<8x256xf32>
      %mul3A_350 = arith.mulf %get3A_344, %sub3A_349 : vector<8x256xf32>
      %swap3A_351 = arith.constant 0 : index
      %swap3A_352 = arith.constant 768 : index
      %swap3A_353 = vector.load %arg19[%swap3A_351, %swap3A_352] : memref<8x1024xf32, #tpu.memory_space<vmem>>, vector<8x256xf32>
      tpu.vector_store %arg19[%swap3A_351, %swap3A_352], %mul3A_350 {strides = array<i32>} : memref<8x1024xf32, #tpu.memory_space<vmem>>, vector<8x256xf32>,
    }
    %scan3A_204 = arith.constant 128 : i32
    %iota3A_205 = tpu.iota {dimensions = array<i32: 1>} : vector<8x128xi32>
    %add3A_206 = arith.constant 896 : i32
    %add3A_207 = vector.broadcast %add3A_206 : i32 to vector<8x128xi32>
    %add3A_208 = arith.addi %iota3A_205, %add3A_207 : vector<8x128xi32>
    %scan3A_209 = arith.constant 0 : i32
    %scan3A_210 = arith.constant 128 : i32
    %scan3A_211 = arith.addi %scan3A_209, %scan3A_210 : i32
    %scan3A_212 = arith.constant 1 : i32
    scf.for %scan3A_237 = %scan3A_209 to %scan3A_211 step %scan3A_212  : i32 {
      %eq3A_238 = vector.broadcast %scan3A_237 : i32 to vector<8x128xi32>
      %eq3A_239 = arith.cmpi eq, %iota3A, %eq3A_238 : vector<8x128xi32>
      %get3A_240 = arith.constant 0 : index
      %get3A_241 = arith.constant 896 : index
      %get3A_242 = vector.load %arg14[%get3A_240, %get3A_241] : memref<8x1024xf32, #tpu.memory_space<vmem>>, vector<8x128xf32>
      %jit3A_243 = arith.constant -3.400000e+38 : f32
      %broadcast_in_dim3A = vector.broadcast %jit3A_243 : f32 to vector<8x128xf32>
      %select_n3A_244 = arith.select %eq3A_239, %get3A_242, %broadcast_in_dim3A : vector<8x128xi1>, vector<8x128xf32>
      %reduce_max3A = arith.constant dense<0xFF800000> : vector<8xf32>
      %reduce_max3A_245 = vector.multi_reduction <maximumf>, %select_n3A_244, %reduce_max3A [1] : vector<8x128xf32> to vector<8xf32>
      %broadcast_in_dim3A_246 = vector.shape_cast %reduce_max3A_245 : vector<8xf32> to vector<8x1xf32>
      %get3A_247 = arith.constant 0 : index
      %get3A_248 = arith.constant 896 : index
      %get3A_249 = vector.load %arg15[%get3A_247, %get3A_248] : memref<8x1024xf32, #tpu.memory_space<vmem>>, vector<8x128xf32>
      %jit3A_250 = arith.constant -3.400000e+38 : f32
      %broadcast_in_dim3A_251 = vector.broadcast %jit3A_250 : f32 to vector<8x128xf32>
      %select_n3A_252 = arith.select %eq3A_239, %get3A_249, %broadcast_in_dim3A_251 : vector<8x128xi1>, vector<8x128xf32>
      %reduce_max3A_253 = arith.constant dense<0xFF800000> : vector<8xf32>
      %reduce_max3A_254 = vector.multi_reduction <maximumf>, %select_n3A_252, %reduce_max3A_253 [1] : vector<8x128xf32> to vector<8xf32>
      %broadcast_in_dim3A_255 = vector.shape_cast %reduce_max3A_254 : vector<8xf32> to vector<8x1xf32>
      %get3A_256 = arith.constant 0 : index
      %get3A_257 = arith.constant 896 : index
      %get3A_258 = vector.load %arg16[%get3A_256, %get3A_257] : memref<8x1024xf32, #tpu.memory_space<vmem>>, vector<8x128xf32>
      %jit3A_259 = arith.constant -3.400000e+38 : f32
      %broadcast_in_dim3A_260 = vector.broadcast %jit3A_259 : f32 to vector<8x128xf32>
      %select_n3A_261 = arith.select %eq3A_239, %get3A_258, %broadcast_in_dim3A_260 : vector<8x128xi1>, vector<8x128xf32>
      %reduce_max3A_262 = arith.constant dense<0xFF800000> : vector<8xf32>
      %reduce_max3A_263 = vector.multi_reduction <maximumf>, %select_n3A_261, %reduce_max3A_262 [1] : vector<8x128xf32> to vector<8xf32>
      %broadcast_in_dim3A_264 = vector.shape_cast %reduce_max3A_263 : vector<8xf32> to vector<8x1xf32>
      %get3A_265 = arith.constant 0 : index
      %get3A_266 = arith.constant 896 : index
      %get3A_267 = vector.load %arg17[%get3A_265, %get3A_266] : memref<8x1024xf32, #tpu.memory_space<vmem>>, vector<8x128xf32>
      %jit3A_268 = arith.constant -3.400000e+38 : f32
      %broadcast_in_dim3A_269 = vector.broadcast %jit3A_268 : f32 to vector<8x128xf32>
      %select_n3A_270 = arith.select %eq3A_239, %get3A_267, %broadcast_in_dim3A_269 : vector<8x128xi1>, vector<8x128xf32>
      %reduce_max3A_271 = arith.constant dense<0xFF800000> : vector<8xf32>
      %reduce_max3A_272 = vector.multi_reduction <maximumf>, %select_n3A_270, %reduce_max3A_271 [1] : vector<8x128xf32> to vector<8xf32>
      %broadcast_in_dim3A_273 = vector.shape_cast %reduce_max3A_272 : vector<8xf32> to vector<8x1xf32>
      %get3A_274 = arith.constant 0 : index
      %get3A_275 = arith.constant 896 : index
      %get3A_276 = vector.load %arg18[%get3A_274, %get3A_275] : memref<8x1024xf32, #tpu.memory_space<vmem>>, vector<8x128xf32>
      %jit3A_277 = arith.constant -3.400000e+38 : f32
      %broadcast_in_dim3A_278 = vector.broadcast %jit3A_277 : f32 to vector<8x128xf32>
      %select_n3A_279 = arith.select %eq3A_239, %get3A_276, %broadcast_in_dim3A_278 : vector<8x128xi1>, vector<8x128xf32>
      %reduce_max3A_280 = arith.constant dense<0xFF800000> : vector<8xf32>
      %reduce_max3A_281 = vector.multi_reduction <maximumf>, %select_n3A_279, %reduce_max3A_280 [1] : vector<8x128xf32> to vector<8xf32>
      %broadcast_in_dim3A_282 = vector.shape_cast %reduce_max3A_281 : vector<8xf32> to vector<8x1xf32>
      %get3A_283 = arith.constant 0 : index
      %get3A_284 = arith.constant 896 : index
      %get3A_285 = vector.load %arg19[%get3A_283, %get3A_284] : memref<8x1024xf32, #tpu.memory_space<vmem>>, vector<8x128xf32>
      %jit3A_286 = arith.constant -3.400000e+38 : f32
      %broadcast_in_dim3A_287 = vector.broadcast %jit3A_286 : f32 to vector<8x128xf32>
      %select_n3A_288 = arith.select %eq3A_239, %get3A_285, %broadcast_in_dim3A_287 : vector<8x128xi1>, vector<8x128xf32>
      %reduce_max3A_289 = arith.constant dense<0xFF800000> : vector<8xf32>
      %reduce_max3A_290 = vector.multi_reduction <maximumf>, %select_n3A_288, %reduce_max3A_289 [1] : vector<8x128xf32> to vector<8xf32>
      %broadcast_in_dim3A_291 = vector.shape_cast %reduce_max3A_290 : vector<8xf32> to vector<8x1xf32>
      %get3A_292 = arith.constant 0 : index
      %get3A_293 = arith.constant 896 : index
      %get3A_294 = vector.load %arg14[%get3A_292, %get3A_293] : memref<8x1024xf32, #tpu.memory_space<vmem>>, vector<8x128xf32>
      %max3A_295 = vector.broadcast %broadcast_in_dim3A_246 : vector<8x1xf32> to vector<8x128xf32>
      %max3A_296 = arith.maximumf %get3A_294, %max3A_295 : vector<8x128xf32>
      %get3A_297 = arith.constant 0 : index
      %get3A_298 = arith.constant 896 : index
      %get3A_299 = vector.load %arg15[%get3A_297, %get3A_298] : memref<8x1024xf32, #tpu.memory_space<vmem>>, vector<8x128xf32>
      %max3A_300 = vector.broadcast %broadcast_in_dim3A_255 : vector<8x1xf32> to vector<8x128xf32>
      %max3A_301 = arith.maximumf %get3A_299, %max3A_300 : vector<8x128xf32>
      %get3A_302 = arith.constant 0 : index
      %get3A_303 = arith.constant 896 : index
      %get3A_304 = vector.load %arg16[%get3A_302, %get3A_303] : memref<8x1024xf32, #tpu.memory_space<vmem>>, vector<8x128xf32>
      %min3A = vector.broadcast %broadcast_in_dim3A_264 : vector<8x1xf32> to vector<8x128xf32>
      %min3A_305 = arith.minimumf %get3A_304, %min3A : vector<8x128xf32>
      %get3A_306 = arith.constant 0 : index
      %get3A_307 = arith.constant 896 : index
      %get3A_308 = vector.load %arg17[%get3A_306, %get3A_307] : memref<8x1024xf32, #tpu.memory_space<vmem>>, vector<8x128xf32>
      %min3A_309 = vector.broadcast %broadcast_in_dim3A_273 : vector<8x1xf32> to vector<8x128xf32>
      %min3A_310 = arith.minimumf %get3A_308, %min3A_309 : vector<8x128xf32>
      %sub3A_311 = arith.subf %min3A_305, %max3A_296 : vector<8x128xf32>
      %jit3A_312 = arith.constant 0.000000e+00 : f32
      %max3A_313 = vector.broadcast %jit3A_312 : f32 to vector<8x128xf32>
      %max3A_314 = arith.maximumf %max3A_313, %sub3A_311 : vector<8x128xf32>
      %sub3A_315 = arith.subf %min3A_310, %max3A_301 : vector<8x128xf32>
      %jit3A_316 = arith.constant 0.000000e+00 : f32
      %max3A_317 = vector.broadcast %jit3A_316 : f32 to vector<8x128xf32>
      %max3A_318 = arith.maximumf %max3A_317, %sub3A_315 : vector<8x128xf32>
      %mul3A_319 = arith.mulf %max3A_314, %max3A_318 : vector<8x128xf32>
      %get3A_320 = arith.constant 0 : index
      %get3A_321 = arith.constant 896 : index
      %get3A_322 = vector.load %arg18[%get3A_320, %get3A_321] : memref<8x1024xf32, #tpu.memory_space<vmem>>, vector<8x128xf32>
      %add3A_323 = vector.broadcast %broadcast_in_dim3A_282 : vector<8x1xf32> to vector<8x128xf32>
      %add3A_324 = arith.addf %get3A_322, %add3A_323 : vector<8x128xf32>
      %sub3A_325 = arith.subf %add3A_324, %mul3A_319 : vector<8x128xf32>
      %max3A_326 = arith.constant 9.99999997E-7 : f32
      %max3A_327 = vector.broadcast %max3A_326 : f32 to vector<8x128xf32>
      %max3A_328 = arith.maximumf %sub3A_325, %max3A_327 : vector<8x128xf32>
      %gt3A = arith.constant 0.000000e+00 : f32
      %gt3A_329 = vector.broadcast %gt3A : f32 to vector<8x1xf32>
      %gt3A_330 = arith.cmpf ogt, %broadcast_in_dim3A_291, %gt3A_329 : vector<8x1xf32>
      %mul3A_331 = arith.constant 4.000000e-01 : f32
      %mul3A_332 = vector.broadcast %mul3A_331 : f32 to vector<8x128xf32>
      %mul3A_333 = arith.mulf %mul3A_332, %max3A_328 : vector<8x128xf32>
      %gt3A_334 = arith.cmpf ogt, %mul3A_319, %mul3A_333 : vector<8x128xf32>
      %and3A_335 = vector.broadcast %gt3A_330 : vector<8x1xi1> to vector<8x128xi1>
      %and3A_336 = arith.andi %and3A_335, %gt3A_334 : vector<8x128xi1>
      %add3A_337 = arith.constant 896 : i32
      %add3A_338 = arith.addi %add3A_337, %scan3A_237 : i32
      %gt3A_339 = vector.broadcast %add3A_338 : i32 to vector<8x128xi32>
      %gt3A_340 = arith.cmpi sgt, %add3A_208, %gt3A_339 : vector<8x128xi32>
      %and3A_341 = arith.andi %and3A_336, %gt3A_340 : vector<8x128xi1>
      %get3A_342 = arith.constant 0 : index
      %get3A_343 = arith.constant 896 : index
      %get3A_344 = vector.load %arg19[%get3A_342, %get3A_343] : memref<8x1024xf32, #tpu.memory_space<vmem>>, vector<8x128xf32>
      %convert_element_type3A_345 = arith.extui %and3A_341 : vector<8x128xi1> to vector<8x128xi32>
      %convert_element_type3A_346 = arith.sitofp %convert_element_type3A_345 : vector<8x128xi32> to vector<8x128xf32>
      %sub3A_347 = arith.constant 1.000000e+00 : f32
      %sub3A_348 = vector.broadcast %sub3A_347 : f32 to vector<8x128xf32>
      %sub3A_349 = arith.subf %sub3A_348, %convert_element_type3A_346 : vector<8x128xf32>
      %mul3A_350 = arith.mulf %get3A_344, %sub3A_349 : vector<8x128xf32>
      %swap3A_351 = arith.constant 0 : index
      %swap3A_352 = arith.constant 896 : index
      %swap3A_353 = vector.load %arg19[%swap3A_351, %swap3A_352] : memref<8x1024xf32, #tpu.memory_space<vmem>>, vector<8x128xf32>
      tpu.vector_store %arg19[%swap3A_351, %swap3A_352], %mul3A_350 {strides = array<i32>} : memref<8x1024xf32, #tpu.memory_space<vmem>>, vector<8x128xf32>,
    }
    %scan3A_213 = arith.constant 128 : i32
    %get3A_214 = arith.constant 0 : index
    %get3A_215 = arith.constant 0 : index
    %get3A_216 = vector.load %arg19[%get3A_214, %get3A_215] : memref<8x1024xf32, #tpu.memory_space<vmem>>, vector<8x1024xf32>
    %mul3A_217 = arith.mulf %add3A_92, %get3A_216 : vector<8x1024xf32>
    %swap3A_218 = arith.constant 0 : index
    %swap3A_219 = arith.constant 0 : index
    %swap3A_220 = vector.load %arg9[%swap3A_218, %swap3A_219] : memref<8x1024xf32, #tpu.memory_space<vmem>>, vector<8x1024xf32>
    tpu.vector_store %arg9[%swap3A_218, %swap3A_219], %mul3A_217 {strides = array<i32>} : memref<8x1024xf32, #tpu.memory_space<vmem>>, vector<8x1024xf32>,
    %mul3A_221 = arith.mulf %add3A_106, %get3A_216 : vector<8x1024xf32>
    %swap3A_222 = arith.constant 0 : index
    %swap3A_223 = arith.constant 0 : index
    %swap3A_224 = vector.load %arg10[%swap3A_222, %swap3A_223] : memref<8x1024xf32, #tpu.memory_space<vmem>>, vector<8x1024xf32>
    tpu.vector_store %arg10[%swap3A_222, %swap3A_223], %mul3A_221 {strides = array<i32>} : memref<8x1024xf32, #tpu.memory_space<vmem>>, vector<8x1024xf32>,
    %mul3A_225 = arith.mulf %add3A_99, %get3A_216 : vector<8x1024xf32>
    %swap3A_226 = arith.constant 0 : index
    %swap3A_227 = arith.constant 0 : index
    %swap3A_228 = vector.load %arg11[%swap3A_226, %swap3A_227] : memref<8x1024xf32, #tpu.memory_space<vmem>>, vector<8x1024xf32>
    tpu.vector_store %arg11[%swap3A_226, %swap3A_227], %mul3A_225 {strides = array<i32>} : memref<8x1024xf32, #tpu.memory_space<vmem>>, vector<8x1024xf32>,
    %mul3A_229 = arith.mulf %add3A_113, %get3A_216 : vector<8x1024xf32>
    %swap3A_230 = arith.constant 0 : index
    %swap3A_231 = arith.constant 0 : index
    %swap3A_232 = vector.load %arg12[%swap3A_230, %swap3A_231] : memref<8x1024xf32, #tpu.memory_space<vmem>>, vector<8x1024xf32>
    tpu.vector_store %arg12[%swap3A_230, %swap3A_231], %mul3A_229 {strides = array<i32>} : memref<8x1024xf32, #tpu.memory_space<vmem>>, vector<8x1024xf32>,
    %mul3A_233 = arith.mulf %get3A_1, %get3A_216 : vector<8x1024xf32>
    %swap3A_234 = arith.constant 0 : index
    %swap3A_235 = arith.constant 0 : index
    %swap3A_236 = vector.load %arg13[%swap3A_234, %swap3A_235] : memref<8x1024xf32, #tpu.memory_space<vmem>>, vector<8x1024xf32>
    tpu.vector_store %arg13[%swap3A_234, %swap3A_235], %mul3A_233 {strides = array<i32>} : memref<8x1024xf32, #tpu.memory_space<vmem>>, vector<8x1024xf32>,
    return
  }
}

</mosaic_0001>

<sc_bundles>
// kernel: gather_offload_async_start.1
scs
__scs_entry_jumppad:
0x0: {  	(pc) =	sbr.rel $0x88, $3  }
0x1: {  	(tag) =	ssettag $0x0;
	lr =	simm.s32 $0x1  }
0x2: {  	[smem:$0x3F9D] =	sst lr;
	_ =	strace $0xD0000000  }
0x3: {  	_ = 	snop  }
0x4: {  	_ = 	snop  }
0x5: {  	_ = 	snop  }
0x6: {  	_ = 	snop  }
0x7: {  	_ = 	snop  }
__scs_overlays_trampoline_lowered:
0x8: {  	[smem:$0x3FAC] =	sst s0  }
0x9: {  	[smem:$0x3FAD] =	sst s1  }
0xa: {  	[smem:$0x3FAE] =	sst s2  }
0xb: {  	[smem:$0x3FAF] =	sst s3  }
0xc: {  	[smem:$0x3FB0] =	sst s4  }
0xd: {  	[smem:$0x3FB1] =	sst s5  }
0xe: {  	[smem:$0x3FB2] =	sst s6  }
0xf: {  	[smem:$0x3FB3] =	sst s7  }
0x10: {  	[smem:$0x3FB4] =	sst s8  }
0x11: {  	[smem:$0x3FB5] =	sst s9;
	s0 =	simm.s32 @!p0 $0x0  }
0x12: {  	s1 =	sld [smem:$0x3F9B];
	s0 =	simm.s32 @p0 $0x1  }
0x13: {  	[smem:$0x3FB6] =	sst s0;
	s0 =	simm.s32 @!p1 $0x0  }
0x14: {  	s2 =	sld [smem:$0x3F9A];
	s0 =	simm.s32 @p1 $0x1  }
0x15: {  	[smem:$0x3FB7] =	sst s0;
	s0 =	simm.s32 @!p2 $0x0  }
0x16: {  	s3 =	sld [smem:$0x3FDB];
	s0 =	simm.s32 @p2 $0x1  }
0x17: {  	s4 =	simm.s32 $0x1BF5;
	[smem:$0x3FB9] =	sst s0  }
0x18: {  	s0 =	sld [smem:$0x3F9C];
	_ =	swait.ge [sflag:s4], $0x0  }
0x19: {  	s7 =	sld [smem:$0x3F9D]  }
0x1a: {  	s8 =	sadd.s32 $0xFFFFE003, lr  }
0x1b: {  	s9 =	sadd.s32 $0xFFFFFEF7, lr;
	s5 =	simm.s32 $0xFFFFFFFF;
	p2 =	slt.u32 s8, $0xFFFFF086  }
0x1c: {  	p1 =	slt.u32 s9, $0xF7A;
	s5 =	simm.s32 @!p2 $0x0  }
0x1d: {  	s5 =	simm.s32 @p1 $0x1;
	p0 =	seq.s32 s7, s2  }
0x1e: {  	s7 =	smul.u32 @!p0 $0xF7A, s2;
	p2 =	seq.s32 @!p0 s5, $0x0  }
0x1f: {  	s9 =	smul.u32 $0xF7A, s1;
	s8 =	simm.s32 @!p0 $0x1BF5;
	p2 =	por !p2, p0  }
0x20: {  	[sflag:s8] =	ssyncset.s32 @!p0 $0xFFFFF086;
	s6 =	sadd.s32 @!p0 s3, s7;
	s7 =	simm.s32 @!p0 $0x108  }
0x21: {  	s3 =	sadd.s32 s3, s9;
	s6 =	sadd.s32 @!p0 $0x88, s6;
	s7 =	simm.s32 @p2 $0x1082  }
0x22: {  	[simem:s7], [sflag:s8] =	dma.local @!p0 [hbm:s6], $0xF7A  }
0x23: {  	s9 =	sor.u32 $0xD0000000, s2;
	s6 =	simm.s32 $0x108;
	_ =	swait.ge @!p0 [sflag:s8], $0x0  }
0x24: {  	s3 =	sadd.s32 $0x88, s3;
	s6 =	simm.s32 @!p1 $0x1082;
	[sflag:s4] =	ssyncset.s32 $0xFFFFF086  }
0x25: {  	[simem:s6], [sflag:s4] =	dma.local [hbm:s3], $0xF7A  }
0x26: {  	[smem:$0x3F9D] =	sst s1;
	(tag) =	ssettag s2;
	_ =	strace s9  }
0x27: {  	s1 =	sld [smem:$0x3FAD]  }
0x28: {  	s2 =	sld [smem:$0x3FAE]  }
0x29: {  	s4 =	sld [smem:$0x3FB0]  }
0x2a: {  	p0 =	seq.s32 s5, $0x0;
	s5 =	sld [smem:$0x3FB1]  }
0x2b: {  	s6 =	sld [smem:$0x3FB2]  }
0x2c: {  	s7 =	sld [smem:$0x3FB3]  }
0x2d: {  	s3 =	simm.s32 $0x108;
	s8 =	sld [smem:$0x3FB4]  }
0x2e: {  	s3 =	simm.s32 @!p0 $0x1082;
	s9 =	sld [smem:$0x3FB5]  }
0x2f: {  	lr =	sadd.s32 s0, s3;
	s0 =	sld [smem:$0x3FAC]  }
0x30: {  	s3 =	sld [smem:$0x3FAF]  }
0x31: {  	[smem:$0x3FB8] =	sst s10  }
0x32: {  	s10 =	sld [smem:$0x3FB6];
	_ =	sdelay $0x3  }
0x33: {  	p0 =	seq.s32 s10, $0x1;
	s10 =	sld [smem:$0x3FB8];
	_ =	sdelay $0x3  }
0x34: {  	[smem:$0x3FB8] =	sst s10  }
0x35: {  	s10 =	sld [smem:$0x3FB7];
	_ =	sdelay $0x3  }
0x36: {  	p1 =	seq.s32 s10, $0x1;
	s10 =	sld [smem:$0x3FB8];
	_ =	sdelay $0x3  }
0x37: {  	[smem:$0x3FB8] =	sst s10  }
0x38: {  	s10 =	sld [smem:$0x3FB9]  }
0x39: {  	_ = 	snop;
	(pc) =	sbr.ind lr, $3  }
0x3a: {  	_ = 	snop  }
0x3b: {  	_ = 	snop  }
0x3c: {  	p2 =	seq.s32 s10, $0x1;
	s10 =	sld [smem:$0x3FB8]  }
0x3d: {  	_ =	shalt  }
0x3e: {  	_ =	shalt  }
0x3f: {  	_ =	shalt  }
0x40: {  	_ =	shalt  }
0x41: {  	_ =	shalt  }
0x42: {  	_ =	shalt  }
0x43: {  	_ =	shalt  }
0x44: {  	_ =	shalt  }
0x45: {  	_ =	shalt  }
0x46: {  	_ =	shalt  }
0x47: {  	_ =	shalt  }
0x48: {  	_ =	shalt  }
0x49: {  	_ =	shalt  }
0x4a: {  	_ =	shalt  }
0x4b: {  	_ =	shalt  }
0x4c: {  	_ =	shalt  }
0x4d: {  	_ =	shalt  }
0x4e: {  	_ =	shalt  }
0x4f: {  	_ =	shalt  }
0x50: {  	_ =	shalt  }
0x51: {  	_ =	shalt  }
0x52: {  	_ =	shalt  }
0x53: {  	_ =	shalt  }
0x54: {  	_ =	shalt  }
0x55: {  	_ =	shalt  }
0x56: {  	_ =	shalt  }
0x57: {  	_ =	shalt  }
0x58: {  	_ =	shalt  }
0x59: {  	_ =	shalt  }
0x5a: {  	_ =	shalt  }
0x5b: {  	_ =	shalt  }
0x5c: {  	_ =	shalt  }
0x5d: {  	_ =	shalt  }
0x5e: {  	_ =	shalt  }
0x5f: {  	_ =	shalt  }
0x60: {  	_ =	shalt  }
0x61: {  	_ =	shalt  }
0x62: {  	_ =	shalt  }
0x63: {  	_ =	shalt  }
0x64: {  	_ =	shalt  }
0x65: {  	_ =	shalt  }
0x66: {  	_ =	shalt  }
0x67: {  	_ =	shalt  }
0x68: {  	_ =	shalt  }
0x69: {  	_ =	shalt  }
0x6a: {  	_ =	shalt  }
0x6b: {  	_ =	shalt  }
0x6c: {  	_ =	shalt  }
0x6d: {  	_ =	shalt  }
0x6e: {  	_ =	shalt  }
0x6f: {  	_ =	shalt  }
0x70: {  	_ =	shalt  }
0x71: {  	_ =	shalt  }
0x72: {  	_ =	shalt  }
0x73: {  	_ =	shalt  }
0x74: {  	_ =	shalt  }
0x75: {  	_ =	shalt  }
0x76: {  	_ =	shalt  }
0x77: {  	_ =	shalt  }
0x78: {  	_ =	shalt  }
0x79: {  	_ =	shalt  }
0x7a: {  	_ =	shalt  }
0x7b: {  	_ =	shalt  }
0x7c: {  	_ =	shalt  }
0x7d: {  	_ =	shalt  }
0x7e: {  	_ =	shalt  }
0x7f: {  	_ =	shalt  }
0x80: {  	_ =	shalt  }
0x81: {  	_ =	shalt  }
0x82: {  	_ =	shalt  }
0x83: {  	_ =	shalt  }
0x84: {  	_ =	shalt  }
0x85: {  	_ =	shalt  }
0x86: {  	_ =	shalt  }
0x87: {  	_ =	shalt  }
.Lfunc_end0:
.L_simem_size_0:
called_computation.1_lowered:
.L_overlay_start_0:
0x88: {  	s2 =	sld [smem:$0x3FD9]  }
0x89: {  	s3 =	sld [smem:$0x3FFE];
	_ =	sdelay $0x1  }
0x8a: {  	s1 =	srdreg.scid  }
0x8b: {  	s0 =	sand.u32 $0x1, s1  }
0x8c: {  	s17 =	sshll.u32 s0, $0xA;
	s2 =	sadd.s32 s3, s2  }
0x8d: {  	s2 =	sadd.s32 s2, s17  }
0x8e: {  	[smem:$0x3FC4] =	sst s2  }
0x8f: {  	_ = 	snop  }
0x90: {  	s18 =	sld [smem:$0x3FD0];
	(tm) =	ssettm $0x1  }
0x91: {  	s19 =	sld [smem:$0x3FFB];
	_ =	sdelay $0x3  }
0x92: {  	_ =	strace s19  }
0x93: {  	s2 =	sld [smem:$0x3FFC];
	_ =	sdelay $0x3  }
0x94: {  	_ =	strace s2  }
0x95: {  	s2 =	sld [smem:$0x3FFD];
	_ =	sdelay $0x3  }
0x96: {  	_ =	strace s2  }
0x97: {  	_ =	strace $0x8FFFFFFF  }
0x98: {  	s20 =	sld [smem:$0x3FDB];
	_ =	sdelay $0x1  }
0x99: {  	s4 =	simm.s32 $_scs_section_size  }
0x9a: {  	s5 =	simm.s32 $_size__tile_overlayer_lowered;
	s6 =	simm.s32 $_tile_overlayer_lowered  }
0x9b: {  	s7 =	simm.s32 $0x1BFF;
	s21 =	sshll.u32 s6, $0x1;
	s4 =	sadd.s32 s4, s20  }
0x9c: {  	s22 =	simm.s32 $0x0;
	s5 =	sshll.u32 s5, $0x1;
	s6 =	sadd.s32 s21, s4  }
0x9d: {  	[timem:s22], [sflag:s7] =	dma.local [hbm:s6], s5  }
0x9e: {  	_ =	swait.ge [sflag:s7], s5  }
0x9f: {  	s5 =	ssub.s32 $0x0, s5;
	[sflag:s7] =	ssyncset.done $0x0  }
0xa0: {  	[sflag:s7] =	ssyncadd.s32 s5;
	_ =	sdelay $0x1  }
0xa1: {  	s23 =	simm.s32 $0x1B8B  }
0xa2: {  	_ =	swait.ge [sflag:s23], $0x1  }
0xa3: {  	[sflag:s23] =	ssyncset.done $0x0  }
0xa4: {  	[sflag:s23] =	ssyncadd.s32 $0xFFFFFFFF  }
0xa5: {  	s5 =	sld [smem:$0x0]  }
0xa6: {  	s6 =	sand.u32 $0xFFFFFFFE, s1  }
0xa7: {  	p0 =	sne.s32 s1, s6  }
0xa8: {  	s6 =	sshll.u32 @p0 s6, $0xE  }
0xa9: {  	s6 =	sadd.s32 @p0 $0x11B8D, s6;
	s7 =	sshll.u32 @p0 s5, $0x11  }
0xaa: {  	s6 =	sor.u32 @p0 s7, s6  }
0xab: {  	[sflag:s6] =	ssyncadd.remote.s32 @p0 $0x1;
	_ =	sdelay $0x1  }
0xac: {  	s6 =	simm.s32 @p0 $0x1B8D  }
0xad: {  	_ =	swait.eq @p0 [sflag:s6], $0x1  }
0xae: {  	[sflag:s6] =	ssyncadd.s32 @p0 $0xFFFFFFFF  }
0xaf: {  	s7 =	sshll.u32 @!p0 s1, $0xE  }
0xb0: {  	s7 =	sor.u32 @!p0 $0x4000, s7;
	s6 =	simm.s32 @!p0 $0x1B8D  }
0xb1: {  	s5 =	sshll.u32 @!p0 s5, $0x11;
	s7 =	sadd.s32 @!p0 $0x11B8D, s7;
	_ =	swait.eq @!p0 [sflag:s6], $0x1  }
0xb2: {  	s5 =	sor.u32 @!p0 s5, s7;
	[sflag:s6] =	ssyncadd.s32 @!p0 $0xFFFFFFFF  }
0xb3: {  	s25 =	simm.s32 $0x1B8E;
	s24 =	sld [smem:$0x3FFE];
	[sflag:s5] =	ssyncadd.remote.s32 @!p0 $0x1  }
0xb4: {  	s26 =	simm.s32 $execute0_lowered;
	[smem:$0x3FD2] =	sst s25  }
0xb5: {  	s6 =	sshll.u32 s26, $0x1;
	_ =	strace $0x8000004C;
	[dreg:$0x1] =	wrdreg $0xFFFFFFFF  }
0xb6: {  	s28 =	simm.s32 $_size_execute0_lowered;
	s4 =	sadd.s32 s4, s6;
	[dreg:$0x0] =	wrdreg $0x0  }
0xb7: {  	s6 =	sshll.u32 s28, $0x1;
	[dreg:$0x2] =	wrdreg s4  }
0xb8: {  	[dreg:$0x3] =	wrdreg s6  }
0xb9: {  	[dreg:$0x4] =	wrdreg $0xC0  }
0xba: {  	_ =	task [dreg:s22], $0x5FFFF  }
0xbb: {  	[dreg:$0x1] =	wrdreg $0xFFFFFFFF  }
0xbc: {  	[dreg:$0x0] =	wrdreg $0x60  }
0xbd: {  	[dreg:$0x2] =	wrdreg s24  }
0xbe: {  	[dreg:$0x3] =	wrdreg s18  }
0xbf: {  	[dreg:$0x4] =	wrdreg $0xA  }
0xc0: {  	_ =	task.clear_ibuf [dreg:s22], $0x5FFFF;
	_ =	strace $0x9000004C  }
0xc1: {  	s29 =	simm.s32 $0xA;
	_ =	strace $0x8000004E  }
0xc2: {  	_ =	swait.ge [sflag:s29], $0x1  }
0xc3: {  	[sflag:s29] =	ssyncadd.s32 $0xFFFFFFFF  }
0xc4: {  	_ =	strace $0x9000004E  }
0xc5: {  	_ =	sfence  }
0xc6: {  	s30 =	sld [smem:$0x0];
	_ =	sdelay $0x2  }
0xc7: {  	s31 =	sshll.u32 s1, $0xD;
	s1 =	sshrl.u32 s1, $0x2  }
0xc8: {  	s4 =	sand.u32 $0x4000, s31;
	s1 =	sadd.s32 s1, s30  }
0xc9: {  	s0 =	sor.u32 s4, s0;
	s1 =	sshll.u32 s1, $0x11  }
0xca: {  	s0 =	sor.u32 s1, s0  }
0xcb: {  	s0 =	sadd.s32 $0x8F2B, s0  }
0xcc: {  	[sflag:s0] =	ssyncadd.remote.s32 $0x1  }
0xcd: {  	_ =	sfence.sel $0xFFFF  }
0xce: {  	[dreg:$0x0] =	wrdreg $0xFFFFFFFF;
	(pc) =	sbr.abs _section_cstart, $3  }
0xcf: {  	[dreg:$0x1] =	wrdreg $0xFFFFFFFF  }
0xd0: {  	_ =	task.clear_ibuf [dreg:s22], $0x2FFFF;
	_ =	strace $0x9FFFFFFF  }
0xd1: {  	(tm) =	ssettm $0x7FFFFFFF  }
tec
execute0_lowered:
.L_overlay_start_1:
0x0: {  	(tag) =	ssettag $0x1  }
0x1: {  	s8 =	rddreg [dreg:$0x0];
	s0 =	stileid.u32  }
0x2: {  	s1 =	srdreg.scid;
	s2 =	rddreg [dreg:$0x1]  }
0x3: {  	s5 =	simm.s32 $0x1;
	s9 =	simm.s32 $0x1;
	s10 =	simm.s32 $0x3  }
0x4: {  	s13 =	simm.s32 $0x0;
	s3 =	sand.u32 $0x1, s1;
	s4 =	sshll.u32 s0, $0x1  }
0x5: {  	s12 =	simm.s32 $0x0;
	s1 =	rddreg [dreg:$0x2];
	s6 =	sor.u32 s4, s3  }
0x6: {  	_ =	strace $0x8000004D;
	s3 =	sadd.s32 $0x2800, s8;
	s4 =	smul.u32 $0xA0, s6  }
0x7: {  	[sflag:s5] =	ssyncpa.u1 $0x0;
	p0 =	slt.u32 s6, $0x13;
	s6 =	simm.s32 $0x1400  }
.Ltmp0:
0x8: {  	s6 =	simm.s32 @!p0 $0x0;
	s7 =	ssub.s32 $0x1F40, s4;
	(pc) =	sbr.rel .LBB2_1-.Ltmp0, $4  }
0x9: {  	s9 =	simm.s32 @!p0 $0x0;
	p0 =	sne.s32 s7, s6;
	s7 =	simm.s32 $0x1  }
0xa: {  	s8 =	sadd.s32 $0x3000, s8;
	s6 =	simm.s32 $0x2;
	s7 =	simm.s32 @!p0 $0x0  }
0xb: {  	s11 =	smov.u32 s4;
	[sflag:s6] =	ssyncpa.u1 $0x0;
	s7 =	sadd.s32 s9, s7  }
0xc: {  	vm0 =	vmmov $0xffff;
	[sflag:s10] =	ssyncpa.u1 $0x0;
	s10 =	simm.s32 $0x0;
	s9 =	sadd.s32 $0x1, s7  }
.LBB2_4:
0xd: {  	v5 =	vld.msk [tilespmem:s18+$0x0 ss:$0x1], $0xffff  }
0xe: {  	v6 =	vand.u32 $0x7, v1;
	v7 =	vshrl.u32 v1, $0x3  }
0xf: {  	v3 =	vor.u32 v4, v3;
	vm1 =	veq.s32 v1, $0x80000000;
	v53 =	vand.u32 $0x3FF, v7  }
0x10: {  	v2 =	vor.u32 v2, v3;
	v54 =	vsel vm1, $0xFFFFFFFF, v6;
	v1 =	vsel vm1, $0xFFFFFFFF, v53  }
0x11: {  	v6 =	vshll.u32 v54, $0x7;
	v3 =	vand.u32 $0xFFFFE000, v54;
	v55 =	vand.u32 $0x7F, v1  }
0x12: {  	v1 =	vshll.u32 v1, $0x3;
	v6 =	vand.u32 $0x380, v6;
	v56 =	vshrl.u32 v5, $0x3  }
0x13: {  	v1 =	vand.u32 $0xFFFFFC00, v1;
	vm1 =	veq.s32 v5, $0x80000000;
	v57 =	vand.u32 $0x3FF, v56  }
0x14: {  	v1 =	vadd.s32 v3, v1;
	v5 =	vand.u32 $0x7, v5;
	v3 =	vsel vm1, $0xFFFFFFFF, v57  }
0x15: {  	v1 =	vor.u32 v6, v1;
	v5 =	vsel vm1, $0xFFFFFFFF, v5;
	v58 =	vshll.u32 v3, $0x3  }
0x16: {  	v59 =	vshll.u32 v5, $0x7;
	v5 =	vand.u32 $0xFFFFE000, v5;
	v6 =	vand.u32 $0xFFFFFC00, v58  }
0x17: {  	v1 =	vor.u32 v55, v1;
	v61 =	vand.u32 $0x380, v59;
	v60 =	vadd.s32 v5, v6  }
0x18: {  	[tilespmem:s16], [sflag:$0x1] =	stream.indirect_vreg.gather [hbm4b:s3+s10], $0x1, v0, vm0, $0x4038;
	v62 =	vand.u32 $0x7F, v3;
	v63 =	vor.u32 v61, v60;
	[tilespmem:$0x280] =	vst v63  }
0x19: {  	(ifvalue) =	ssetifvalue $0x7FFFFFFF;
	v0 =	vor.u32 v62, v63  }
0x1a: {  	[tilespmem:s15], [sflag:$0x1] =	stream.indirect_vreg.gather [hbm4b:s3+s10], $0x1, v2, vm0, $0x4038;
	[tilespmem:$0x280] =	vst v63  }
0x1b: {  	s29 =	sadd.s32 $0x10, s15;
	(ifvalue) =	ssetifvalue $0x7FFFFFFF  }
0x1c: {  	[tilespmem:s29], [sflag:$0x1] =	stream.indirect_vreg.gather [hbm4b:s3+s10], $0x1, v1, vm0, $0x4038;
	[tilespmem:$0x280] =	vst v63  }
0x1d: {  	s15 =	sadd.s32 $0x10, s29;
	(ifvalue) =	ssetifvalue $0x7FFFFFFF  }
0x1e: {  	[tilespmem:s15], [sflag:$0x1] =	stream.indirect_vreg.gather [hbm4b:s3+s10], $0x1, v0, vm0, $0x4038;
	[tilespmem:$0x280] =	vst v63  }
0x1f: {  	_ =	swait.ge [sflag:s5], $0xA0  }
0x20: {  	s30 =	sshrl.u32 s13, $0x3;
	[sflag:s5] =	ssyncset.done $0x0  }
0x21: {  	s31 =	sand.u32 $0x7, s13;
	s15 =	sadd.s32 s2, s30;
	[sflag:s5] =	ssyncadd.s32 $0xFFFFFF60  }
0x22: {  	[hbm4b:s15+s31] =	stream.linear.scatter [tilespmem:s14], [sflag:$0x3], $0xA0, $0x38;
	[tilespmem:$0x280] =	vst v63  }
.LBB2_5:
0x23: {  	s15 =	sadd.s32 $0x1400, s11  }
0x24: {  	p1 =	sgt.s32 s15, $0x1F3F  }
0x25: {  	s15 =	smov.u32 @p1 s4;
	p1 =	sne.s32 s12, s9  }
.Ltmp1:
0x26: {  	p0 =	slt.u32 s12, $0x2;
	(pc) =	sbr.rel @!p1 .LBB2_6-.Ltmp1, $4  }
0x27: {  	s14 =	simm.s32 @!p0 $0x3  }
0x28: {  	_ =	swait.ge @!p0 [sflag:s14], $0xA0  }
0x29: {  	s16 =	sadd.s32 $0x1, s12;
	s13 =	smov.u32 s11;
	[sflag:s14] =	ssyncset.done @!p0 $0x0  }
0x2a: {  	s12 =	smov.u32 s16;
	s11 =	smov.u32 s15;
	[sflag:s14] =	ssyncadd.s32 @!p0 $0xFFFFFF60  }
.LBB2_1:
0x2b: {  	p0 =	sge.u32 s12, s7  }
0x2c: {  	s14 =	sxor.u32 @!p0 $0x1, s12  }
0x2d: {  	s14 =	smul.u32 @!p0 $0x280, s14  }
0x2e: {  	s31 =	sadd.s32 $0xFFFFFFFF, s12;
	s15 =	sshrl.u32 @!p0 s11, $0x3  }
0x2f: {  	s16 =	sand.u32 @!p0 $0x7, s11;
	s15 =	sadd.s32 @!p0 s8, s15;
	s14 =	sshra.s32 @!p0 s14, $0x2  }
0x30: {  	[tilespmem:s14], [sflag:$0x2] =	stream.linear.gather @!p0 [hbm4b:s15+s16], $0xA0, $0x38;
	[tilespmem:$0x280] =	vst v63  }
0x31: {  	p0 =	sge.u32 s31, s7  }
.Ltmp2:
0x32: {  	_ = 	snop;
	(pc) =	sbr.rel @p0 .LBB2_5-.Ltmp2, $1  }
0x33: {  	_ =	sdelay $0x3  }
0x34: {  	s14 =	sand.u32 $0x1, s12  }
0x35: {  	_ =	swait.ge [sflag:s6], $0xA0;
	p0 =	seq.s32 s14, $0x1;
	s14 =	simm.s32 $0xA0  }
0x36: {  	[sflag:s6] =	ssyncset.done $0x0;
	s14 =	simm.s32 @!p0 $0x0  }
0x37: {  	[sflag:s6] =	ssyncadd.s32 $0xFFFFFF60;
	(ifvalue) =	ssetifvalue $0x7FFFFFFF;
	v0 =	vld.msk [tilespmem:s14+$0x0 ss:$0x1], $0xffff;
	_ =	sdelay $0x4  }
0x38: {  	s15 =	sadd.s32 $0x10, s14;
	v2 =	vshrl.u32 v0, $0x3  }
0x39: {  	v1 =	vld.msk [tilespmem:s15+$0x0 ss:$0x1], $0xffff;
	vm1 =	veq.s32 v0, $0x80000000;
	v2 =	vand.u32 $0x3FF, v2  }
0x3a: {  	v0 =	vand.u32 $0x7, v0;
	v2 =	vsel vm1, $0xFFFFFFFF, v2  }
0x3b: {  	v0 =	vsel vm1, $0xFFFFFFFF, v0;
	v3 =	vshll.u32 v2, $0x3  }
0x3c: {  	v4 =	vand.u32 $0xFFFFE000, v0;
	v0 =	vshll.u32 v0, $0x7;
	v3 =	vand.u32 $0xFFFFFC00, v3  }
0x3d: {  	v0 =	vand.u32 $0x380, v0;
	v3 =	vadd.s32 v4, v3  }
0x3e: {  	v2 =	vand.u32 $0x7F, v2;
	v4 =	vshrl.u32 v1, $0x3;
	v0 =	vor.u32 v0, v3  }
0x3f: {  	vm1 =	veq.s32 v1, $0x80000000;
	v4 =	vand.u32 $0x3FF, v4;
	v0 =	vor.u32 v2, v0  }
0x40: {  	s15 =	sadd.s32 $0x10, s15;
	v1 =	vand.u32 $0x7, v1;
	v3 =	vsel vm1, $0xFFFFFFFF, v4  }
0x41: {  	s14 =	sor.u32 $0x140, s14;
	v2 =	vsel vm1, $0xFFFFFFFF, v1;
	v1 =	vld.msk [tilespmem:s15+$0x0 ss:$0x1], $0xffff;
	v4 =	vshll.u32 v3, $0x3  }
0x42: {  	s17 =	simm.s32 $0x30;
	s16 =	smov.u32 s14;
	v5 =	vshll.u32 v2, $0x7;
	v6 =	vand.u32 $0xFFFFE000, v2;
	v4 =	vand.u32 $0xFFFFFC00, v4  }
0x43: {  	s18 =	sadd.s32 $0x10, s15;
	(ifvalue) =	ssetifvalue $0x7FFFFFFF;
	s15 =	sadd.s32 $0x10, s14;
	v2 =	vand.u32 $0x7F, v3;
	v3 =	vadd.s32 v6, v4;
	v4 =	vand.u32 $0x380, v5  }
.LBB2_3:
0x44: {  	[tilespmem:s16], [sflag:$0x1] =	stream.indirect_vreg.gather [hbm4b:s3+s10], $0x1, v0, vm0, $0x4038;
	[tilespmem:$0x280] =	vst v63  }
0x45: {  	s17 =	sadd.s32 $0x10, s17  }
0x46: {  	v5 =	vand.u32 $0x7, v1;
	v6 =	vshrl.u32 v1, $0x3;
	v3 =	vor.u32 v4, v3;
	v0 =	vmovc v1;
	v1 =	vld.msk [tilespmem:s18+$0x0 ss:$0x1], $0xffff;
	p0 =	slt.u32 s17, $0x90  }
.Ltmp3:
0x47: {  	s16 =	smov.u32 s15;
	vm1 =	veq.s32 v0, $0x80000000;
	v4 =	vand.u32 $0x3FF, v6;
	v0 =	vor.u32 v2, v3;
	(pc) =	sbr.rel @p0 .LBB2_3-.Ltmp3, $4  }
0x48: {  	v3 =	vsel vm1, $0xFFFFFFFF, v5;
	v4 =	vsel vm1, $0xFFFFFFFF, v4  }
0x49: {  	v2 =	vand.u32 $0x7F, v4;
	v4 =	vshll.u32 v4, $0x3;
	v5 =	vshll.u32 v3, $0x7  }
0x4a: {  	v3 =	vand.u32 $0xFFFFE000, v3;
	v4 =	vand.u32 $0xFFFFFC00, v4  }
0x4b: {  	s18 =	sadd.s32 $0x10, s18;
	s15 =	sadd.s32 $0x10, s15;
	v3 =	vadd.s32 v3, v4;
	v4 =	vand.u32 $0x380, v5;
	(ifvalue) =	ssetifvalue $0x7FFFFFFF  }
.Ltmp4:
0x4c: {  	_ = 	snop;
	(pc) =	sbr.rel .LBB2_4-.Ltmp4, $1  }
0x4d: {  	_ =	sdelay $0x3  }
.LBB2_6:
0x4e: {  	_ =	sfence.sel $0x180000  }
0x4f: {  	s2 =	simm.s32 $0x2;
	[bflag:$0x0] =	sbarrier.arrive $0xFFFF  }
0x50: {  	s30 =	simm.s32 $0x3;
	[sflag:s2] =	ssyncpa.u1 $0x1  }
0x51: {  	s31 =	simm.s32 $0x1;
	[sflag:s30] =	ssyncpa.u1 $0x1  }
0x52: {  	[sflag:s31] =	ssyncpa.u1 $0x1  }
0x53: {  	p0 =	sne.s32 s0, $0x0;
	_ =	strace $0x9000004D  }
0x54: {  	s0 =	sadd.s32 @!p0 $0x100000, s1;
	[bflag:$0x2] =	sbarrier.arrive $0xFFFF  }
0x55: {  	[sflag:s0] =	ssyncadd.tile.s32 @!p0 $0x1;
	_ =	shalt  }
.Lfunc_end2:
_tile_overlayer_lowered:
.L_overlay_start_2:
0x56: {  	(tag) =	ssettag $0x2  }
0x57: {  	s0 =	rddreg [dreg:$0x0];
	s2 =	stileid.u32  }
0x58: {  	s1 =	rddreg [dreg:$0x1];
	p0 =	sne.s32 s2, $0x0  }
0x59: {  	s3 =	rddreg [dreg:$0x2];
	[bflag:$0x3] =	sbarrier.arrive $0xFFFF;
	s2 =	simm.s32 @!p0 $0x1C01  }
0x5a: {  	[timem:s3], [sflag:s2] =	dma.local @!p0 [hbm:s0], s1  }
0x5b: {  	s0 =	simm.s32 @!p0 $0x1  }
0x5c: {  	_ =	swait.ge @!p0 [sflag:s0], s1  }
0x5d: {  	s1 =	ssub.s32 @!p0 $0x0, s1;
	[sflag:s0] =	ssyncset.done @!p0 $0x0  }
0x5e: {  	[sflag:s0] =	ssyncadd.s32 @!p0 s1  }
0x5f: {  	[bflag:$0x3] =	sbarrier.arrive $0xFFFF  }
0x60: {  	_ =	shalt  }

// kernel: gather_offload_async_start.2
scs
__scs_entry_jumppad:
0x0: {  	(pc) =	sbr.rel $0x88, $3  }
0x1: {  	(tag) =	ssettag $0x0;
	lr =	simm.s32 $0x1  }
0x2: {  	[smem:$0x3F9D] =	sst lr;
	_ =	strace $0xD0000000  }
0x3: {  	_ = 	snop  }
0x4: {  	_ = 	snop  }
0x5: {  	_ = 	snop  }
0x6: {  	_ = 	snop  }
0x7: {  	_ = 	snop  }
__scs_overlays_trampoline_lowered:
0x8: {  	[smem:$0x3FAC] =	sst s0  }
0x9: {  	[smem:$0x3FAD] =	sst s1  }
0xa: {  	[smem:$0x3FAE] =	sst s2  }
0xb: {  	[smem:$0x3FAF] =	sst s3  }
0xc: {  	[smem:$0x3FB0] =	sst s4  }
0xd: {  	[smem:$0x3FB1] =	sst s5  }
0xe: {  	[smem:$0x3FB2] =	sst s6  }
0xf: {  	[smem:$0x3FB3] =	sst s7  }
0x10: {  	[smem:$0x3FB4] =	sst s8  }
0x11: {  	[smem:$0x3FB5] =	sst s9;
	s0 =	simm.s32 @!p0 $0x0  }
0x12: {  	s1 =	sld [smem:$0x3F9B];
	s0 =	simm.s32 @p0 $0x1  }
0x13: {  	[smem:$0x3FB6] =	sst s0;
	s0 =	simm.s32 @!p1 $0x0  }
0x14: {  	s2 =	sld [smem:$0x3F9A];
	s0 =	simm.s32 @p1 $0x1  }
0x15: {  	[smem:$0x3FB7] =	sst s0;
	s0 =	simm.s32 @!p2 $0x0  }
0x16: {  	s3 =	sld [smem:$0x3FDB];
	s0 =	simm.s32 @p2 $0x1  }
0x17: {  	s4 =	simm.s32 $0x1BF5;
	[smem:$0x3FB9] =	sst s0  }
0x18: {  	s0 =	sld [smem:$0x3F9C];
	_ =	swait.ge [sflag:s4], $0x0  }
0x19: {  	s7 =	sld [smem:$0x3F9D]  }
0x1a: {  	s8 =	sadd.s32 $0xFFFFE003, lr  }
0x1b: {  	s9 =	sadd.s32 $0xFFFFFEF7, lr;
	s5 =	simm.s32 $0xFFFFFFFF;
	p2 =	slt.u32 s8, $0xFFFFF086  }
0x1c: {  	p1 =	slt.u32 s9, $0xF7A;
	s5 =	simm.s32 @!p2 $0x0  }
0x1d: {  	s5 =	simm.s32 @p1 $0x1;
	p0 =	seq.s32 s7, s2  }
0x1e: {  	s7 =	smul.u32 @!p0 $0xF7A, s2;
	p2 =	seq.s32 @!p0 s5, $0x0  }
0x1f: {  	s9 =	smul.u32 $0xF7A, s1;
	s8 =	simm.s32 @!p0 $0x1BF5;
	p2 =	por !p2, p0  }
0x20: {  	[sflag:s8] =	ssyncset.s32 @!p0 $0xFFFFF086;
	s6 =	sadd.s32 @!p0 s3, s7;
	s7 =	simm.s32 @!p0 $0x108  }
0x21: {  	s3 =	sadd.s32 s3, s9;
	s6 =	sadd.s32 @!p0 $0x88, s6;
	s7 =	simm.s32 @p2 $0x1082  }
0x22: {  	[simem:s7], [sflag:s8] =	dma.local @!p0 [hbm:s6], $0xF7A  }
0x23: {  	s9 =	sor.u32 $0xD0000000, s2;
	s6 =	simm.s32 $0x108;
	_ =	swait.ge @!p0 [sflag:s8], $0x0  }
0x24: {  	s3 =	sadd.s32 $0x88, s3;
	s6 =	simm.s32 @!p1 $0x1082;
	[sflag:s4] =	ssyncset.s32 $0xFFFFF086  }
0x25: {  	[simem:s6], [sflag:s4] =	dma.local [hbm:s3], $0xF7A  }
0x26: {  	[smem:$0x3F9D] =	sst s1;
	(tag) =	ssettag s2;
	_ =	strace s9  }
0x27: {  	s1 =	sld [smem:$0x3FAD]  }
0x28: {  	s2 =	sld [smem:$0x3FAE]  }
0x29: {  	s4 =	sld [smem:$0x3FB0]  }
0x2a: {  	p0 =	seq.s32 s5, $0x0;
	s5 =	sld [smem:$0x3FB1]  }
0x2b: {  	s6 =	sld [smem:$0x3FB2]  }
0x2c: {  	s7 =	sld [smem:$0x3FB3]  }
0x2d: {  	s3 =	simm.s32 $0x108;
	s8 =	sld [smem:$0x3FB4]  }
0x2e: {  	s3 =	simm.s32 @!p0 $0x1082;
	s9 =	sld [smem:$0x3FB5]  }
0x2f: {  	lr =	sadd.s32 s0, s3;
	s0 =	sld [smem:$0x3FAC]  }
0x30: {  	s3 =	sld [smem:$0x3FAF]  }
0x31: {  	[smem:$0x3FB8] =	sst s10  }
0x32: {  	s10 =	sld [smem:$0x3FB6];
	_ =	sdelay $0x3  }
0x33: {  	p0 =	seq.s32 s10, $0x1;
	s10 =	sld [smem:$0x3FB8];
	_ =	sdelay $0x3  }
0x34: {  	[smem:$0x3FB8] =	sst s10  }
0x35: {  	s10 =	sld [smem:$0x3FB7];
	_ =	sdelay $0x3  }
0x36: {  	p1 =	seq.s32 s10, $0x1;
	s10 =	sld [smem:$0x3FB8];
	_ =	sdelay $0x3  }
0x37: {  	[smem:$0x3FB8] =	sst s10  }
0x38: {  	s10 =	sld [smem:$0x3FB9]  }
0x39: {  	_ = 	snop;
	(pc) =	sbr.ind lr, $3  }
0x3a: {  	_ = 	snop  }
0x3b: {  	_ = 	snop  }
0x3c: {  	p2 =	seq.s32 s10, $0x1;
	s10 =	sld [smem:$0x3FB8]  }
0x3d: {  	_ =	shalt  }
0x3e: {  	_ =	shalt  }
0x3f: {  	_ =	shalt  }
0x40: {  	_ =	shalt  }
0x41: {  	_ =	shalt  }
0x42: {  	_ =	shalt  }
0x43: {  	_ =	shalt  }
0x44: {  	_ =	shalt  }
0x45: {  	_ =	shalt  }
0x46: {  	_ =	shalt  }
0x47: {  	_ =	shalt  }
0x48: {  	_ =	shalt  }
0x49: {  	_ =	shalt  }
0x4a: {  	_ =	shalt  }
0x4b: {  	_ =	shalt  }
0x4c: {  	_ =	shalt  }
0x4d: {  	_ =	shalt  }
0x4e: {  	_ =	shalt  }
0x4f: {  	_ =	shalt  }
0x50: {  	_ =	shalt  }
0x51: {  	_ =	shalt  }
0x52: {  	_ =	shalt  }
0x53: {  	_ =	shalt  }
0x54: {  	_ =	shalt  }
0x55: {  	_ =	shalt  }
0x56: {  	_ =	shalt  }
0x57: {  	_ =	shalt  }
0x58: {  	_ =	shalt  }
0x59: {  	_ =	shalt  }
0x5a: {  	_ =	shalt  }
0x5b: {  	_ =	shalt  }
0x5c: {  	_ =	shalt  }
0x5d: {  	_ =	shalt  }
0x5e: {  	_ =	shalt  }
0x5f: {  	_ =	shalt  }
0x60: {  	_ =	shalt  }
0x61: {  	_ =	shalt  }
0x62: {  	_ =	shalt  }
0x63: {  	_ =	shalt  }
0x64: {  	_ =	shalt  }
0x65: {  	_ =	shalt  }
0x66: {  	_ =	shalt  }
0x67: {  	_ =	shalt  }
0x68: {  	_ =	shalt  }
0x69: {  	_ =	shalt  }
0x6a: {  	_ =	shalt  }
0x6b: {  	_ =	shalt  }
0x6c: {  	_ =	shalt  }
0x6d: {  	_ =	shalt  }
0x6e: {  	_ =	shalt  }
0x6f: {  	_ =	shalt  }
0x70: {  	_ =	shalt  }
0x71: {  	_ =	shalt  }
0x72: {  	_ =	shalt  }
0x73: {  	_ =	shalt  }
0x74: {  	_ =	shalt  }
0x75: {  	_ =	shalt  }
0x76: {  	_ =	shalt  }
0x77: {  	_ =	shalt  }
0x78: {  	_ =	shalt  }
0x79: {  	_ =	shalt  }
0x7a: {  	_ =	shalt  }
0x7b: {  	_ =	shalt  }
0x7c: {  	_ =	shalt  }
0x7d: {  	_ =	shalt  }
0x7e: {  	_ =	shalt  }
0x7f: {  	_ =	shalt  }
0x80: {  	_ =	shalt  }
0x81: {  	_ =	shalt  }
0x82: {  	_ =	shalt  }
0x83: {  	_ =	shalt  }
0x84: {  	_ =	shalt  }
0x85: {  	_ =	shalt  }
0x86: {  	_ =	shalt  }
0x87: {  	_ =	shalt  }
.Lfunc_end0:
.L_simem_size_0:
called_computation.2_lowered:
.L_overlay_start_0:
0x88: {  	s2 =	sld [smem:$0x3FD9]  }
0x89: {  	s3 =	sld [smem:$0x3FFE];
	_ =	sdelay $0x1  }
0x8a: {  	s1 =	srdreg.scid  }
0x8b: {  	s0 =	sand.u32 $0x1, s1  }
0x8c: {  	s16 =	sshll.u32 s0, $0xA;
	s2 =	sadd.s32 s3, s2  }
0x8d: {  	s2 =	sadd.s32 s2, s16  }
0x8e: {  	[smem:$0x3FC4] =	sst s2  }
0x8f: {  	_ = 	snop  }
0x90: {  	(tm) =	ssettm $0x1  }
0x91: {  	s17 =	sld [smem:$0x3FFB];
	_ =	sdelay $0x3  }
0x92: {  	_ =	strace s17  }
0x93: {  	s2 =	sld [smem:$0x3FFC];
	_ =	sdelay $0x3  }
0x94: {  	_ =	strace s2  }
0x95: {  	s2 =	sld [smem:$0x3FFD];
	_ =	sdelay $0x3  }
0x96: {  	_ =	strace s2  }
0x97: {  	_ =	strace $0x8FFFFFFF  }
0x98: {  	s18 =	sld [smem:$0x3FDB];
	_ =	sdelay $0x1  }
0x99: {  	s19 =	simm.s32 $_scs_section_size  }
0x9a: {  	s4 =	simm.s32 $_size__tile_overlayer_lowered;
	s5 =	simm.s32 $_tile_overlayer_lowered  }
0x9b: {  	s22 =	simm.s32 $0x1BFF;
	s21 =	sshll.u32 s5, $0x1;
	s2 =	sadd.s32 s19, s18  }
0x9c: {  	s6 =	simm.s32 $0x0;
	s20 =	sshll.u32 s4, $0x1;
	s4 =	sadd.s32 s21, s2  }
0x9d: {  	[timem:s6], [sflag:s22] =	dma.local [hbm:s4], s20  }
0x9e: {  	_ =	swait.ge [sflag:s22], s20  }
0x9f: {  	s3 =	ssub.s32 $0x0, s20;
	[sflag:s22] =	ssyncset.done $0x0  }
0xa0: {  	[sflag:s22] =	ssyncadd.s32 s3;
	_ =	sdelay $0x1  }
0xa1: {  	s23 =	simm.s32 $0x1B8B  }
0xa2: {  	_ =	swait.ge [sflag:s23], $0x1  }
0xa3: {  	[sflag:s23] =	ssyncset.done $0x0  }
0xa4: {  	s25 =	simm.s32 $0x1B8E;
	s24 =	sld [smem:$0x3FFE];
	[sflag:s23] =	ssyncadd.s32 $0xFFFFFFFF  }
0xa5: {  	s26 =	simm.s32 $execute0_lowered;
	[smem:$0x3FD2] =	sst s25  }
0xa6: {  	s4 =	sshll.u32 s26, $0x1;
	_ =	strace $0x8000004F;
	[dreg:$0x1] =	wrdreg $0xFFFFFFFF  }
0xa7: {  	s28 =	simm.s32 $_size_execute0_lowered;
	s2 =	sadd.s32 s2, s4;
	[dreg:$0x0] =	wrdreg $0x0  }
0xa8: {  	s4 =	sshll.u32 s28, $0x1;
	[dreg:$0x2] =	wrdreg s2  }
0xa9: {  	[dreg:$0x3] =	wrdreg s4  }
0xaa: {  	[dreg:$0x4] =	wrdreg $0xC0  }
0xab: {  	_ =	task [dreg:s6], $0x5FFFF  }
0xac: {  	[dreg:$0x1] =	wrdreg $0xFFFFFFFF  }
0xad: {  	[dreg:$0x0] =	wrdreg $0x60  }
0xae: {  	[dreg:$0x2] =	wrdreg s24  }
0xaf: {  	[dreg:$0x3] =	wrdreg $0x9  }
0xb0: {  	_ =	task.clear_ibuf [dreg:s6], $0x4FFFF;
	_ =	strace $0x9000004F  }
0xb1: {  	s29 =	simm.s32 $0x9;
	_ =	strace $0x80000051  }
0xb2: {  	_ =	swait.ge [sflag:s29], $0x1  }
0xb3: {  	[sflag:s29] =	ssyncadd.s32 $0xFFFFFFFF  }
0xb4: {  	_ =	strace $0x90000051  }
0xb5: {  	_ =	sfence  }
0xb6: {  	s30 =	sld [smem:$0x0];
	_ =	sdelay $0x2  }
0xb7: {  	s31 =	sshll.u32 s1, $0xD;
	s1 =	sshrl.u32 s1, $0x2  }
0xb8: {  	s3 =	sand.u32 $0x4000, s31;
	s1 =	sadd.s32 s1, s30  }
0xb9: {  	s0 =	sor.u32 s3, s0;
	s1 =	sshll.u32 s1, $0x11  }
0xba: {  	s0 =	sor.u32 s1, s0  }
0xbb: {  	s0 =	sadd.s32 $0x8F2B, s0  }
0xbc: {  	[sflag:s0] =	ssyncadd.remote.s32 $0x1  }
0xbd: {  	_ =	sfence.sel $0xFFFF  }
0xbe: {  	[dreg:$0x0] =	wrdreg $0xFFFFFFFF;
	(pc) =	sbr.abs _section_cstart, $3  }
0xbf: {  	[dreg:$0x1] =	wrdreg $0xFFFFFFFF  }
0xc0: {  	_ =	task.clear_ibuf [dreg:s6], $0x2FFFF;
	_ =	strace $0x9FFFFFFF  }
0xc1: {  	(tm) =	ssettm $0x7FFFFFFF  }
tec
execute0_lowered:
.L_overlay_start_1:
0x0: {  	(tag) =	ssettag $0x1  }
0x1: {  	s8 =	rddreg [dreg:$0x0];
	s1 =	stileid.u32  }
0x2: {  	s2 =	srdreg.scid;
	s0 =	rddreg [dreg:$0x1]  }
0x3: {  	_ =	strace $0x80000050;
	s5 =	simm.s32 $0x1;
	s9 =	simm.s32 $0x1  }
0x4: {  	s10 =	simm.s32 $0x3;
	s2 =	sand.u32 $0x1, s2;
	s3 =	sshll.u32 s1, $0x1  }
0x5: {  	s13 =	simm.s32 $0x0;
	s12 =	simm.s32 $0x0;
	s6 =	sor.u32 s3, s2  }
0x6: {  	[sflag:s5] =	ssyncpa.u1 $0x0;
	s2 =	sadd.s32 $0x2400, s8;
	s4 =	smul.u32 $0xA0, s6  }
0x7: {  	s3 =	sadd.s32 $0x3000, s8;
	p0 =	slt.u32 s6, $0x13;
	s6 =	simm.s32 $0x1400  }
.Ltmp0:
0x8: {  	s6 =	simm.s32 @!p0 $0x0;
	s7 =	ssub.s32 $0x1F40, s4;
	(pc) =	sbr.rel .LBB2_1-.Ltmp0, $4  }
0x9: {  	s9 =	simm.s32 @!p0 $0x0;
	p0 =	sne.s32 s7, s6;
	s7 =	simm.s32 $0x1  }
0xa: {  	s8 =	sadd.s32 $0x2800, s8;
	s6 =	simm.s32 $0x2;
	s7 =	simm.s32 @!p0 $0x0  }
0xb: {  	s11 =	smov.u32 s4;
	[sflag:s6] =	ssyncpa.u1 $0x0;
	s7 =	sadd.s32 s9, s7  }
0xc: {  	vm0 =	vmmov $0xffff;
	[sflag:s10] =	ssyncpa.u1 $0x0;
	s10 =	simm.s32 $0x0;
	s9 =	sadd.s32 $0x1, s7  }
.LBB2_4:
0xd: {  	v5 =	vld.msk [tilespmem:s18+$0x0 ss:$0x1], $0xffff  }
0xe: {  	v6 =	vand.u32 $0x7, v1;
	v7 =	vshrl.u32 v1, $0x3  }
0xf: {  	v3 =	vor.u32 v4, v3;
	vm1 =	veq.s32 v1, $0x80000000;
	v53 =	vand.u32 $0x3FF, v7  }
0x10: {  	v2 =	vor.u32 v2, v3;
	v54 =	vsel vm1, $0xFFFFFFFF, v6;
	v1 =	vsel vm1, $0xFFFFFFFF, v53  }
0x11: {  	v6 =	vshll.u32 v54, $0x7;
	v3 =	vand.u32 $0xFFFFE000, v54;
	v55 =	vand.u32 $0x7F, v1  }
0x12: {  	v1 =	vshll.u32 v1, $0x3;
	v6 =	vand.u32 $0x380, v6;
	v56 =	vshrl.u32 v5, $0x3  }
0x13: {  	v1 =	vand.u32 $0xFFFFFC00, v1;
	vm1 =	veq.s32 v5, $0x80000000;
	v57 =	vand.u32 $0x3FF, v56  }
0x14: {  	v1 =	vadd.s32 v3, v1;
	v5 =	vand.u32 $0x7, v5;
	v3 =	vsel vm1, $0xFFFFFFFF, v57  }
0x15: {  	v1 =	vor.u32 v6, v1;
	v5 =	vsel vm1, $0xFFFFFFFF, v5;
	v58 =	vshll.u32 v3, $0x3  }
0x16: {  	v59 =	vshll.u32 v5, $0x7;
	v5 =	vand.u32 $0xFFFFE000, v5;
	v6 =	vand.u32 $0xFFFFFC00, v58  }
0x17: {  	v1 =	vor.u32 v55, v1;
	v61 =	vand.u32 $0x380, v59;
	v60 =	vadd.s32 v5, v6  }
0x18: {  	[tilespmem:s16], [sflag:$0x1] =	stream.indirect_vreg.gather [hbm4b:s2+s10], $0x1, v0, vm0, $0x4038;
	v62 =	vand.u32 $0x7F, v3;
	v63 =	vor.u32 v61, v60;
	[tilespmem:$0x280] =	vst v63  }
0x19: {  	(ifvalue) =	ssetifvalue $0x7FFFFFFF;
	v0 =	vor.u32 v62, v63  }
0x1a: {  	[tilespmem:s15], [sflag:$0x1] =	stream.indirect_vreg.gather [hbm4b:s2+s10], $0x1, v2, vm0, $0x4038;
	[tilespmem:$0x280] =	vst v63  }
0x1b: {  	s29 =	sadd.s32 $0x10, s15;
	(ifvalue) =	ssetifvalue $0x7FFFFFFF  }
0x1c: {  	[tilespmem:s29], [sflag:$0x1] =	stream.indirect_vreg.gather [hbm4b:s2+s10], $0x1, v1, vm0, $0x4038;
	[tilespmem:$0x280] =	vst v63  }
0x1d: {  	s15 =	sadd.s32 $0x10, s29;
	(ifvalue) =	ssetifvalue $0x7FFFFFFF  }
0x1e: {  	[tilespmem:s15], [sflag:$0x1] =	stream.indirect_vreg.gather [hbm4b:s2+s10], $0x1, v0, vm0, $0x4038;
	[tilespmem:$0x280] =	vst v63  }
0x1f: {  	_ =	swait.ge [sflag:s5], $0xA0  }
0x20: {  	s30 =	sshrl.u32 s13, $0x3;
	[sflag:s5] =	ssyncset.done $0x0  }
0x21: {  	s31 =	sand.u32 $0x7, s13;
	s15 =	sadd.s32 s8, s30;
	[sflag:s5] =	ssyncadd.s32 $0xFFFFFF60  }
0x22: {  	[hbm4b:s15+s31] =	stream.linear.scatter [tilespmem:s14], [sflag:$0x3], $0xA0, $0x38;
	[tilespmem:$0x280] =	vst v63  }
.LBB2_5:
0x23: {  	s15 =	sadd.s32 $0x1400, s11  }
0x24: {  	p1 =	sgt.s32 s15, $0x1F3F  }
0x25: {  	s15 =	smov.u32 @p1 s4;
	p1 =	sne.s32 s12, s9  }
.Ltmp1:
0x26: {  	p0 =	slt.u32 s12, $0x2;
	(pc) =	sbr.rel @!p1 .LBB2_6-.Ltmp1, $4  }
0x27: {  	s14 =	simm.s32 @!p0 $0x3  }
0x28: {  	_ =	swait.ge @!p0 [sflag:s14], $0xA0  }
0x29: {  	s16 =	sadd.s32 $0x1, s12;
	s13 =	smov.u32 s11;
	[sflag:s14] =	ssyncset.done @!p0 $0x0  }
0x2a: {  	s12 =	smov.u32 s16;
	s11 =	smov.u32 s15;
	[sflag:s14] =	ssyncadd.s32 @!p0 $0xFFFFFF60  }
.LBB2_1:
0x2b: {  	p0 =	sge.u32 s12, s7  }
0x2c: {  	s14 =	sxor.u32 @!p0 $0x1, s12  }
0x2d: {  	s14 =	smul.u32 @!p0 $0x280, s14  }
0x2e: {  	s31 =	sadd.s32 $0xFFFFFFFF, s12;
	s15 =	sshrl.u32 @!p0 s11, $0x3  }
0x2f: {  	s16 =	sand.u32 @!p0 $0x7, s11;
	s15 =	sadd.s32 @!p0 s3, s15;
	s14 =	sshra.s32 @!p0 s14, $0x2  }
0x30: {  	[tilespmem:s14], [sflag:$0x2] =	stream.linear.gather @!p0 [hbm4b:s15+s16], $0xA0, $0x38;
	[tilespmem:$0x280] =	vst v63  }
0x31: {  	p0 =	sge.u32 s31, s7  }
.Ltmp2:
0x32: {  	_ = 	snop;
	(pc) =	sbr.rel @p0 .LBB2_5-.Ltmp2, $1  }
0x33: {  	_ =	sdelay $0x3  }
0x34: {  	s14 =	sand.u32 $0x1, s12  }
0x35: {  	_ =	swait.ge [sflag:s6], $0xA0;
	p0 =	seq.s32 s14, $0x1;
	s14 =	simm.s32 $0xA0  }
0x36: {  	[sflag:s6] =	ssyncset.done $0x0;
	s14 =	simm.s32 @!p0 $0x0  }
0x37: {  	[sflag:s6] =	ssyncadd.s32 $0xFFFFFF60;
	(ifvalue) =	ssetifvalue $0x7FFFFFFF;
	v0 =	vld.msk [tilespmem:s14+$0x0 ss:$0x1], $0xffff;
	_ =	sdelay $0x4  }
0x38: {  	s15 =	sadd.s32 $0x10, s14;
	v2 =	vshrl.u32 v0, $0x3  }
0x39: {  	v1 =	vld.msk [tilespmem:s15+$0x0 ss:$0x1], $0xffff;
	vm1 =	veq.s32 v0, $0x80000000;
	v2 =	vand.u32 $0x3FF, v2  }
0x3a: {  	v0 =	vand.u32 $0x7, v0;
	v2 =	vsel vm1, $0xFFFFFFFF, v2  }
0x3b: {  	v0 =	vsel vm1, $0xFFFFFFFF, v0;
	v3 =	vshll.u32 v2, $0x3  }
0x3c: {  	v4 =	vand.u32 $0xFFFFE000, v0;
	v0 =	vshll.u32 v0, $0x7;
	v3 =	vand.u32 $0xFFFFFC00, v3  }
0x3d: {  	v0 =	vand.u32 $0x380, v0;
	v3 =	vadd.s32 v4, v3  }
0x3e: {  	v2 =	vand.u32 $0x7F, v2;
	v4 =	vshrl.u32 v1, $0x3;
	v0 =	vor.u32 v0, v3  }
0x3f: {  	vm1 =	veq.s32 v1, $0x80000000;
	v4 =	vand.u32 $0x3FF, v4;
	v0 =	vor.u32 v2, v0  }
0x40: {  	s15 =	sadd.s32 $0x10, s15;
	v1 =	vand.u32 $0x7, v1;
	v3 =	vsel vm1, $0xFFFFFFFF, v4  }
0x41: {  	s14 =	sor.u32 $0x140, s14;
	v2 =	vsel vm1, $0xFFFFFFFF, v1;
	v1 =	vld.msk [tilespmem:s15+$0x0 ss:$0x1], $0xffff;
	v4 =	vshll.u32 v3, $0x3  }
0x42: {  	s17 =	simm.s32 $0x30;
	s16 =	smov.u32 s14;
	v5 =	vshll.u32 v2, $0x7;
	v6 =	vand.u32 $0xFFFFE000, v2;
	v4 =	vand.u32 $0xFFFFFC00, v4  }
0x43: {  	s18 =	sadd.s32 $0x10, s15;
	(ifvalue) =	ssetifvalue $0x7FFFFFFF;
	s15 =	sadd.s32 $0x10, s14;
	v2 =	vand.u32 $0x7F, v3;
	v3 =	vadd.s32 v6, v4;
	v4 =	vand.u32 $0x380, v5  }
.LBB2_3:
0x44: {  	[tilespmem:s16], [sflag:$0x1] =	stream.indirect_vreg.gather [hbm4b:s2+s10], $0x1, v0, vm0, $0x4038;
	[tilespmem:$0x280] =	vst v63  }
0x45: {  	s17 =	sadd.s32 $0x10, s17  }
0x46: {  	v5 =	vand.u32 $0x7, v1;
	v6 =	vshrl.u32 v1, $0x3;
	v3 =	vor.u32 v4, v3;
	v0 =	vmovc v1;
	v1 =	vld.msk [tilespmem:s18+$0x0 ss:$0x1], $0xffff;
	p0 =	slt.u32 s17, $0x90  }
.Ltmp3:
0x47: {  	s16 =	smov.u32 s15;
	vm1 =	veq.s32 v0, $0x80000000;
	v4 =	vand.u32 $0x3FF, v6;
	v0 =	vor.u32 v2, v3;
	(pc) =	sbr.rel @p0 .LBB2_3-.Ltmp3, $4  }
0x48: {  	v3 =	vsel vm1, $0xFFFFFFFF, v5;
	v4 =	vsel vm1, $0xFFFFFFFF, v4  }
0x49: {  	v2 =	vand.u32 $0x7F, v4;
	v4 =	vshll.u32 v4, $0x3;
	v5 =	vshll.u32 v3, $0x7  }
0x4a: {  	v3 =	vand.u32 $0xFFFFE000, v3;
	v4 =	vand.u32 $0xFFFFFC00, v4  }
0x4b: {  	s18 =	sadd.s32 $0x10, s18;
	s15 =	sadd.s32 $0x10, s15;
	v3 =	vadd.s32 v3, v4;
	v4 =	vand.u32 $0x380, v5;
	(ifvalue) =	ssetifvalue $0x7FFFFFFF  }
.Ltmp4:
0x4c: {  	_ = 	snop;
	(pc) =	sbr.rel .LBB2_4-.Ltmp4, $1  }
0x4d: {  	_ =	sdelay $0x3  }
.LBB2_6:
0x4e: {  	_ =	sfence.sel $0x180000  }
0x4f: {  	s2 =	simm.s32 $0x2;
	[bflag:$0x0] =	sbarrier.arrive $0xFFFF  }
0x50: {  	s30 =	simm.s32 $0x3;
	[sflag:s2] =	ssyncpa.u1 $0x1  }
0x51: {  	s31 =	simm.s32 $0x1;
	[sflag:s30] =	ssyncpa.u1 $0x1  }
0x52: {  	[sflag:s31] =	ssyncpa.u1 $0x1  }
0x53: {  	p0 =	sne.s32 s1, $0x0;
	_ =	strace $0x90000050  }
0x54: {  	s0 =	sadd.s32 @!p0 $0x100000, s0;
	[bflag:$0x2] =	sbarrier.arrive $0xFFFF  }
0x55: {  	[sflag:s0] =	ssyncadd.tile.s32 @!p0 $0x1;
	_ =	shalt  }
.Lfunc_end2:
_tile_overlayer_lowered:
.L_overlay_start_2:
0x56: {  	(tag) =	ssettag $0x2  }
0x57: {  	s0 =	rddreg [dreg:$0x0];
	s2 =	stileid.u32  }
0x58: {  	s1 =	rddreg [dreg:$0x1];
	p0 =	sne.s32 s2, $0x0  }
0x59: {  	s3 =	rddreg [dreg:$0x2];
	[bflag:$0x3] =	sbarrier.arrive $0xFFFF;
	s2 =	simm.s32 @!p0 $0x1C01  }
0x5a: {  	[timem:s3], [sflag:s2] =	dma.local @!p0 [hbm:s0], s1  }
0x5b: {  	s0 =	simm.s32 @!p0 $0x1  }
0x5c: {  	_ =	swait.ge @!p0 [sflag:s0], s1  }
0x5d: {  	s1 =	ssub.s32 @!p0 $0x0, s1;
	[sflag:s0] =	ssyncset.done @!p0 $0x0  }
0x5e: {  	[sflag:s0] =	ssyncadd.s32 @!p0 s1  }
0x5f: {  	[bflag:$0x3] =	sbarrier.arrive $0xFFFF  }
0x60: {  	_ =	shalt  }

// kernel: gather_offload_async_start.3
scs
__scs_entry_jumppad:
0x0: {  	(pc) =	sbr.rel $0x88, $3  }
0x1: {  	(tag) =	ssettag $0x0;
	lr =	simm.s32 $0x1  }
0x2: {  	[smem:$0x3F9D] =	sst lr;
	_ =	strace $0xD0000000  }
0x3: {  	_ = 	snop  }
0x4: {  	_ = 	snop  }
0x5: {  	_ = 	snop  }
0x6: {  	_ = 	snop  }
0x7: {  	_ = 	snop  }
__scs_overlays_trampoline_lowered:
0x8: {  	[smem:$0x3FAC] =	sst s0  }
0x9: {  	[smem:$0x3FAD] =	sst s1  }
0xa: {  	[smem:$0x3FAE] =	sst s2  }
0xb: {  	[smem:$0x3FAF] =	sst s3  }
0xc: {  	[smem:$0x3FB0] =	sst s4  }
0xd: {  	[smem:$0x3FB1] =	sst s5  }
0xe: {  	[smem:$0x3FB2] =	sst s6  }
0xf: {  	[smem:$0x3FB3] =	sst s7  }
0x10: {  	[smem:$0x3FB4] =	sst s8  }
0x11: {  	[smem:$0x3FB5] =	sst s9;
	s0 =	simm.s32 @!p0 $0x0  }
0x12: {  	s1 =	sld [smem:$0x3F9B];
	s0 =	simm.s32 @p0 $0x1  }
0x13: {  	[smem:$0x3FB6] =	sst s0;
	s0 =	simm.s32 @!p1 $0x0  }
0x14: {  	s2 =	sld [smem:$0x3F9A];
	s0 =	simm.s32 @p1 $0x1  }
0x15: {  	[smem:$0x3FB7] =	sst s0;
	s0 =	simm.s32 @!p2 $0x0  }
0x16: {  	s3 =	sld [smem:$0x3FDB];
	s0 =	simm.s32 @p2 $0x1  }
0x17: {  	s4 =	simm.s32 $0x1BF5;
	[smem:$0x3FB9] =	sst s0  }
0x18: {  	s0 =	sld [smem:$0x3F9C];
	_ =	swait.ge [sflag:s4], $0x0  }
0x19: {  	s7 =	sld [smem:$0x3F9D]  }
0x1a: {  	s8 =	sadd.s32 $0xFFFFE003, lr  }
0x1b: {  	s9 =	sadd.s32 $0xFFFFFEF7, lr;
	s5 =	simm.s32 $0xFFFFFFFF;
	p2 =	slt.u32 s8, $0xFFFFF086  }
0x1c: {  	p1 =	slt.u32 s9, $0xF7A;
	s5 =	simm.s32 @!p2 $0x0  }
0x1d: {  	s5 =	simm.s32 @p1 $0x1;
	p0 =	seq.s32 s7, s2  }
0x1e: {  	s7 =	smul.u32 @!p0 $0xF7A, s2;
	p2 =	seq.s32 @!p0 s5, $0x0  }
0x1f: {  	s9 =	smul.u32 $0xF7A, s1;
	s8 =	simm.s32 @!p0 $0x1BF5;
	p2 =	por !p2, p0  }
0x20: {  	[sflag:s8] =	ssyncset.s32 @!p0 $0xFFFFF086;
	s6 =	sadd.s32 @!p0 s3, s7;
	s7 =	simm.s32 @!p0 $0x108  }
0x21: {  	s3 =	sadd.s32 s3, s9;
	s6 =	sadd.s32 @!p0 $0x88, s6;
	s7 =	simm.s32 @p2 $0x1082  }
0x22: {  	[simem:s7], [sflag:s8] =	dma.local @!p0 [hbm:s6], $0xF7A  }
0x23: {  	s9 =	sor.u32 $0xD0000000, s2;
	s6 =	simm.s32 $0x108;
	_ =	swait.ge @!p0 [sflag:s8], $0x0  }
0x24: {  	s3 =	sadd.s32 $0x88, s3;
	s6 =	simm.s32 @!p1 $0x1082;
	[sflag:s4] =	ssyncset.s32 $0xFFFFF086  }
0x25: {  	[simem:s6], [sflag:s4] =	dma.local [hbm:s3], $0xF7A  }
0x26: {  	[smem:$0x3F9D] =	sst s1;
	(tag) =	ssettag s2;
	_ =	strace s9  }
0x27: {  	s1 =	sld [smem:$0x3FAD]  }
0x28: {  	s2 =	sld [smem:$0x3FAE]  }
0x29: {  	s4 =	sld [smem:$0x3FB0]  }
0x2a: {  	p0 =	seq.s32 s5, $0x0;
	s5 =	sld [smem:$0x3FB1]  }
0x2b: {  	s6 =	sld [smem:$0x3FB2]  }
0x2c: {  	s7 =	sld [smem:$0x3FB3]  }
0x2d: {  	s3 =	simm.s32 $0x108;
	s8 =	sld [smem:$0x3FB4]  }
0x2e: {  	s3 =	simm.s32 @!p0 $0x1082;
	s9 =	sld [smem:$0x3FB5]  }
0x2f: {  	lr =	sadd.s32 s0, s3;
	s0 =	sld [smem:$0x3FAC]  }
0x30: {  	s3 =	sld [smem:$0x3FAF]  }
0x31: {  	[smem:$0x3FB8] =	sst s10  }
0x32: {  	s10 =	sld [smem:$0x3FB6];
	_ =	sdelay $0x3  }
0x33: {  	p0 =	seq.s32 s10, $0x1;
	s10 =	sld [smem:$0x3FB8];
	_ =	sdelay $0x3  }
0x34: {  	[smem:$0x3FB8] =	sst s10  }
0x35: {  	s10 =	sld [smem:$0x3FB7];
	_ =	sdelay $0x3  }
0x36: {  	p1 =	seq.s32 s10, $0x1;
	s10 =	sld [smem:$0x3FB8];
	_ =	sdelay $0x3  }
0x37: {  	[smem:$0x3FB8] =	sst s10  }
0x38: {  	s10 =	sld [smem:$0x3FB9]  }
0x39: {  	_ = 	snop;
	(pc) =	sbr.ind lr, $3  }
0x3a: {  	_ = 	snop  }
0x3b: {  	_ = 	snop  }
0x3c: {  	p2 =	seq.s32 s10, $0x1;
	s10 =	sld [smem:$0x3FB8]  }
0x3d: {  	_ =	shalt  }
0x3e: {  	_ =	shalt  }
0x3f: {  	_ =	shalt  }
0x40: {  	_ =	shalt  }
0x41: {  	_ =	shalt  }
0x42: {  	_ =	shalt  }
0x43: {  	_ =	shalt  }
0x44: {  	_ =	shalt  }
0x45: {  	_ =	shalt  }
0x46: {  	_ =	shalt  }
0x47: {  	_ =	shalt  }
0x48: {  	_ =	shalt  }
0x49: {  	_ =	shalt  }
0x4a: {  	_ =	shalt  }
0x4b: {  	_ =	shalt  }
0x4c: {  	_ =	shalt  }
0x4d: {  	_ =	shalt  }
0x4e: {  	_ =	shalt  }
0x4f: {  	_ =	shalt  }
0x50: {  	_ =	shalt  }
0x51: {  	_ =	shalt  }
0x52: {  	_ =	shalt  }
0x53: {  	_ =	shalt  }
0x54: {  	_ =	shalt  }
0x55: {  	_ =	shalt  }
0x56: {  	_ =	shalt  }
0x57: {  	_ =	shalt  }
0x58: {  	_ =	shalt  }
0x59: {  	_ =	shalt  }
0x5a: {  	_ =	shalt  }
0x5b: {  	_ =	shalt  }
0x5c: {  	_ =	shalt  }
0x5d: {  	_ =	shalt  }
0x5e: {  	_ =	shalt  }
0x5f: {  	_ =	shalt  }
0x60: {  	_ =	shalt  }
0x61: {  	_ =	shalt  }
0x62: {  	_ =	shalt  }
0x63: {  	_ =	shalt  }
0x64: {  	_ =	shalt  }
0x65: {  	_ =	shalt  }
0x66: {  	_ =	shalt  }
0x67: {  	_ =	shalt  }
0x68: {  	_ =	shalt  }
0x69: {  	_ =	shalt  }
0x6a: {  	_ =	shalt  }
0x6b: {  	_ =	shalt  }
0x6c: {  	_ =	shalt  }
0x6d: {  	_ =	shalt  }
0x6e: {  	_ =	shalt  }
0x6f: {  	_ =	shalt  }
0x70: {  	_ =	shalt  }
0x71: {  	_ =	shalt  }
0x72: {  	_ =	shalt  }
0x73: {  	_ =	shalt  }
0x74: {  	_ =	shalt  }
0x75: {  	_ =	shalt  }
0x76: {  	_ =	shalt  }
0x77: {  	_ =	shalt  }
0x78: {  	_ =	shalt  }
0x79: {  	_ =	shalt  }
0x7a: {  	_ =	shalt  }
0x7b: {  	_ =	shalt  }
0x7c: {  	_ =	shalt  }
0x7d: {  	_ =	shalt  }
0x7e: {  	_ =	shalt  }
0x7f: {  	_ =	shalt  }
0x80: {  	_ =	shalt  }
0x81: {  	_ =	shalt  }
0x82: {  	_ =	shalt  }
0x83: {  	_ =	shalt  }
0x84: {  	_ =	shalt  }
0x85: {  	_ =	shalt  }
0x86: {  	_ =	shalt  }
0x87: {  	_ =	shalt  }
.Lfunc_end0:
.L_simem_size_0:
called_computation.3_lowered:
.L_overlay_start_0:
0x88: {  	s2 =	sld [smem:$0x3FD9]  }
0x89: {  	s3 =	sld [smem:$0x3FFE];
	_ =	sdelay $0x1  }
0x8a: {  	s1 =	srdreg.scid  }
0x8b: {  	s0 =	sand.u32 $0x1, s1  }
0x8c: {  	s17 =	sshll.u32 s0, $0xA;
	s2 =	sadd.s32 s3, s2  }
0x8d: {  	s2 =	sadd.s32 s2, s17  }
0x8e: {  	[smem:$0x3FC4] =	sst s2  }
0x8f: {  	_ = 	snop  }
0x90: {  	s18 =	sld [smem:$0x3FD0];
	(tm) =	ssettm $0x1  }
0x91: {  	s19 =	sld [smem:$0x3FFB];
	_ =	sdelay $0x3  }
0x92: {  	_ =	strace s19  }
0x93: {  	s2 =	sld [smem:$0x3FFC];
	_ =	sdelay $0x3  }
0x94: {  	_ =	strace s2  }
0x95: {  	s2 =	sld [smem:$0x3FFD];
	_ =	sdelay $0x3  }
0x96: {  	_ =	strace s2  }
0x97: {  	_ =	strace $0x8FFFFFFF  }
0x98: {  	s20 =	sld [smem:$0x3FDB];
	_ =	sdelay $0x1  }
0x99: {  	s4 =	simm.s32 $_scs_section_size  }
0x9a: {  	s5 =	simm.s32 $_size__tile_overlayer_lowered;
	s6 =	simm.s32 $_tile_overlayer_lowered  }
0x9b: {  	s7 =	simm.s32 $0x1BFF;
	s21 =	sshll.u32 s6, $0x1;
	s4 =	sadd.s32 s4, s20  }
0x9c: {  	s22 =	simm.s32 $0x0;
	s5 =	sshll.u32 s5, $0x1;
	s6 =	sadd.s32 s21, s4  }
0x9d: {  	[timem:s22], [sflag:s7] =	dma.local [hbm:s6], s5  }
0x9e: {  	_ =	swait.ge [sflag:s7], s5  }
0x9f: {  	s5 =	ssub.s32 $0x0, s5;
	[sflag:s7] =	ssyncset.done $0x0  }
0xa0: {  	[sflag:s7] =	ssyncadd.s32 s5;
	_ =	sdelay $0x1  }
0xa1: {  	s23 =	simm.s32 $0x1B8B  }
0xa2: {  	_ =	swait.ge [sflag:s23], $0x1  }
0xa3: {  	[sflag:s23] =	ssyncset.done $0x0  }
0xa4: {  	[sflag:s23] =	ssyncadd.s32 $0xFFFFFFFF  }
0xa5: {  	s5 =	sld [smem:$0x0]  }
0xa6: {  	s6 =	sand.u32 $0xFFFFFFFE, s1  }
0xa7: {  	p0 =	sne.s32 s1, s6  }
0xa8: {  	s6 =	sshll.u32 @p0 s6, $0xE  }
0xa9: {  	s6 =	sadd.s32 @p0 $0x11B8D, s6;
	s7 =	sshll.u32 @p0 s5, $0x11  }
0xaa: {  	s6 =	sor.u32 @p0 s7, s6  }
0xab: {  	[sflag:s6] =	ssyncadd.remote.s32 @p0 $0x1;
	_ =	sdelay $0x1  }
0xac: {  	s6 =	simm.s32 @p0 $0x1B8D  }
0xad: {  	_ =	swait.eq @p0 [sflag:s6], $0x1  }
0xae: {  	[sflag:s6] =	ssyncadd.s32 @p0 $0xFFFFFFFF  }
0xaf: {  	s7 =	sshll.u32 @!p0 s1, $0xE  }
0xb0: {  	s7 =	sor.u32 @!p0 $0x4000, s7;
	s6 =	simm.s32 @!p0 $0x1B8D  }
0xb1: {  	s5 =	sshll.u32 @!p0 s5, $0x11;
	s7 =	sadd.s32 @!p0 $0x11B8D, s7;
	_ =	swait.eq @!p0 [sflag:s6], $0x1  }
0xb2: {  	s5 =	sor.u32 @!p0 s5, s7;
	[sflag:s6] =	ssyncadd.s32 @!p0 $0xFFFFFFFF  }
0xb3: {  	s25 =	simm.s32 $0x1B8E;
	s24 =	sld [smem:$0x3FFE];
	[sflag:s5] =	ssyncadd.remote.s32 @!p0 $0x1  }
0xb4: {  	s26 =	simm.s32 $execute0_lowered;
	[smem:$0x3FD2] =	sst s25  }
0xb5: {  	s6 =	sshll.u32 s26, $0x1;
	_ =	strace $0x80000052;
	[dreg:$0x1] =	wrdreg $0xFFFFFFFF  }
0xb6: {  	s28 =	simm.s32 $_size_execute0_lowered;
	s4 =	sadd.s32 s4, s6;
	[dreg:$0x0] =	wrdreg $0x0  }
0xb7: {  	s6 =	sshll.u32 s28, $0x1;
	[dreg:$0x2] =	wrdreg s4  }
0xb8: {  	[dreg:$0x3] =	wrdreg s6  }
0xb9: {  	[dreg:$0x4] =	wrdreg $0xC0  }
0xba: {  	_ =	task [dreg:s22], $0x5FFFF  }
0xbb: {  	[dreg:$0x1] =	wrdreg $0xFFFFFFFF  }
0xbc: {  	[dreg:$0x0] =	wrdreg $0x60  }
0xbd: {  	[dreg:$0x2] =	wrdreg s24  }
0xbe: {  	[dreg:$0x3] =	wrdreg s18  }
0xbf: {  	[dreg:$0x4] =	wrdreg $0xA  }
0xc0: {  	_ =	task.clear_ibuf [dreg:s22], $0x5FFFF;
	_ =	strace $0x90000052  }
0xc1: {  	s29 =	simm.s32 $0xA;
	_ =	strace $0x80000054  }
0xc2: {  	_ =	swait.ge [sflag:s29], $0x1  }
0xc3: {  	[sflag:s29] =	ssyncadd.s32 $0xFFFFFFFF  }
0xc4: {  	_ =	strace $0x90000054  }
0xc5: {  	_ =	sfence  }
0xc6: {  	s30 =	sld [smem:$0x0];
	_ =	sdelay $0x2  }
0xc7: {  	s31 =	sshll.u32 s1, $0xD;
	s1 =	sshrl.u32 s1, $0x2  }
0xc8: {  	s4 =	sand.u32 $0x4000, s31;
	s1 =	sadd.s32 s1, s30  }
0xc9: {  	s0 =	sor.u32 s4, s0;
	s1 =	sshll.u32 s1, $0x11  }
0xca: {  	s0 =	sor.u32 s1, s0  }
0xcb: {  	s0 =	sadd.s32 $0x8F2B, s0  }
0xcc: {  	[sflag:s0] =	ssyncadd.remote.s32 $0x1  }
0xcd: {  	_ =	sfence.sel $0xFFFF  }
0xce: {  	[dreg:$0x0] =	wrdreg $0xFFFFFFFF;
	(pc) =	sbr.abs _section_cstart, $3  }
0xcf: {  	[dreg:$0x1] =	wrdreg $0xFFFFFFFF  }
0xd0: {  	_ =	task.clear_ibuf [dreg:s22], $0x2FFFF;
	_ =	strace $0x9FFFFFFF  }
0xd1: {  	(tm) =	ssettm $0x7FFFFFFF  }
tec
execute0_lowered:
.L_overlay_start_1:
0x0: {  	(tag) =	ssettag $0x1  }
0x1: {  	s8 =	rddreg [dreg:$0x0];
	s0 =	stileid.u32  }
0x2: {  	s1 =	srdreg.scid;
	s2 =	rddreg [dreg:$0x1]  }
0x3: {  	s5 =	simm.s32 $0x1;
	s9 =	simm.s32 $0x1;
	s10 =	simm.s32 $0x3  }
0x4: {  	s13 =	simm.s32 $0x0;
	s3 =	sand.u32 $0x1, s1;
	s4 =	sshll.u32 s0, $0x1  }
0x5: {  	s12 =	simm.s32 $0x0;
	s1 =	rddreg [dreg:$0x2];
	s6 =	sor.u32 s4, s3  }
0x6: {  	_ =	strace $0x80000053;
	s3 =	sadd.s32 $0x2000, s8;
	s4 =	smul.u32 $0xA0, s6  }
0x7: {  	[sflag:s5] =	ssyncpa.u1 $0x0;
	p0 =	slt.u32 s6, $0x13;
	s6 =	simm.s32 $0x1400  }
.Ltmp0:
0x8: {  	s6 =	simm.s32 @!p0 $0x0;
	s7 =	ssub.s32 $0x1F40, s4;
	(pc) =	sbr.rel .LBB2_1-.Ltmp0, $4  }
0x9: {  	s9 =	simm.s32 @!p0 $0x0;
	p0 =	sne.s32 s7, s6;
	s7 =	simm.s32 $0x1  }
0xa: {  	s8 =	sadd.s32 $0x3000, s8;
	s6 =	simm.s32 $0x2;
	s7 =	simm.s32 @!p0 $0x0  }
0xb: {  	s11 =	smov.u32 s4;
	[sflag:s6] =	ssyncpa.u1 $0x0;
	s7 =	sadd.s32 s9, s7  }
0xc: {  	vm0 =	vmmov $0xffff;
	[sflag:s10] =	ssyncpa.u1 $0x0;
	s10 =	simm.s32 $0x0;
	s9 =	sadd.s32 $0x1, s7  }
.LBB2_4:
0xd: {  	v5 =	vld.msk [tilespmem:s18+$0x0 ss:$0x1], $0xffff  }
0xe: {  	v6 =	vand.u32 $0x7, v1;
	v7 =	vshrl.u32 v1, $0x3  }
0xf: {  	v3 =	vor.u32 v4, v3;
	vm1 =	veq.s32 v1, $0x80000000;
	v53 =	vand.u32 $0x3FF, v7  }
0x10: {  	v2 =	vor.u32 v2, v3;
	v54 =	vsel vm1, $0xFFFFFFFF, v6;
	v1 =	vsel vm1, $0xFFFFFFFF, v53  }
0x11: {  	v6 =	vshll.u32 v54, $0x7;
	v3 =	vand.u32 $0xFFFFE000, v54;
	v55 =	vand.u32 $0x7F, v1  }
0x12: {  	v1 =	vshll.u32 v1, $0x3;
	v6 =	vand.u32 $0x380, v6;
	v56 =	vshrl.u32 v5, $0x3  }
0x13: {  	v1 =	vand.u32 $0xFFFFFC00, v1;
	vm1 =	veq.s32 v5, $0x80000000;
	v57 =	vand.u32 $0x3FF, v56  }
0x14: {  	v1 =	vadd.s32 v3, v1;
	v5 =	vand.u32 $0x7, v5;
	v3 =	vsel vm1, $0xFFFFFFFF, v57  }
0x15: {  	v1 =	vor.u32 v6, v1;
	v5 =	vsel vm1, $0xFFFFFFFF, v5;
	v58 =	vshll.u32 v3, $0x3  }
0x16: {  	v59 =	vshll.u32 v5, $0x7;
	v5 =	vand.u32 $0xFFFFE000, v5;
	v6 =	vand.u32 $0xFFFFFC00, v58  }
0x17: {  	v1 =	vor.u32 v55, v1;
	v61 =	vand.u32 $0x380, v59;
	v60 =	vadd.s32 v5, v6  }
0x18: {  	[tilespmem:s16], [sflag:$0x1] =	stream.indirect_vreg.gather [hbm4b:s3+s10], $0x1, v0, vm0, $0x4038;
	v62 =	vand.u32 $0x7F, v3;
	v63 =	vor.u32 v61, v60;
	[tilespmem:$0x280] =	vst v63  }
0x19: {  	(ifvalue) =	ssetifvalue $0x7FFFFFFF;
	v0 =	vor.u32 v62, v63  }
0x1a: {  	[tilespmem:s15], [sflag:$0x1] =	stream.indirect_vreg.gather [hbm4b:s3+s10], $0x1, v2, vm0, $0x4038;
	[tilespmem:$0x280] =	vst v63  }
0x1b: {  	s29 =	sadd.s32 $0x10, s15;
	(ifvalue) =	ssetifvalue $0x7FFFFFFF  }
0x1c: {  	[tilespmem:s29], [sflag:$0x1] =	stream.indirect_vreg.gather [hbm4b:s3+s10], $0x1, v1, vm0, $0x4038;
	[tilespmem:$0x280] =	vst v63  }
0x1d: {  	s15 =	sadd.s32 $0x10, s29;
	(ifvalue) =	ssetifvalue $0x7FFFFFFF  }
0x1e: {  	[tilespmem:s15], [sflag:$0x1] =	stream.indirect_vreg.gather [hbm4b:s3+s10], $0x1, v0, vm0, $0x4038;
	[tilespmem:$0x280] =	vst v63  }
0x1f: {  	_ =	swait.ge [sflag:s5], $0xA0  }
0x20: {  	s30 =	sshrl.u32 s13, $0x3;
	[sflag:s5] =	ssyncset.done $0x0  }
0x21: {  	s31 =	sand.u32 $0x7, s13;
	s15 =	sadd.s32 s2, s30;
	[sflag:s5] =	ssyncadd.s32 $0xFFFFFF60  }
0x22: {  	[hbm4b:s15+s31] =	stream.linear.scatter [tilespmem:s14], [sflag:$0x3], $0xA0, $0x38;
	[tilespmem:$0x280] =	vst v63  }
.LBB2_5:
0x23: {  	s15 =	sadd.s32 $0x1400, s11  }
0x24: {  	p1 =	sgt.s32 s15, $0x1F3F  }
0x25: {  	s15 =	smov.u32 @p1 s4;
	p1 =	sne.s32 s12, s9  }
.Ltmp1:
0x26: {  	p0 =	slt.u32 s12, $0x2;
	(pc) =	sbr.rel @!p1 .LBB2_6-.Ltmp1, $4  }
0x27: {  	s14 =	simm.s32 @!p0 $0x3  }
0x28: {  	_ =	swait.ge @!p0 [sflag:s14], $0xA0  }
0x29: {  	s16 =	sadd.s32 $0x1, s12;
	s13 =	smov.u32 s11;
	[sflag:s14] =	ssyncset.done @!p0 $0x0  }
0x2a: {  	s12 =	smov.u32 s16;
	s11 =	smov.u32 s15;
	[sflag:s14] =	ssyncadd.s32 @!p0 $0xFFFFFF60  }
.LBB2_1:
0x2b: {  	p0 =	sge.u32 s12, s7  }
0x2c: {  	s14 =	sxor.u32 @!p0 $0x1, s12  }
0x2d: {  	s14 =	smul.u32 @!p0 $0x280, s14  }
0x2e: {  	s31 =	sadd.s32 $0xFFFFFFFF, s12;
	s15 =	sshrl.u32 @!p0 s11, $0x3  }
0x2f: {  	s16 =	sand.u32 @!p0 $0x7, s11;
	s15 =	sadd.s32 @!p0 s8, s15;
	s14 =	sshra.s32 @!p0 s14, $0x2  }
0x30: {  	[tilespmem:s14], [sflag:$0x2] =	stream.linear.gather @!p0 [hbm4b:s15+s16], $0xA0, $0x38;
	[tilespmem:$0x280] =	vst v63  }
0x31: {  	p0 =	sge.u32 s31, s7  }
.Ltmp2:
0x32: {  	_ = 	snop;
	(pc) =	sbr.rel @p0 .LBB2_5-.Ltmp2, $1  }
0x33: {  	_ =	sdelay $0x3  }
0x34: {  	s14 =	sand.u32 $0x1, s12  }
0x35: {  	_ =	swait.ge [sflag:s6], $0xA0;
	p0 =	seq.s32 s14, $0x1;
	s14 =	simm.s32 $0xA0  }
0x36: {  	[sflag:s6] =	ssyncset.done $0x0;
	s14 =	simm.s32 @!p0 $0x0  }
0x37: {  	[sflag:s6] =	ssyncadd.s32 $0xFFFFFF60;
	(ifvalue) =	ssetifvalue $0x7FFFFFFF;
	v0 =	vld.msk [tilespmem:s14+$0x0 ss:$0x1], $0xffff;
	_ =	sdelay $0x4  }
0x38: {  	s15 =	sadd.s32 $0x10, s14;
	v2 =	vshrl.u32 v0, $0x3  }
0x39: {  	v1 =	vld.msk [tilespmem:s15+$0x0 ss:$0x1], $0xffff;
	vm1 =	veq.s32 v0, $0x80000000;
	v2 =	vand.u32 $0x3FF, v2  }
0x3a: {  	v0 =	vand.u32 $0x7, v0;
	v2 =	vsel vm1, $0xFFFFFFFF, v2  }
0x3b: {  	v0 =	vsel vm1, $0xFFFFFFFF, v0;
	v3 =	vshll.u32 v2, $0x3  }
0x3c: {  	v4 =	vand.u32 $0xFFFFE000, v0;
	v0 =	vshll.u32 v0, $0x7;
	v3 =	vand.u32 $0xFFFFFC00, v3  }
0x3d: {  	v0 =	vand.u32 $0x380, v0;
	v3 =	vadd.s32 v4, v3  }
0x3e: {  	v2 =	vand.u32 $0x7F, v2;
	v4 =	vshrl.u32 v1, $0x3;
	v0 =	vor.u32 v0, v3  }
0x3f: {  	vm1 =	veq.s32 v1, $0x80000000;
	v4 =	vand.u32 $0x3FF, v4;
	v0 =	vor.u32 v2, v0  }
0x40: {  	s15 =	sadd.s32 $0x10, s15;
	v1 =	vand.u32 $0x7, v1;
	v3 =	vsel vm1, $0xFFFFFFFF, v4  }
0x41: {  	s14 =	sor.u32 $0x140, s14;
	v2 =	vsel vm1, $0xFFFFFFFF, v1;
	v1 =	vld.msk [tilespmem:s15+$0x0 ss:$0x1], $0xffff;
	v4 =	vshll.u32 v3, $0x3  }
0x42: {  	s17 =	simm.s32 $0x30;
	s16 =	smov.u32 s14;
	v5 =	vshll.u32 v2, $0x7;
	v6 =	vand.u32 $0xFFFFE000, v2;
	v4 =	vand.u32 $0xFFFFFC00, v4  }
0x43: {  	s18 =	sadd.s32 $0x10, s15;
	(ifvalue) =	ssetifvalue $0x7FFFFFFF;
	s15 =	sadd.s32 $0x10, s14;
	v2 =	vand.u32 $0x7F, v3;
	v3 =	vadd.s32 v6, v4;
	v4 =	vand.u32 $0x380, v5  }
.LBB2_3:
0x44: {  	[tilespmem:s16], [sflag:$0x1] =	stream.indirect_vreg.gather [hbm4b:s3+s10], $0x1, v0, vm0, $0x4038;
	[tilespmem:$0x280] =	vst v63  }
0x45: {  	s17 =	sadd.s32 $0x10, s17  }
0x46: {  	v5 =	vand.u32 $0x7, v1;
	v6 =	vshrl.u32 v1, $0x3;
	v3 =	vor.u32 v4, v3;
	v0 =	vmovc v1;
	v1 =	vld.msk [tilespmem:s18+$0x0 ss:$0x1], $0xffff;
	p0 =	slt.u32 s17, $0x90  }
.Ltmp3:
0x47: {  	s16 =	smov.u32 s15;
	vm1 =	veq.s32 v0, $0x80000000;
	v4 =	vand.u32 $0x3FF, v6;
	v0 =	vor.u32 v2, v3;
	(pc) =	sbr.rel @p0 .LBB2_3-.Ltmp3, $4  }
0x48: {  	v3 =	vsel vm1, $0xFFFFFFFF, v5;
	v4 =	vsel vm1, $0xFFFFFFFF, v4  }
0x49: {  	v2 =	vand.u32 $0x7F, v4;
	v4 =	vshll.u32 v4, $0x3;
	v5 =	vshll.u32 v3, $0x7  }
0x4a: {  	v3 =	vand.u32 $0xFFFFE000, v3;
	v4 =	vand.u32 $0xFFFFFC00, v4  }
0x4b: {  	s18 =	sadd.s32 $0x10, s18;
	s15 =	sadd.s32 $0x10, s15;
	v3 =	vadd.s32 v3, v4;
	v4 =	vand.u32 $0x380, v5;
	(ifvalue) =	ssetifvalue $0x7FFFFFFF  }
.Ltmp4:
0x4c: {  	_ = 	snop;
	(pc) =	sbr.rel .LBB2_4-.Ltmp4, $1  }
0x4d: {  	_ =	sdelay $0x3  }
.LBB2_6:
0x4e: {  	_ =	sfence.sel $0x180000  }
0x4f: {  	s2 =	simm.s32 $0x2;
	[bflag:$0x0] =	sbarrier.arrive $0xFFFF  }
0x50: {  	s30 =	simm.s32 $0x3;
	[sflag:s2] =	ssyncpa.u1 $0x1  }
0x51: {  	s31 =	simm.s32 $0x1;
	[sflag:s30] =	ssyncpa.u1 $0x1  }
0x52: {  	[sflag:s31] =	ssyncpa.u1 $0x1  }
0x53: {  	p0 =	sne.s32 s0, $0x0;
	_ =	strace $0x90000053  }
0x54: {  	s0 =	sadd.s32 @!p0 $0x100000, s1;
	[bflag:$0x2] =	sbarrier.arrive $0xFFFF  }
0x55: {  	[sflag:s0] =	ssyncadd.tile.s32 @!p0 $0x1;
	_ =	shalt  }
.Lfunc_end2:
_tile_overlayer_lowered:
.L_overlay_start_2:
0x56: {  	(tag) =	ssettag $0x2  }
0x57: {  	s0 =	rddreg [dreg:$0x0];
	s2 =	stileid.u32  }
0x58: {  	s1 =	rddreg [dreg:$0x1];
	p0 =	sne.s32 s2, $0x0  }
0x59: {  	s3 =	rddreg [dreg:$0x2];
	[bflag:$0x3] =	sbarrier.arrive $0xFFFF;
	s2 =	simm.s32 @!p0 $0x1C01  }
0x5a: {  	[timem:s3], [sflag:s2] =	dma.local @!p0 [hbm:s0], s1  }
0x5b: {  	s0 =	simm.s32 @!p0 $0x1  }
0x5c: {  	_ =	swait.ge @!p0 [sflag:s0], s1  }
0x5d: {  	s1 =	ssub.s32 @!p0 $0x0, s1;
	[sflag:s0] =	ssyncset.done @!p0 $0x0  }
0x5e: {  	[sflag:s0] =	ssyncadd.s32 @!p0 s1  }
0x5f: {  	[bflag:$0x3] =	sbarrier.arrive $0xFFFF  }
0x60: {  	_ =	shalt  }

// kernel: gather_offload_async_start.4
scs
__scs_entry_jumppad:
0x0: {  	(pc) =	sbr.rel $0x88, $3  }
0x1: {  	(tag) =	ssettag $0x0;
	lr =	simm.s32 $0x1  }
0x2: {  	[smem:$0x3F9D] =	sst lr;
	_ =	strace $0xD0000000  }
0x3: {  	_ = 	snop  }
0x4: {  	_ = 	snop  }
0x5: {  	_ = 	snop  }
0x6: {  	_ = 	snop  }
0x7: {  	_ = 	snop  }
__scs_overlays_trampoline_lowered:
0x8: {  	[smem:$0x3FAC] =	sst s0  }
0x9: {  	[smem:$0x3FAD] =	sst s1  }
0xa: {  	[smem:$0x3FAE] =	sst s2  }
0xb: {  	[smem:$0x3FAF] =	sst s3  }
0xc: {  	[smem:$0x3FB0] =	sst s4  }
0xd: {  	[smem:$0x3FB1] =	sst s5  }
0xe: {  	[smem:$0x3FB2] =	sst s6  }
0xf: {  	[smem:$0x3FB3] =	sst s7  }
0x10: {  	[smem:$0x3FB4] =	sst s8  }
0x11: {  	[smem:$0x3FB5] =	sst s9;
	s0 =	simm.s32 @!p0 $0x0  }
0x12: {  	s1 =	sld [smem:$0x3F9B];
	s0 =	simm.s32 @p0 $0x1  }
0x13: {  	[smem:$0x3FB6] =	sst s0;
	s0 =	simm.s32 @!p1 $0x0  }
0x14: {  	s2 =	sld [smem:$0x3F9A];
	s0 =	simm.s32 @p1 $0x1  }
0x15: {  	[smem:$0x3FB7] =	sst s0;
	s0 =	simm.s32 @!p2 $0x0  }
0x16: {  	s3 =	sld [smem:$0x3FDB];
	s0 =	simm.s32 @p2 $0x1  }
0x17: {  	s4 =	simm.s32 $0x1BF5;
	[smem:$0x3FB9] =	sst s0  }
0x18: {  	s0 =	sld [smem:$0x3F9C];
	_ =	swait.ge [sflag:s4], $0x0  }
0x19: {  	s7 =	sld [smem:$0x3F9D]  }
0x1a: {  	s8 =	sadd.s32 $0xFFFFE003, lr  }
0x1b: {  	s9 =	sadd.s32 $0xFFFFFEF7, lr;
	s5 =	simm.s32 $0xFFFFFFFF;
	p2 =	slt.u32 s8, $0xFFFFF086  }
0x1c: {  	p1 =	slt.u32 s9, $0xF7A;
	s5 =	simm.s32 @!p2 $0x0  }
0x1d: {  	s5 =	simm.s32 @p1 $0x1;
	p0 =	seq.s32 s7, s2  }
0x1e: {  	s7 =	smul.u32 @!p0 $0xF7A, s2;
	p2 =	seq.s32 @!p0 s5, $0x0  }
0x1f: {  	s9 =	smul.u32 $0xF7A, s1;
	s8 =	simm.s32 @!p0 $0x1BF5;
	p2 =	por !p2, p0  }
0x20: {  	[sflag:s8] =	ssyncset.s32 @!p0 $0xFFFFF086;
	s6 =	sadd.s32 @!p0 s3, s7;
	s7 =	simm.s32 @!p0 $0x108  }
0x21: {  	s3 =	sadd.s32 s3, s9;
	s6 =	sadd.s32 @!p0 $0x88, s6;
	s7 =	simm.s32 @p2 $0x1082  }
0x22: {  	[simem:s7], [sflag:s8] =	dma.local @!p0 [hbm:s6], $0xF7A  }
0x23: {  	s9 =	sor.u32 $0xD0000000, s2;
	s6 =	simm.s32 $0x108;
	_ =	swait.ge @!p0 [sflag:s8], $0x0  }
0x24: {  	s3 =	sadd.s32 $0x88, s3;
	s6 =	simm.s32 @!p1 $0x1082;
	[sflag:s4] =	ssyncset.s32 $0xFFFFF086  }
0x25: {  	[simem:s6], [sflag:s4] =	dma.local [hbm:s3], $0xF7A  }
0x26: {  	[smem:$0x3F9D] =	sst s1;
	(tag) =	ssettag s2;
	_ =	strace s9  }
0x27: {  	s1 =	sld [smem:$0x3FAD]  }
0x28: {  	s2 =	sld [smem:$0x3FAE]  }
0x29: {  	s4 =	sld [smem:$0x3FB0]  }
0x2a: {  	p0 =	seq.s32 s5, $0x0;
	s5 =	sld [smem:$0x3FB1]  }
0x2b: {  	s6 =	sld [smem:$0x3FB2]  }
0x2c: {  	s7 =	sld [smem:$0x3FB3]  }
0x2d: {  	s3 =	simm.s32 $0x108;
	s8 =	sld [smem:$0x3FB4]  }
0x2e: {  	s3 =	simm.s32 @!p0 $0x1082;
	s9 =	sld [smem:$0x3FB5]  }
0x2f: {  	lr =	sadd.s32 s0, s3;
	s0 =	sld [smem:$0x3FAC]  }
0x30: {  	s3 =	sld [smem:$0x3FAF]  }
0x31: {  	[smem:$0x3FB8] =	sst s10  }
0x32: {  	s10 =	sld [smem:$0x3FB6];
	_ =	sdelay $0x3  }
0x33: {  	p0 =	seq.s32 s10, $0x1;
	s10 =	sld [smem:$0x3FB8];
	_ =	sdelay $0x3  }
0x34: {  	[smem:$0x3FB8] =	sst s10  }
0x35: {  	s10 =	sld [smem:$0x3FB7];
	_ =	sdelay $0x3  }
0x36: {  	p1 =	seq.s32 s10, $0x1;
	s10 =	sld [smem:$0x3FB8];
	_ =	sdelay $0x3  }
0x37: {  	[smem:$0x3FB8] =	sst s10  }
0x38: {  	s10 =	sld [smem:$0x3FB9]  }
0x39: {  	_ = 	snop;
	(pc) =	sbr.ind lr, $3  }
0x3a: {  	_ = 	snop  }
0x3b: {  	_ = 	snop  }
0x3c: {  	p2 =	seq.s32 s10, $0x1;
	s10 =	sld [smem:$0x3FB8]  }
0x3d: {  	_ =	shalt  }
0x3e: {  	_ =	shalt  }
0x3f: {  	_ =	shalt  }
0x40: {  	_ =	shalt  }
0x41: {  	_ =	shalt  }
0x42: {  	_ =	shalt  }
0x43: {  	_ =	shalt  }
0x44: {  	_ =	shalt  }
0x45: {  	_ =	shalt  }
0x46: {  	_ =	shalt  }
0x47: {  	_ =	shalt  }
0x48: {  	_ =	shalt  }
0x49: {  	_ =	shalt  }
0x4a: {  	_ =	shalt  }
0x4b: {  	_ =	shalt  }
0x4c: {  	_ =	shalt  }
0x4d: {  	_ =	shalt  }
0x4e: {  	_ =	shalt  }
0x4f: {  	_ =	shalt  }
0x50: {  	_ =	shalt  }
0x51: {  	_ =	shalt  }
0x52: {  	_ =	shalt  }
0x53: {  	_ =	shalt  }
0x54: {  	_ =	shalt  }
0x55: {  	_ =	shalt  }
0x56: {  	_ =	shalt  }
0x57: {  	_ =	shalt  }
0x58: {  	_ =	shalt  }
0x59: {  	_ =	shalt  }
0x5a: {  	_ =	shalt  }
0x5b: {  	_ =	shalt  }
0x5c: {  	_ =	shalt  }
0x5d: {  	_ =	shalt  }
0x5e: {  	_ =	shalt  }
0x5f: {  	_ =	shalt  }
0x60: {  	_ =	shalt  }
0x61: {  	_ =	shalt  }
0x62: {  	_ =	shalt  }
0x63: {  	_ =	shalt  }
0x64: {  	_ =	shalt  }
0x65: {  	_ =	shalt  }
0x66: {  	_ =	shalt  }
0x67: {  	_ =	shalt  }
0x68: {  	_ =	shalt  }
0x69: {  	_ =	shalt  }
0x6a: {  	_ =	shalt  }
0x6b: {  	_ =	shalt  }
0x6c: {  	_ =	shalt  }
0x6d: {  	_ =	shalt  }
0x6e: {  	_ =	shalt  }
0x6f: {  	_ =	shalt  }
0x70: {  	_ =	shalt  }
0x71: {  	_ =	shalt  }
0x72: {  	_ =	shalt  }
0x73: {  	_ =	shalt  }
0x74: {  	_ =	shalt  }
0x75: {  	_ =	shalt  }
0x76: {  	_ =	shalt  }
0x77: {  	_ =	shalt  }
0x78: {  	_ =	shalt  }
0x79: {  	_ =	shalt  }
0x7a: {  	_ =	shalt  }
0x7b: {  	_ =	shalt  }
0x7c: {  	_ =	shalt  }
0x7d: {  	_ =	shalt  }
0x7e: {  	_ =	shalt  }
0x7f: {  	_ =	shalt  }
0x80: {  	_ =	shalt  }
0x81: {  	_ =	shalt  }
0x82: {  	_ =	shalt  }
0x83: {  	_ =	shalt  }
0x84: {  	_ =	shalt  }
0x85: {  	_ =	shalt  }
0x86: {  	_ =	shalt  }
0x87: {  	_ =	shalt  }
.Lfunc_end0:
.L_simem_size_0:
called_computation.4_lowered:
.L_overlay_start_0:
0x88: {  	s2 =	sld [smem:$0x3FD9]  }
0x89: {  	s3 =	sld [smem:$0x3FFE];
	_ =	sdelay $0x1  }
0x8a: {  	s1 =	srdreg.scid  }
0x8b: {  	s0 =	sand.u32 $0x1, s1  }
0x8c: {  	s17 =	sshll.u32 s0, $0xA;
	s2 =	sadd.s32 s3, s2  }
0x8d: {  	s2 =	sadd.s32 s2, s17  }
0x8e: {  	[smem:$0x3FC4] =	sst s2  }
0x8f: {  	_ = 	snop  }
0x90: {  	s2 =	sld [smem:$0x3FD0];
	(tm) =	ssettm $0x1  }
0x91: {  	s18 =	sld [smem:$0x3FFB];
	_ =	sdelay $0x3  }
0x92: {  	_ =	strace s18  }
0x93: {  	s3 =	sld [smem:$0x3FFC];
	_ =	sdelay $0x3  }
0x94: {  	_ =	strace s3  }
0x95: {  	s3 =	sld [smem:$0x3FFD];
	_ =	sdelay $0x3  }
0x96: {  	_ =	strace s3  }
0x97: {  	_ =	strace $0x8FFFFFFF  }
0x98: {  	s19 =	sld [smem:$0x3FDB];
	_ =	sdelay $0x1  }
0x99: {  	s4 =	simm.s32 $_scs_section_size  }
0x9a: {  	s5 =	simm.s32 $_size__tile_overlayer_lowered;
	s6 =	simm.s32 $_tile_overlayer_lowered  }
0x9b: {  	s22 =	simm.s32 $0x1BFF;
	s21 =	sshll.u32 s6, $0x1;
	s3 =	sadd.s32 s4, s19  }
0x9c: {  	s7 =	simm.s32 $0x0;
	s20 =	sshll.u32 s5, $0x1;
	s5 =	sadd.s32 s21, s3  }
0x9d: {  	[timem:s7], [sflag:s22] =	dma.local [hbm:s5], s20  }
0x9e: {  	_ =	swait.ge [sflag:s22], s20  }
0x9f: {  	s4 =	ssub.s32 $0x0, s20;
	[sflag:s22] =	ssyncset.done $0x0  }
0xa0: {  	[sflag:s22] =	ssyncadd.s32 s4;
	_ =	sdelay $0x1  }
0xa1: {  	s23 =	simm.s32 $0x1B8B  }
0xa2: {  	_ =	swait.ge [sflag:s23], $0x1  }
0xa3: {  	[sflag:s23] =	ssyncset.done $0x0  }
0xa4: {  	s25 =	simm.s32 $0x1B8E;
	s24 =	sld [smem:$0x3FFE];
	[sflag:s23] =	ssyncadd.s32 $0xFFFFFFFF  }
0xa5: {  	s26 =	simm.s32 $execute0_lowered;
	[smem:$0x3FD2] =	sst s25  }
0xa6: {  	s5 =	sshll.u32 s26, $0x1;
	_ =	strace $0x80000046;
	[dreg:$0x1] =	wrdreg $0xFFFFFFFF  }
0xa7: {  	s28 =	simm.s32 $_size_execute0_lowered;
	s3 =	sadd.s32 s3, s5;
	[dreg:$0x0] =	wrdreg $0x0  }
0xa8: {  	s5 =	sshll.u32 s28, $0x1;
	[dreg:$0x2] =	wrdreg s3  }
0xa9: {  	[dreg:$0x3] =	wrdreg s5  }
0xaa: {  	[dreg:$0x4] =	wrdreg $0xC0  }
0xab: {  	_ =	task [dreg:s7], $0x5FFFF  }
0xac: {  	[dreg:$0x1] =	wrdreg $0xFFFFFFFF  }
0xad: {  	[dreg:$0x0] =	wrdreg $0x60  }
0xae: {  	[dreg:$0x2] =	wrdreg s2  }
0xaf: {  	[dreg:$0x3] =	wrdreg s24  }
0xb0: {  	[dreg:$0x4] =	wrdreg $0x9  }
0xb1: {  	_ =	task.clear_ibuf [dreg:s7], $0x5FFFF;
	_ =	strace $0x90000046  }
0xb2: {  	s29 =	simm.s32 $0x9;
	_ =	strace $0x80000048  }
0xb3: {  	_ =	swait.ge [sflag:s29], $0x1  }
0xb4: {  	[sflag:s29] =	ssyncadd.s32 $0xFFFFFFFF  }
0xb5: {  	_ =	strace $0x90000048  }
0xb6: {  	_ =	sfence  }
0xb7: {  	s30 =	sld [smem:$0x0];
	_ =	sdelay $0x2  }
0xb8: {  	s31 =	sshll.u32 s1, $0xD;
	s1 =	sshrl.u32 s1, $0x2  }
0xb9: {  	s3 =	sand.u32 $0x4000, s31;
	s1 =	sadd.s32 s1, s30  }
0xba: {  	s0 =	sor.u32 s3, s0;
	s1 =	sshll.u32 s1, $0x11  }
0xbb: {  	s0 =	sor.u32 s1, s0  }
0xbc: {  	s0 =	sadd.s32 $0x8F2B, s0  }
0xbd: {  	[sflag:s0] =	ssyncadd.remote.s32 $0x1  }
0xbe: {  	_ =	sfence.sel $0xFFFF  }
0xbf: {  	[dreg:$0x0] =	wrdreg $0xFFFFFFFF;
	(pc) =	sbr.abs _section_cstart, $3  }
0xc0: {  	[dreg:$0x1] =	wrdreg $0xFFFFFFFF  }
0xc1: {  	_ =	task.clear_ibuf [dreg:s7], $0x2FFFF;
	_ =	strace $0x9FFFFFFF  }
0xc2: {  	(tm) =	ssettm $0x7FFFFFFF  }
0xc3: {  	_ =	shalt  }
tec
execute0_lowered:
.L_overlay_start_1:
0x0: {  	(tag) =	ssettag $0x1  }
0x1: {  	s2 =	rddreg [dreg:$0x0];
	s0 =	stileid.u32  }
0x2: {  	s1 =	srdreg.scid;
	s8 =	rddreg [dreg:$0x1]  }
0x3: {  	s5 =	simm.s32 $0x1;
	s9 =	simm.s32 $0x1;
	s10 =	simm.s32 $0x3  }
0x4: {  	s13 =	simm.s32 $0x0;
	s3 =	sand.u32 $0x1, s1;
	s4 =	sshll.u32 s0, $0x1  }
0x5: {  	s12 =	simm.s32 $0x0;
	s1 =	rddreg [dreg:$0x2];
	s6 =	sor.u32 s4, s3  }
0x6: {  	_ =	strace $0x80000047;
	s3 =	sadd.s32 $0x3000, s8;
	s4 =	smul.u32 $0xA0, s6  }
0x7: {  	[sflag:s5] =	ssyncpa.u1 $0x0;
	p0 =	slt.u32 s6, $0x13;
	s6 =	simm.s32 $0x1400  }
.Ltmp0:
0x8: {  	s6 =	simm.s32 @!p0 $0x0;
	s7 =	ssub.s32 $0x1F40, s4;
	(pc) =	sbr.rel .LBB2_1-.Ltmp0, $4  }
0x9: {  	s9 =	simm.s32 @!p0 $0x0;
	p0 =	sne.s32 s7, s6;
	s7 =	simm.s32 $0x1  }
0xa: {  	s8 =	sadd.s32 $0x3A00, s8;
	s6 =	simm.s32 $0x2;
	s7 =	simm.s32 @!p0 $0x0  }
0xb: {  	s11 =	smov.u32 s4;
	[sflag:s6] =	ssyncpa.u1 $0x0;
	s7 =	sadd.s32 s9, s7  }
0xc: {  	vm0 =	vmmov $0xffff;
	[sflag:s10] =	ssyncpa.u1 $0x0;
	s10 =	simm.s32 $0x0;
	s9 =	sadd.s32 $0x1, s7  }
.LBB2_4:
0xd: {  	v5 =	vld.msk [tilespmem:s18+$0x0 ss:$0x1], $0xffff  }
0xe: {  	v6 =	vand.u32 $0x7, v1;
	v7 =	vshrl.u32 v1, $0x3  }
0xf: {  	v3 =	vor.u32 v4, v3;
	vm1 =	veq.s32 v1, $0x80000000;
	v53 =	vand.u32 $0x3FF, v7  }
0x10: {  	v2 =	vor.u32 v2, v3;
	v54 =	vsel vm1, $0xFFFFFFFF, v6;
	v1 =	vsel vm1, $0xFFFFFFFF, v53  }
0x11: {  	v6 =	vshll.u32 v54, $0x7;
	v3 =	vand.u32 $0xFFFFE000, v54;
	v55 =	vand.u32 $0x7F, v1  }
0x12: {  	v1 =	vshll.u32 v1, $0x3;
	v6 =	vand.u32 $0x380, v6;
	v56 =	vshrl.u32 v5, $0x3  }
0x13: {  	v1 =	vand.u32 $0xFFFFFC00, v1;
	vm1 =	veq.s32 v5, $0x80000000;
	v57 =	vand.u32 $0x3FF, v56  }
0x14: {  	v1 =	vadd.s32 v3, v1;
	v5 =	vand.u32 $0x7, v5;
	v3 =	vsel vm1, $0xFFFFFFFF, v57  }
0x15: {  	v1 =	vor.u32 v6, v1;
	v5 =	vsel vm1, $0xFFFFFFFF, v5;
	v58 =	vshll.u32 v3, $0x3  }
0x16: {  	v59 =	vshll.u32 v5, $0x7;
	v5 =	vand.u32 $0xFFFFE000, v5;
	v6 =	vand.u32 $0xFFFFFC00, v58  }
0x17: {  	v1 =	vor.u32 v55, v1;
	v61 =	vand.u32 $0x380, v59;
	v60 =	vadd.s32 v5, v6  }
0x18: {  	[tilespmem:s16], [sflag:$0x1] =	stream.indirect_vreg.gather [hbm4b:s2+s10], $0x1, v0, vm0, $0x4038;
	v62 =	vand.u32 $0x7F, v3;
	v63 =	vor.u32 v61, v60;
	[tilespmem:$0x280] =	vst v63  }
0x19: {  	(ifvalue) =	ssetifvalue $0x7FFFFFFF;
	v0 =	vor.u32 v62, v63  }
0x1a: {  	[tilespmem:s15], [sflag:$0x1] =	stream.indirect_vreg.gather [hbm4b:s2+s10], $0x1, v2, vm0, $0x4038;
	[tilespmem:$0x280] =	vst v63  }
0x1b: {  	s29 =	sadd.s32 $0x10, s15;
	(ifvalue) =	ssetifvalue $0x7FFFFFFF  }
0x1c: {  	[tilespmem:s29], [sflag:$0x1] =	stream.indirect_vreg.gather [hbm4b:s2+s10], $0x1, v1, vm0, $0x4038;
	[tilespmem:$0x280] =	vst v63  }
0x1d: {  	s15 =	sadd.s32 $0x10, s29;
	(ifvalue) =	ssetifvalue $0x7FFFFFFF  }
0x1e: {  	[tilespmem:s15], [sflag:$0x1] =	stream.indirect_vreg.gather [hbm4b:s2+s10], $0x1, v0, vm0, $0x4038;
	[tilespmem:$0x280] =	vst v63  }
0x1f: {  	_ =	swait.ge [sflag:s5], $0xA0  }
0x20: {  	s30 =	sshrl.u32 s13, $0x3;
	[sflag:s5] =	ssyncset.done $0x0  }
0x21: {  	s31 =	sand.u32 $0x7, s13;
	s15 =	sadd.s32 s8, s30;
	[sflag:s5] =	ssyncadd.s32 $0xFFFFFF60  }
0x22: {  	[hbm4b:s15+s31] =	stream.linear.scatter [tilespmem:s14], [sflag:$0x3], $0xA0, $0x38;
	[tilespmem:$0x280] =	vst v63  }
.LBB2_5:
0x23: {  	s15 =	sadd.s32 $0x1400, s11  }
0x24: {  	p1 =	sgt.s32 s15, $0x1F3F  }
0x25: {  	s15 =	smov.u32 @p1 s4;
	p1 =	sne.s32 s12, s9  }
.Ltmp1:
0x26: {  	p0 =	slt.u32 s12, $0x2;
	(pc) =	sbr.rel @!p1 .LBB2_6-.Ltmp1, $4  }
0x27: {  	s14 =	simm.s32 @!p0 $0x3  }
0x28: {  	_ =	swait.ge @!p0 [sflag:s14], $0xA0  }
0x29: {  	s16 =	sadd.s32 $0x1, s12;
	s13 =	smov.u32 s11;
	[sflag:s14] =	ssyncset.done @!p0 $0x0  }
0x2a: {  	s12 =	smov.u32 s16;
	s11 =	smov.u32 s15;
	[sflag:s14] =	ssyncadd.s32 @!p0 $0xFFFFFF60  }
.LBB2_1:
0x2b: {  	p0 =	sge.u32 s12, s7  }
0x2c: {  	s14 =	sxor.u32 @!p0 $0x1, s12  }
0x2d: {  	s14 =	smul.u32 @!p0 $0x280, s14  }
0x2e: {  	s31 =	sadd.s32 $0xFFFFFFFF, s12;
	s15 =	sshrl.u32 @!p0 s11, $0x3  }
0x2f: {  	s16 =	sand.u32 @!p0 $0x7, s11;
	s15 =	sadd.s32 @!p0 s3, s15;
	s14 =	sshra.s32 @!p0 s14, $0x2  }
0x30: {  	[tilespmem:s14], [sflag:$0x2] =	stream.linear.gather @!p0 [hbm4b:s15+s16], $0xA0, $0x38;
	[tilespmem:$0x280] =	vst v63  }
0x31: {  	p0 =	sge.u32 s31, s7  }
.Ltmp2:
0x32: {  	_ = 	snop;
	(pc) =	sbr.rel @p0 .LBB2_5-.Ltmp2, $1  }
0x33: {  	_ =	sdelay $0x3  }
0x34: {  	s14 =	sand.u32 $0x1, s12  }
0x35: {  	_ =	swait.ge [sflag:s6], $0xA0;
	p0 =	seq.s32 s14, $0x1;
	s14 =	simm.s32 $0xA0  }
0x36: {  	[sflag:s6] =	ssyncset.done $0x0;
	s14 =	simm.s32 @!p0 $0x0  }
0x37: {  	[sflag:s6] =	ssyncadd.s32 $0xFFFFFF60;
	(ifvalue) =	ssetifvalue $0x7FFFFFFF;
	v0 =	vld.msk [tilespmem:s14+$0x0 ss:$0x1], $0xffff;
	_ =	sdelay $0x4  }
0x38: {  	s15 =	sadd.s32 $0x10, s14;
	v2 =	vshrl.u32 v0, $0x3  }
0x39: {  	v1 =	vld.msk [tilespmem:s15+$0x0 ss:$0x1], $0xffff;
	vm1 =	veq.s32 v0, $0x80000000;
	v2 =	vand.u32 $0x3FF, v2  }
0x3a: {  	v0 =	vand.u32 $0x7, v0;
	v2 =	vsel vm1, $0xFFFFFFFF, v2  }
0x3b: {  	v0 =	vsel vm1, $0xFFFFFFFF, v0;
	v3 =	vshll.u32 v2, $0x3  }
0x3c: {  	v4 =	vand.u32 $0xFFFFE000, v0;
	v0 =	vshll.u32 v0, $0x7;
	v3 =	vand.u32 $0xFFFFFC00, v3  }
0x3d: {  	v0 =	vand.u32 $0x380, v0;
	v3 =	vadd.s32 v4, v3  }
0x3e: {  	v2 =	vand.u32 $0x7F, v2;
	v4 =	vshrl.u32 v1, $0x3;
	v0 =	vor.u32 v0, v3  }
0x3f: {  	vm1 =	veq.s32 v1, $0x80000000;
	v4 =	vand.u32 $0x3FF, v4;
	v0 =	vor.u32 v2, v0  }
0x40: {  	s15 =	sadd.s32 $0x10, s15;
	v1 =	vand.u32 $0x7, v1;
	v3 =	vsel vm1, $0xFFFFFFFF, v4  }
0x41: {  	s14 =	sor.u32 $0x140, s14;
	v2 =	vsel vm1, $0xFFFFFFFF, v1;
	v1 =	vld.msk [tilespmem:s15+$0x0 ss:$0x1], $0xffff;
	v4 =	vshll.u32 v3, $0x3  }
0x42: {  	s17 =	simm.s32 $0x30;
	s16 =	smov.u32 s14;
	v5 =	vshll.u32 v2, $0x7;
	v6 =	vand.u32 $0xFFFFE000, v2;
	v4 =	vand.u32 $0xFFFFFC00, v4  }
0x43: {  	s18 =	sadd.s32 $0x10, s15;
	(ifvalue) =	ssetifvalue $0x7FFFFFFF;
	s15 =	sadd.s32 $0x10, s14;
	v2 =	vand.u32 $0x7F, v3;
	v3 =	vadd.s32 v6, v4;
	v4 =	vand.u32 $0x380, v5  }
.LBB2_3:
0x44: {  	[tilespmem:s16], [sflag:$0x1] =	stream.indirect_vreg.gather [hbm4b:s2+s10], $0x1, v0, vm0, $0x4038;
	[tilespmem:$0x280] =	vst v63  }
0x45: {  	s17 =	sadd.s32 $0x10, s17  }
0x46: {  	v5 =	vand.u32 $0x7, v1;
	v6 =	vshrl.u32 v1, $0x3;
	v3 =	vor.u32 v4, v3;
	v0 =	vmovc v1;
	v1 =	vld.msk [tilespmem:s18+$0x0 ss:$0x1], $0xffff;
	p0 =	slt.u32 s17, $0x90  }
.Ltmp3:
0x47: {  	s16 =	smov.u32 s15;
	vm1 =	veq.s32 v0, $0x80000000;
	v4 =	vand.u32 $0x3FF, v6;
	v0 =	vor.u32 v2, v3;
	(pc) =	sbr.rel @p0 .LBB2_3-.Ltmp3, $4  }
0x48: {  	v3 =	vsel vm1, $0xFFFFFFFF, v5;
	v4 =	vsel vm1, $0xFFFFFFFF, v4  }
0x49: {  	v2 =	vand.u32 $0x7F, v4;
	v4 =	vshll.u32 v4, $0x3;
	v5 =	vshll.u32 v3, $0x7  }
0x4a: {  	v3 =	vand.u32 $0xFFFFE000, v3;
	v4 =	vand.u32 $0xFFFFFC00, v4  }
0x4b: {  	s18 =	sadd.s32 $0x10, s18;
	s15 =	sadd.s32 $0x10, s15;
	v3 =	vadd.s32 v3, v4;
	v4 =	vand.u32 $0x380, v5;
	(ifvalue) =	ssetifvalue $0x7FFFFFFF  }
.Ltmp4:
0x4c: {  	_ = 	snop;
	(pc) =	sbr.rel .LBB2_4-.Ltmp4, $1  }
0x4d: {  	_ =	sdelay $0x3  }
.LBB2_6:
0x4e: {  	_ =	sfence.sel $0x180000  }
0x4f: {  	s2 =	simm.s32 $0x2;
	[bflag:$0x0] =	sbarrier.arrive $0xFFFF  }
0x50: {  	s30 =	simm.s32 $0x3;
	[sflag:s2] =	ssyncpa.u1 $0x1  }
0x51: {  	s31 =	simm.s32 $0x1;
	[sflag:s30] =	ssyncpa.u1 $0x1  }
0x52: {  	[sflag:s31] =	ssyncpa.u1 $0x1  }
0x53: {  	p0 =	sne.s32 s0, $0x0;
	_ =	strace $0x90000047  }
0x54: {  	s0 =	sadd.s32 @!p0 $0x100000, s1;
	[bflag:$0x2] =	sbarrier.arrive $0xFFFF  }
0x55: {  	[sflag:s0] =	ssyncadd.tile.s32 @!p0 $0x1;
	_ =	shalt  }
.Lfunc_end2:
_tile_overlayer_lowered:
.L_overlay_start_2:
0x56: {  	(tag) =	ssettag $0x2  }
0x57: {  	s0 =	rddreg [dreg:$0x0];
	s2 =	stileid.u32  }
0x58: {  	s1 =	rddreg [dreg:$0x1];
	p0 =	sne.s32 s2, $0x0  }
0x59: {  	s3 =	rddreg [dreg:$0x2];
	[bflag:$0x3] =	sbarrier.arrive $0xFFFF;
	s2 =	simm.s32 @!p0 $0x1C01  }
0x5a: {  	[timem:s3], [sflag:s2] =	dma.local @!p0 [hbm:s0], s1  }
0x5b: {  	s0 =	simm.s32 @!p0 $0x1  }
0x5c: {  	_ =	swait.ge @!p0 [sflag:s0], s1  }
0x5d: {  	s1 =	ssub.s32 @!p0 $0x0, s1;
	[sflag:s0] =	ssyncset.done @!p0 $0x0  }
0x5e: {  	[sflag:s0] =	ssyncadd.s32 @!p0 s1  }
0x5f: {  	[bflag:$0x3] =	sbarrier.arrive $0xFFFF  }
0x60: {  	_ =	shalt  }

// kernel: gather_offload_async_start
scs
__scs_entry_jumppad:
0x0: {  	(pc) =	sbr.rel $0x88, $3  }
0x1: {  	(tag) =	ssettag $0x0;
	lr =	simm.s32 $0x1  }
0x2: {  	[smem:$0x3F9D] =	sst lr;
	_ =	strace $0xD0000000  }
0x3: {  	_ = 	snop  }
0x4: {  	_ = 	snop  }
0x5: {  	_ = 	snop  }
0x6: {  	_ = 	snop  }
0x7: {  	_ = 	snop  }
__scs_overlays_trampoline_lowered:
0x8: {  	[smem:$0x3FAC] =	sst s0  }
0x9: {  	[smem:$0x3FAD] =	sst s1  }
0xa: {  	[smem:$0x3FAE] =	sst s2  }
0xb: {  	[smem:$0x3FAF] =	sst s3  }
0xc: {  	[smem:$0x3FB0] =	sst s4  }
0xd: {  	[smem:$0x3FB1] =	sst s5  }
0xe: {  	[smem:$0x3FB2] =	sst s6  }
0xf: {  	[smem:$0x3FB3] =	sst s7  }
0x10: {  	[smem:$0x3FB4] =	sst s8  }
0x11: {  	[smem:$0x3FB5] =	sst s9;
	s0 =	simm.s32 @!p0 $0x0  }
0x12: {  	s1 =	sld [smem:$0x3F9B];
	s0 =	simm.s32 @p0 $0x1  }
0x13: {  	[smem:$0x3FB6] =	sst s0;
	s0 =	simm.s32 @!p1 $0x0  }
0x14: {  	s2 =	sld [smem:$0x3F9A];
	s0 =	simm.s32 @p1 $0x1  }
0x15: {  	[smem:$0x3FB7] =	sst s0;
	s0 =	simm.s32 @!p2 $0x0  }
0x16: {  	s3 =	sld [smem:$0x3FDB];
	s0 =	simm.s32 @p2 $0x1  }
0x17: {  	s4 =	simm.s32 $0x1BF5;
	[smem:$0x3FB9] =	sst s0  }
0x18: {  	s0 =	sld [smem:$0x3F9C];
	_ =	swait.ge [sflag:s4], $0x0  }
0x19: {  	s7 =	sld [smem:$0x3F9D]  }
0x1a: {  	s8 =	sadd.s32 $0xFFFFE003, lr  }
0x1b: {  	s9 =	sadd.s32 $0xFFFFFEF7, lr;
	s5 =	simm.s32 $0xFFFFFFFF;
	p2 =	slt.u32 s8, $0xFFFFF086  }
0x1c: {  	p1 =	slt.u32 s9, $0xF7A;
	s5 =	simm.s32 @!p2 $0x0  }
0x1d: {  	s5 =	simm.s32 @p1 $0x1;
	p0 =	seq.s32 s7, s2  }
0x1e: {  	s7 =	smul.u32 @!p0 $0xF7A, s2;
	p2 =	seq.s32 @!p0 s5, $0x0  }
0x1f: {  	s9 =	smul.u32 $0xF7A, s1;
	s8 =	simm.s32 @!p0 $0x1BF5;
	p2 =	por !p2, p0  }
0x20: {  	[sflag:s8] =	ssyncset.s32 @!p0 $0xFFFFF086;
	s6 =	sadd.s32 @!p0 s3, s7;
	s7 =	simm.s32 @!p0 $0x108  }
0x21: {  	s3 =	sadd.s32 s3, s9;
	s6 =	sadd.s32 @!p0 $0x88, s6;
	s7 =	simm.s32 @p2 $0x1082  }
0x22: {  	[simem:s7], [sflag:s8] =	dma.local @!p0 [hbm:s6], $0xF7A  }
0x23: {  	s9 =	sor.u32 $0xD0000000, s2;
	s6 =	simm.s32 $0x108;
	_ =	swait.ge @!p0 [sflag:s8], $0x0  }
0x24: {  	s3 =	sadd.s32 $0x88, s3;
	s6 =	simm.s32 @!p1 $0x1082;
	[sflag:s4] =	ssyncset.s32 $0xFFFFF086  }
0x25: {  	[simem:s6], [sflag:s4] =	dma.local [hbm:s3], $0xF7A  }
0x26: {  	[smem:$0x3F9D] =	sst s1;
	(tag) =	ssettag s2;
	_ =	strace s9  }
0x27: {  	s1 =	sld [smem:$0x3FAD]  }
0x28: {  	s2 =	sld [smem:$0x3FAE]  }
0x29: {  	s4 =	sld [smem:$0x3FB0]  }
0x2a: {  	p0 =	seq.s32 s5, $0x0;
	s5 =	sld [smem:$0x3FB1]  }
0x2b: {  	s6 =	sld [smem:$0x3FB2]  }
0x2c: {  	s7 =	sld [smem:$0x3FB3]  }
0x2d: {  	s3 =	simm.s32 $0x108;
	s8 =	sld [smem:$0x3FB4]  }
0x2e: {  	s3 =	simm.s32 @!p0 $0x1082;
	s9 =	sld [smem:$0x3FB5]  }
0x2f: {  	lr =	sadd.s32 s0, s3;
	s0 =	sld [smem:$0x3FAC]  }
0x30: {  	s3 =	sld [smem:$0x3FAF]  }
0x31: {  	[smem:$0x3FB8] =	sst s10  }
0x32: {  	s10 =	sld [smem:$0x3FB6];
	_ =	sdelay $0x3  }
0x33: {  	p0 =	seq.s32 s10, $0x1;
	s10 =	sld [smem:$0x3FB8];
	_ =	sdelay $0x3  }
0x34: {  	[smem:$0x3FB8] =	sst s10  }
0x35: {  	s10 =	sld [smem:$0x3FB7];
	_ =	sdelay $0x3  }
0x36: {  	p1 =	seq.s32 s10, $0x1;
	s10 =	sld [smem:$0x3FB8];
	_ =	sdelay $0x3  }
0x37: {  	[smem:$0x3FB8] =	sst s10  }
0x38: {  	s10 =	sld [smem:$0x3FB9]  }
0x39: {  	_ = 	snop;
	(pc) =	sbr.ind lr, $3  }
0x3a: {  	_ = 	snop  }
0x3b: {  	_ = 	snop  }
0x3c: {  	p2 =	seq.s32 s10, $0x1;
	s10 =	sld [smem:$0x3FB8]  }
0x3d: {  	_ =	shalt  }
0x3e: {  	_ =	shalt  }
0x3f: {  	_ =	shalt  }
0x40: {  	_ =	shalt  }
0x41: {  	_ =	shalt  }
0x42: {  	_ =	shalt  }
0x43: {  	_ =	shalt  }
0x44: {  	_ =	shalt  }
0x45: {  	_ =	shalt  }
0x46: {  	_ =	shalt  }
0x47: {  	_ =	shalt  }
0x48: {  	_ =	shalt  }
0x49: {  	_ =	shalt  }
0x4a: {  	_ =	shalt  }
0x4b: {  	_ =	shalt  }
0x4c: {  	_ =	shalt  }
0x4d: {  	_ =	shalt  }
0x4e: {  	_ =	shalt  }
0x4f: {  	_ =	shalt  }
0x50: {  	_ =	shalt  }
0x51: {  	_ =	shalt  }
0x52: {  	_ =	shalt  }
0x53: {  	_ =	shalt  }
0x54: {  	_ =	shalt  }
0x55: {  	_ =	shalt  }
0x56: {  	_ =	shalt  }
0x57: {  	_ =	shalt  }
0x58: {  	_ =	shalt  }
0x59: {  	_ =	shalt  }
0x5a: {  	_ =	shalt  }
0x5b: {  	_ =	shalt  }
0x5c: {  	_ =	shalt  }
0x5d: {  	_ =	shalt  }
0x5e: {  	_ =	shalt  }
0x5f: {  	_ =	shalt  }
0x60: {  	_ =	shalt  }
0x61: {  	_ =	shalt  }
0x62: {  	_ =	shalt  }
0x63: {  	_ =	shalt  }
0x64: {  	_ =	shalt  }
0x65: {  	_ =	shalt  }
0x66: {  	_ =	shalt  }
0x67: {  	_ =	shalt  }
0x68: {  	_ =	shalt  }
0x69: {  	_ =	shalt  }
0x6a: {  	_ =	shalt  }
0x6b: {  	_ =	shalt  }
0x6c: {  	_ =	shalt  }
0x6d: {  	_ =	shalt  }
0x6e: {  	_ =	shalt  }
0x6f: {  	_ =	shalt  }
0x70: {  	_ =	shalt  }
0x71: {  	_ =	shalt  }
0x72: {  	_ =	shalt  }
0x73: {  	_ =	shalt  }
0x74: {  	_ =	shalt  }
0x75: {  	_ =	shalt  }
0x76: {  	_ =	shalt  }
0x77: {  	_ =	shalt  }
0x78: {  	_ =	shalt  }
0x79: {  	_ =	shalt  }
0x7a: {  	_ =	shalt  }
0x7b: {  	_ =	shalt  }
0x7c: {  	_ =	shalt  }
0x7d: {  	_ =	shalt  }
0x7e: {  	_ =	shalt  }
0x7f: {  	_ =	shalt  }
0x80: {  	_ =	shalt  }
0x81: {  	_ =	shalt  }
0x82: {  	_ =	shalt  }
0x83: {  	_ =	shalt  }
0x84: {  	_ =	shalt  }
0x85: {  	_ =	shalt  }
0x86: {  	_ =	shalt  }
0x87: {  	_ =	shalt  }
.Lfunc_end0:
.L_simem_size_0:
called_computation_lowered:
.L_overlay_start_0:
0x88: {  	s2 =	sld [smem:$0x3FD9]  }
0x89: {  	s3 =	sld [smem:$0x3FFE];
	_ =	sdelay $0x1  }
0x8a: {  	s1 =	srdreg.scid  }
0x8b: {  	s0 =	sand.u32 $0x1, s1  }
0x8c: {  	s16 =	sshll.u32 s0, $0xA;
	s2 =	sadd.s32 s3, s2  }
0x8d: {  	s2 =	sadd.s32 s2, s16  }
0x8e: {  	[smem:$0x3FC4] =	sst s2  }
0x8f: {  	_ = 	snop  }
0x90: {  	(tm) =	ssettm $0x1  }
0x91: {  	s17 =	sld [smem:$0x3FFB];
	_ =	sdelay $0x3  }
0x92: {  	_ =	strace s17  }
0x93: {  	s2 =	sld [smem:$0x3FFC];
	_ =	sdelay $0x3  }
0x94: {  	_ =	strace s2  }
0x95: {  	s2 =	sld [smem:$0x3FFD];
	_ =	sdelay $0x3  }
0x96: {  	_ =	strace s2  }
0x97: {  	_ =	strace $0x8FFFFFFF  }
0x98: {  	s18 =	sld [smem:$0x3FDB];
	_ =	sdelay $0x1  }
0x99: {  	s19 =	simm.s32 $_scs_section_size  }
0x9a: {  	s4 =	simm.s32 $_size__tile_overlayer_lowered;
	s5 =	simm.s32 $_tile_overlayer_lowered  }
0x9b: {  	s22 =	simm.s32 $0x1BFF;
	s21 =	sshll.u32 s5, $0x1;
	s2 =	sadd.s32 s19, s18  }
0x9c: {  	s6 =	simm.s32 $0x0;
	s20 =	sshll.u32 s4, $0x1;
	s4 =	sadd.s32 s21, s2  }
0x9d: {  	[timem:s6], [sflag:s22] =	dma.local [hbm:s4], s20  }
0x9e: {  	_ =	swait.ge [sflag:s22], s20  }
0x9f: {  	s3 =	ssub.s32 $0x0, s20;
	[sflag:s22] =	ssyncset.done $0x0  }
0xa0: {  	[sflag:s22] =	ssyncadd.s32 s3;
	_ =	sdelay $0x1  }
0xa1: {  	s23 =	simm.s32 $0x1B8B  }
0xa2: {  	_ =	swait.ge [sflag:s23], $0x1  }
0xa3: {  	[sflag:s23] =	ssyncset.done $0x0  }
0xa4: {  	s25 =	simm.s32 $0x1B8E;
	s24 =	sld [smem:$0x3FFE];
	[sflag:s23] =	ssyncadd.s32 $0xFFFFFFFF  }
0xa5: {  	s26 =	simm.s32 $execute0_lowered;
	[smem:$0x3FD2] =	sst s25  }
0xa6: {  	s4 =	sshll.u32 s26, $0x1;
	_ =	strace $0x80000049;
	[dreg:$0x1] =	wrdreg $0xFFFFFFFF  }
0xa7: {  	s28 =	simm.s32 $_size_execute0_lowered;
	s2 =	sadd.s32 s2, s4;
	[dreg:$0x0] =	wrdreg $0x0  }
0xa8: {  	s4 =	sshll.u32 s28, $0x1;
	[dreg:$0x2] =	wrdreg s2  }
0xa9: {  	[dreg:$0x3] =	wrdreg s4  }
0xaa: {  	[dreg:$0x4] =	wrdreg $0xC0  }
0xab: {  	_ =	task [dreg:s6], $0x5FFFF  }
0xac: {  	[dreg:$0x1] =	wrdreg $0xFFFFFFFF  }
0xad: {  	[dreg:$0x0] =	wrdreg $0x60  }
0xae: {  	[dreg:$0x2] =	wrdreg s24  }
0xaf: {  	[dreg:$0x3] =	wrdreg $0x9  }
0xb0: {  	_ =	task.clear_ibuf [dreg:s6], $0x4FFFF;
	_ =	strace $0x90000049  }
0xb1: {  	s29 =	simm.s32 $0x9;
	_ =	strace $0x8000004B  }
0xb2: {  	_ =	swait.ge [sflag:s29], $0x1  }
0xb3: {  	[sflag:s29] =	ssyncadd.s32 $0xFFFFFFFF  }
0xb4: {  	_ =	strace $0x9000004B  }
0xb5: {  	_ =	sfence  }
0xb6: {  	s30 =	sld [smem:$0x0];
	_ =	sdelay $0x2  }
0xb7: {  	s31 =	sshll.u32 s1, $0xD;
	s1 =	sshrl.u32 s1, $0x2  }
0xb8: {  	s3 =	sand.u32 $0x4000, s31;
	s1 =	sadd.s32 s1, s30  }
0xb9: {  	s0 =	sor.u32 s3, s0;
	s1 =	sshll.u32 s1, $0x11  }
0xba: {  	s0 =	sor.u32 s1, s0  }
0xbb: {  	s0 =	sadd.s32 $0x8F2B, s0  }
0xbc: {  	[sflag:s0] =	ssyncadd.remote.s32 $0x1  }
0xbd: {  	_ =	sfence.sel $0xFFFF  }
0xbe: {  	[dreg:$0x0] =	wrdreg $0xFFFFFFFF;
	(pc) =	sbr.abs _section_cstart, $3  }
0xbf: {  	[dreg:$0x1] =	wrdreg $0xFFFFFFFF  }
0xc0: {  	_ =	task.clear_ibuf [dreg:s6], $0x2FFFF;
	_ =	strace $0x9FFFFFFF  }
0xc1: {  	(tm) =	ssettm $0x7FFFFFFF  }
tec
execute0_lowered:
.L_overlay_start_1:
0x0: {  	(tag) =	ssettag $0x1  }
0x1: {  	s8 =	rddreg [dreg:$0x0];
	s1 =	stileid.u32  }
0x2: {  	s2 =	srdreg.scid;
	s0 =	rddreg [dreg:$0x1]  }
0x3: {  	_ =	strace $0x8000004A;
	s5 =	simm.s32 $0x1;
	s9 =	simm.s32 $0x1  }
0x4: {  	s10 =	simm.s32 $0x3;
	s2 =	sand.u32 $0x1, s2;
	s3 =	sshll.u32 s1, $0x1  }
0x5: {  	s13 =	simm.s32 $0x0;
	s12 =	simm.s32 $0x0;
	s6 =	sor.u32 s3, s2  }
0x6: {  	[sflag:s5] =	ssyncpa.u1 $0x0;
	s2 =	sadd.s32 $0x2C00, s8;
	s4 =	smul.u32 $0xA0, s6  }
0x7: {  	s3 =	sadd.s32 $0x3000, s8;
	p0 =	slt.u32 s6, $0x13;
	s6 =	simm.s32 $0x1400  }
.Ltmp0:
0x8: {  	s6 =	simm.s32 @!p0 $0x0;
	s7 =	ssub.s32 $0x1F40, s4;
	(pc) =	sbr.rel .LBB2_1-.Ltmp0, $4  }
0x9: {  	s9 =	simm.s32 @!p0 $0x0;
	p0 =	sne.s32 s7, s6;
	s7 =	simm.s32 $0x1  }
0xa: {  	s8 =	sadd.s32 $0x3A00, s8;
	s6 =	simm.s32 $0x2;
	s7 =	simm.s32 @!p0 $0x0  }
0xb: {  	s11 =	smov.u32 s4;
	[sflag:s6] =	ssyncpa.u1 $0x0;
	s7 =	sadd.s32 s9, s7  }
0xc: {  	vm0 =	vmmov $0xffff;
	[sflag:s10] =	ssyncpa.u1 $0x0;
	s10 =	simm.s32 $0x0;
	s9 =	sadd.s32 $0x1, s7  }
.LBB2_4:
0xd: {  	v5 =	vld.msk [tilespmem:s18+$0x0 ss:$0x1], $0xffff  }
0xe: {  	v6 =	vand.u32 $0x7, v1;
	v7 =	vshrl.u32 v1, $0x3  }
0xf: {  	v3 =	vor.u32 v4, v3;
	vm1 =	veq.s32 v1, $0x80000000;
	v53 =	vand.u32 $0x3FF, v7  }
0x10: {  	v2 =	vor.u32 v2, v3;
	v54 =	vsel vm1, $0xFFFFFFFF, v6;
	v1 =	vsel vm1, $0xFFFFFFFF, v53  }
0x11: {  	v6 =	vshll.u32 v54, $0x7;
	v3 =	vand.u32 $0xFFFFE000, v54;
	v55 =	vand.u32 $0x7F, v1  }
0x12: {  	v1 =	vshll.u32 v1, $0x3;
	v6 =	vand.u32 $0x380, v6;
	v56 =	vshrl.u32 v5, $0x3  }
0x13: {  	v1 =	vand.u32 $0xFFFFFC00, v1;
	vm1 =	veq.s32 v5, $0x80000000;
	v57 =	vand.u32 $0x3FF, v56  }
0x14: {  	v1 =	vadd.s32 v3, v1;
	v5 =	vand.u32 $0x7, v5;
	v3 =	vsel vm1, $0xFFFFFFFF, v57  }
0x15: {  	v1 =	vor.u32 v6, v1;
	v5 =	vsel vm1, $0xFFFFFFFF, v5;
	v58 =	vshll.u32 v3, $0x3  }
0x16: {  	v59 =	vshll.u32 v5, $0x7;
	v5 =	vand.u32 $0xFFFFE000, v5;
	v6 =	vand.u32 $0xFFFFFC00, v58  }
0x17: {  	v1 =	vor.u32 v55, v1;
	v61 =	vand.u32 $0x380, v59;
	v60 =	vadd.s32 v5, v6  }
0x18: {  	[tilespmem:s16], [sflag:$0x1] =	stream.indirect_vreg.gather [hbm4b:s2+s10], $0x1, v0, vm0, $0x4038;
	v62 =	vand.u32 $0x7F, v3;
	v63 =	vor.u32 v61, v60;
	[tilespmem:$0x280] =	vst v63  }
0x19: {  	(ifvalue) =	ssetifvalue $0x7FFFFFFF;
	v0 =	vor.u32 v62, v63  }
0x1a: {  	[tilespmem:s15], [sflag:$0x1] =	stream.indirect_vreg.gather [hbm4b:s2+s10], $0x1, v2, vm0, $0x4038;
	[tilespmem:$0x280] =	vst v63  }
0x1b: {  	s29 =	sadd.s32 $0x10, s15;
	(ifvalue) =	ssetifvalue $0x7FFFFFFF  }
0x1c: {  	[tilespmem:s29], [sflag:$0x1] =	stream.indirect_vreg.gather [hbm4b:s2+s10], $0x1, v1, vm0, $0x4038;
	[tilespmem:$0x280] =	vst v63  }
0x1d: {  	s15 =	sadd.s32 $0x10, s29;
	(ifvalue) =	ssetifvalue $0x7FFFFFFF  }
0x1e: {  	[tilespmem:s15], [sflag:$0x1] =	stream.indirect_vreg.gather [hbm4b:s2+s10], $0x1, v0, vm0, $0x4038;
	[tilespmem:$0x280] =	vst v63  }
0x1f: {  	_ =	swait.ge [sflag:s5], $0xA0  }
0x20: {  	s30 =	sshrl.u32 s13, $0x3;
	[sflag:s5] =	ssyncset.done $0x0  }
0x21: {  	s31 =	sand.u32 $0x7, s13;
	s15 =	sadd.s32 s8, s30;
	[sflag:s5] =	ssyncadd.s32 $0xFFFFFF60  }
0x22: {  	[hbm4b:s15+s31] =	stream.linear.scatter [tilespmem:s14], [sflag:$0x3], $0xA0, $0x38;
	[tilespmem:$0x280] =	vst v63  }
.LBB2_5:
0x23: {  	s15 =	sadd.s32 $0x1400, s11  }
0x24: {  	p1 =	sgt.s32 s15, $0x1F3F  }
0x25: {  	s15 =	smov.u32 @p1 s4;
	p1 =	sne.s32 s12, s9  }
.Ltmp1:
0x26: {  	p0 =	slt.u32 s12, $0x2;
	(pc) =	sbr.rel @!p1 .LBB2_6-.Ltmp1, $4  }
0x27: {  	s14 =	simm.s32 @!p0 $0x3  }
0x28: {  	_ =	swait.ge @!p0 [sflag:s14], $0xA0  }
0x29: {  	s16 =	sadd.s32 $0x1, s12;
	s13 =	smov.u32 s11;
	[sflag:s14] =	ssyncset.done @!p0 $0x0  }
0x2a: {  	s12 =	smov.u32 s16;
	s11 =	smov.u32 s15;
	[sflag:s14] =	ssyncadd.s32 @!p0 $0xFFFFFF60  }
.LBB2_1:
0x2b: {  	p0 =	sge.u32 s12, s7  }
0x2c: {  	s14 =	sxor.u32 @!p0 $0x1, s12  }
0x2d: {  	s14 =	smul.u32 @!p0 $0x280, s14  }
0x2e: {  	s31 =	sadd.s32 $0xFFFFFFFF, s12;
	s15 =	sshrl.u32 @!p0 s11, $0x3  }
0x2f: {  	s16 =	sand.u32 @!p0 $0x7, s11;
	s15 =	sadd.s32 @!p0 s3, s15;
	s14 =	sshra.s32 @!p0 s14, $0x2  }
0x30: {  	[tilespmem:s14], [sflag:$0x2] =	stream.linear.gather @!p0 [hbm4b:s15+s16], $0xA0, $0x38;
	[tilespmem:$0x280] =	vst v63  }
0x31: {  	p0 =	sge.u32 s31, s7  }
.Ltmp2:
0x32: {  	_ = 	snop;
	(pc) =	sbr.rel @p0 .LBB2_5-.Ltmp2, $1  }
0x33: {  	_ =	sdelay $0x3  }
0x34: {  	s14 =	sand.u32 $0x1, s12  }
0x35: {  	_ =	swait.ge [sflag:s6], $0xA0;
	p0 =	seq.s32 s14, $0x1;
	s14 =	simm.s32 $0xA0  }
0x36: {  	[sflag:s6] =	ssyncset.done $0x0;
	s14 =	simm.s32 @!p0 $0x0  }
0x37: {  	[sflag:s6] =	ssyncadd.s32 $0xFFFFFF60;
	(ifvalue) =	ssetifvalue $0x7FFFFFFF;
	v0 =	vld.msk [tilespmem:s14+$0x0 ss:$0x1], $0xffff;
	_ =	sdelay $0x4  }
0x38: {  	s15 =	sadd.s32 $0x10, s14;
	v2 =	vshrl.u32 v0, $0x3  }
0x39: {  	v1 =	vld.msk [tilespmem:s15+$0x0 ss:$0x1], $0xffff;
	vm1 =	veq.s32 v0, $0x80000000;
	v2 =	vand.u32 $0x3FF, v2  }
0x3a: {  	v0 =	vand.u32 $0x7, v0;
	v2 =	vsel vm1, $0xFFFFFFFF, v2  }
0x3b: {  	v0 =	vsel vm1, $0xFFFFFFFF, v0;
	v3 =	vshll.u32 v2, $0x3  }
0x3c: {  	v4 =	vand.u32 $0xFFFFE000, v0;
	v0 =	vshll.u32 v0, $0x7;
	v3 =	vand.u32 $0xFFFFFC00, v3  }
0x3d: {  	v0 =	vand.u32 $0x380, v0;
	v3 =	vadd.s32 v4, v3  }
0x3e: {  	v2 =	vand.u32 $0x7F, v2;
	v4 =	vshrl.u32 v1, $0x3;
	v0 =	vor.u32 v0, v3  }
0x3f: {  	vm1 =	veq.s32 v1, $0x80000000;
	v4 =	vand.u32 $0x3FF, v4;
	v0 =	vor.u32 v2, v0  }
0x40: {  	s15 =	sadd.s32 $0x10, s15;
	v1 =	vand.u32 $0x7, v1;
	v3 =	vsel vm1, $0xFFFFFFFF, v4  }
0x41: {  	s14 =	sor.u32 $0x140, s14;
	v2 =	vsel vm1, $0xFFFFFFFF, v1;
	v1 =	vld.msk [tilespmem:s15+$0x0 ss:$0x1], $0xffff;
	v4 =	vshll.u32 v3, $0x3  }
0x42: {  	s17 =	simm.s32 $0x30;
	s16 =	smov.u32 s14;
	v5 =	vshll.u32 v2, $0x7;
	v6 =	vand.u32 $0xFFFFE000, v2;
	v4 =	vand.u32 $0xFFFFFC00, v4  }
0x43: {  	s18 =	sadd.s32 $0x10, s15;
	(ifvalue) =	ssetifvalue $0x7FFFFFFF;
	s15 =	sadd.s32 $0x10, s14;
	v2 =	vand.u32 $0x7F, v3;
	v3 =	vadd.s32 v6, v4;
	v4 =	vand.u32 $0x380, v5  }
.LBB2_3:
0x44: {  	[tilespmem:s16], [sflag:$0x1] =	stream.indirect_vreg.gather [hbm4b:s2+s10], $0x1, v0, vm0, $0x4038;
	[tilespmem:$0x280] =	vst v63  }
0x45: {  	s17 =	sadd.s32 $0x10, s17  }
0x46: {  	v5 =	vand.u32 $0x7, v1;
	v6 =	vshrl.u32 v1, $0x3;
	v3 =	vor.u32 v4, v3;
	v0 =	vmovc v1;
	v1 =	vld.msk [tilespmem:s18+$0x0 ss:$0x1], $0xffff;
	p0 =	slt.u32 s17, $0x90  }
.Ltmp3:
0x47: {  	s16 =	smov.u32 s15;
	vm1 =	veq.s32 v0, $0x80000000;
	v4 =	vand.u32 $0x3FF, v6;
	v0 =	vor.u32 v2, v3;
	(pc) =	sbr.rel @p0 .LBB2_3-.Ltmp3, $4  }
0x48: {  	v3 =	vsel vm1, $0xFFFFFFFF, v5;
	v4 =	vsel vm1, $0xFFFFFFFF, v4  }
0x49: {  	v2 =	vand.u32 $0x7F, v4;
	v4 =	vshll.u32 v4, $0x3;
	v5 =	vshll.u32 v3, $0x7  }
0x4a: {  	v3 =	vand.u32 $0xFFFFE000, v3;
	v4 =	vand.u32 $0xFFFFFC00, v4  }
0x4b: {  	s18 =	sadd.s32 $0x10, s18;
	s15 =	sadd.s32 $0x10, s15;
	v3 =	vadd.s32 v3, v4;
	v4 =	vand.u32 $0x380, v5;
	(ifvalue) =	ssetifvalue $0x7FFFFFFF  }
.Ltmp4:
0x4c: {  	_ = 	snop;
	(pc) =	sbr.rel .LBB2_4-.Ltmp4, $1  }
0x4d: {  	_ =	sdelay $0x3  }
.LBB2_6:
0x4e: {  	_ =	sfence.sel $0x180000  }
0x4f: {  	s2 =	simm.s32 $0x2;
	[bflag:$0x0] =	sbarrier.arrive $0xFFFF  }
0x50: {  	s30 =	simm.s32 $0x3;
	[sflag:s2] =	ssyncpa.u1 $0x1  }
0x51: {  	s31 =	simm.s32 $0x1;
	[sflag:s30] =	ssyncpa.u1 $0x1  }
0x52: {  	[sflag:s31] =	ssyncpa.u1 $0x1  }
0x53: {  	p0 =	sne.s32 s1, $0x0;
	_ =	strace $0x9000004A  }
0x54: {  	s0 =	sadd.s32 @!p0 $0x100000, s0;
	[bflag:$0x2] =	sbarrier.arrive $0xFFFF  }
0x55: {  	[sflag:s0] =	ssyncadd.tile.s32 @!p0 $0x1;
	_ =	shalt  }
.Lfunc_end2:
_tile_overlayer_lowered:
.L_overlay_start_2:
0x56: {  	(tag) =	ssettag $0x2  }
0x57: {  	s0 =	rddreg [dreg:$0x0];
	s2 =	stileid.u32  }
0x58: {  	s1 =	rddreg [dreg:$0x1];
	p0 =	sne.s32 s2, $0x0  }
0x59: {  	s3 =	rddreg [dreg:$0x2];
	[bflag:$0x3] =	sbarrier.arrive $0xFFFF;
	s2 =	simm.s32 @!p0 $0x1C01  }
0x5a: {  	[timem:s3], [sflag:s2] =	dma.local @!p0 [hbm:s0], s1  }
0x5b: {  	s0 =	simm.s32 @!p0 $0x1  }
0x5c: {  	_ =	swait.ge @!p0 [sflag:s0], s1  }
0x5d: {  	s1 =	ssub.s32 @!p0 $0x0, s1;
	[sflag:s0] =	ssyncset.done @!p0 $0x0  }
0x5e: {  	[sflag:s0] =	ssyncadd.s32 @!p0 s1  }
0x5f: {  	[bflag:$0x3] =	sbarrier.arrive $0xFFFF  }
0x60: {  	_ =	shalt  }

</sc_bundles>
